<compile_context>
chip_gen: v7x
topology: tpu7x:2x2x1
jax: 0.10.2.dev20260603
libtpu: 0.0.44.dev20260713+nightly
codegen_flags: <defaults>
</compile_context>

<pallas_src>
import functools

import jax
import jax.numpy as jnp
from jax import lax
from jax.experimental import pallas as pl
from jax.experimental.pallas import tpu as pltpu
from jax.experimental.pallas import tpu_sc as plsc

N = 10000
E = 320000
D = 128
G = 64

NC, NS = 2, 16
NW = NC * NS

CH = 128
EPT = 10112
NCH = EPT // CH
EPAD = NW * EPT

NP = 12800
RPT = NP // NS

NBP = 12288
BPT = NBP // NW
GP = 128

BM = 400
NB = N // BM

_mesh = plsc.VectorSubcoreMesh(
    core_axis_name="c", subcore_axis_name="s", num_cores=NC, num_subcores=NS)



def _deg_body(dst_hbm, batch_hbm, ones_hbm, zeros_hbm,
              degp_hbm, cntp_hbm, idx0, idx1, ones_v, dacc, cacc, d0, d1):
    cid = lax.axis_index("c")
    sid = lax.axis_index("s")
    w = cid * NS + sid
    pltpu.sync_copy(ones_hbm, ones_v)
    pltpu.sync_copy(zeros_hbm.at[pl.ds(sid * RPT, RPT)],
                    dacc.at[pl.ds(sid * RPT, RPT)])
    pltpu.sync_copy(zeros_hbm.at[pl.ds(sid * 8, 8)],
                    cacc.at[pl.ds(sid * 8, 8)])
    plsc.subcore_barrier()

    idxd = (idx0, idx1)
    sems = (d0, d1)
    pltpu.async_copy(dst_hbm.at[pl.ds(w * NCH * CH, CH)], idx0, d0)

    @pl.loop(0, NCH, step=2)
    def _(c0):
        for b in range(2):
            c = c0 + b
            nxt = c + 1
            o = 1 - b

            @pl.when(c < NCH)
            def _():
                @pl.when(nxt < NCH)
                def _():
                    pltpu.async_copy(
                        dst_hbm.at[pl.ds((w * NCH + nxt) * CH, CH)],
                        idxd[o], sems[o])

                pltpu.make_async_copy(
                    dst_hbm.at[pl.ds((w * NCH + c) * CH, CH)],
                    idxd[b], sems[b]).wait()
                pltpu.sync_copy(ones_v, dacc.at[idxd[b]], add=True)

    def node_chunk(c, carry):
        off = w * BPT + c * CH
        pltpu.sync_copy(batch_hbm.at[pl.ds(off, CH)], idx0)
        pltpu.sync_copy(ones_v, cacc.at[idx0], add=True)
        return carry
    lax.fori_loop(0, BPT // CH, node_chunk, 0)

    plsc.subcore_barrier()
    pltpu.sync_copy(dacc.at[pl.ds(sid * RPT, RPT)],
                    degp_hbm.at[pl.ds(cid * NP + sid * RPT, RPT)])
    pltpu.sync_copy(cacc.at[pl.ds(sid * 8, 8)],
                    cntp_hbm.at[pl.ds(cid * GP + sid * 8, 8)])


_sc_degree = functools.partial(
    pl.kernel, _deg_body,
    out_type=(jax.ShapeDtypeStruct((NC * NP, D), jnp.float32),
              jax.ShapeDtypeStruct((NC * GP, D), jnp.float32)),
    mesh=_mesh,
    scratch_types=[
        pltpu.VMEM((CH,), jnp.int32),
        pltpu.VMEM((CH,), jnp.int32),
        pltpu.VMEM((CH, D), jnp.float32),
        pltpu.VMEM_SHARED((NP, D), jnp.float32),
        pltpu.VMEM_SHARED((GP, D), jnp.float32),
        pltpu.SemaphoreType.DMA,
        pltpu.SemaphoreType.DMA,
    ],
)()


def _agg_body(u_hbm, src_hbm, dst_hbm, zeros_hbm,
              part_hbm, idx_s, idx_d, rows, acc, sem):
    cid = lax.axis_index("c")
    sid = lax.axis_index("s")
    w = cid * NS + sid
    pltpu.sync_copy(zeros_hbm.at[pl.ds(sid * RPT, RPT)],
                    acc.at[pl.ds(sid * RPT, RPT)])
    plsc.subcore_barrier()

    def chunk(c, carry):
        off = (w * NCH + c) * CH
        pltpu.sync_copy(src_hbm.at[pl.ds(off, CH)], idx_s)
        pltpu.sync_copy(dst_hbm.at[pl.ds(off, CH)], idx_d)
        pltpu.async_copy(u_hbm.at[idx_s], rows, sem).wait()
        pltpu.sync_copy(rows, acc.at[idx_d], add=True)
        return carry
    lax.fori_loop(0, NCH, chunk, 0)

    plsc.subcore_barrier()
    pltpu.sync_copy(acc.at[pl.ds(sid * RPT, RPT)],
                    part_hbm.at[pl.ds(cid * NP + sid * RPT, RPT)])


_sc_aggregate = functools.partial(
    pl.kernel, _agg_body,
    out_type=jax.ShapeDtypeStruct((NC * NP, D), jnp.float32),
    mesh=_mesh,
    scratch_types=[
        pltpu.VMEM((CH,), jnp.int32),
        pltpu.VMEM((CH,), jnp.int32),
        pltpu.VMEM((CH, D), jnp.float32),
        pltpu.VMEM_SHARED((NP, D), jnp.float32),
        pltpu.SemaphoreType.DMA,
    ],
)()


def _pool_body(x_hbm, rid_hbm, batch_hbm, zeros_hbm,
               part_hbm, idx_s, idx_d, rows, acc, sem):
    cid = lax.axis_index("c")
    sid = lax.axis_index("s")
    w = cid * NS + sid
    pltpu.sync_copy(zeros_hbm.at[pl.ds(sid * 8, 8)],
                    acc.at[pl.ds(sid * 8, 8)])
    plsc.subcore_barrier()

    def chunk(c, carry):
        off = w * BPT + c * CH
        pltpu.sync_copy(rid_hbm.at[pl.ds(off, CH)], idx_s)
        pltpu.sync_copy(batch_hbm.at[pl.ds(off, CH)], idx_d)
        pltpu.async_copy(x_hbm.at[idx_s], rows, sem).wait()
        pltpu.sync_copy(rows, acc.at[idx_d], add=True)
        return carry
    lax.fori_loop(0, BPT // CH, chunk, 0)

    plsc.subcore_barrier()
    pltpu.sync_copy(acc.at[pl.ds(sid * 8, 8)],
                    part_hbm.at[pl.ds(cid * GP + sid * 8, 8)])


_sc_pool = functools.partial(
    pl.kernel, _pool_body,
    out_type=jax.ShapeDtypeStruct((NC * GP, D), jnp.float32),
    mesh=_mesh,
    scratch_types=[
        pltpu.VMEM((CH,), jnp.int32),
        pltpu.VMEM((CH,), jnp.int32),
        pltpu.VMEM((CH, D), jnp.float32),
        pltpu.VMEM_SHARED((GP, D), jnp.float32),
        pltpu.SemaphoreType.DMA,
    ],
)()



def _b_body(x_ref, w_ref, d0_ref, d1_ref, dinv_ref, u_ref):
    deg = d0_ref[:, 0:1] + d1_ref[:, 0:1] + 1.0
    dinv = lax.rsqrt(jnp.maximum(deg, 1e-12))
    dinv_ref[...] = dinv
    h = jnp.dot(x_ref[...], w_ref[...], preferred_element_type=jnp.float32)
    u_ref[...] = h * dinv


_tc_prep = pl.pallas_call(
    _b_body,
    grid=(NB,),
    in_specs=[
        pl.BlockSpec((BM, D), lambda i: (i, 0)),
        pl.BlockSpec((D, D), lambda i: (0, 0)),
        pl.BlockSpec((BM, D), lambda i: (i, 0)),
        pl.BlockSpec((BM, D), lambda i: (i + NP // BM, 0)),
    ],
    out_specs=[
        pl.BlockSpec((BM, 1), lambda i: (i, 0)),
        pl.BlockSpec((BM, D), lambda i: (i, 0)),
    ],
    out_shape=[
        jax.ShapeDtypeStruct((N, 1), jnp.float32),
        jax.ShapeDtypeStruct((N, D), jnp.float32),
    ],
)


def _d1_body(p0_ref, p1_ref, u_ref, dinv_ref, b_ref, y_ref, st_ref):
    y = jnp.maximum(
        dinv_ref[...] * (p0_ref[...] + p1_ref[...] + u_ref[...]) + b_ref[...],
        0.0)
    y_ref[...] = y

    @pl.when(pl.program_id(0) == 0)
    def _():
        st_ref[...] = jnp.zeros_like(st_ref)
    st_ref[0:1, :] += jnp.sum(y, axis=0, keepdims=True)
    st_ref[1:2, :] += jnp.sum(y * y, axis=0, keepdims=True)


_tc_conv_out = pl.pallas_call(
    _d1_body,
    grid=(NB,),
    in_specs=[
        pl.BlockSpec((BM, D), lambda i: (i, 0)),
        pl.BlockSpec((BM, D), lambda i: (i + NP // BM, 0)),
        pl.BlockSpec((BM, D), lambda i: (i, 0)),
        pl.BlockSpec((BM, 1), lambda i: (i, 0)),
        pl.BlockSpec((1, D), lambda i: (0, 0)),
    ],
    out_specs=[
        pl.BlockSpec((BM, D), lambda i: (i, 0)),
        pl.BlockSpec((8, D), lambda i: (0, 0)),
    ],
    out_shape=[
        jax.ShapeDtypeStruct((N, D), jnp.float32),
        jax.ShapeDtypeStruct((8, D), jnp.float32),
    ],
)


def _make_bn_apply(residual, matmul):
    def body(*refs):
        it = iter(refs)
        y_ref = next(it)
        st_ref = next(it)
        g_ref = next(it)
        be_ref = next(it)
        r_ref = next(it) if residual else None
        if matmul:
            dinv_ref = next(it)
            w_ref = next(it)
        x_ref = next(it)
        u_ref = next(it) if matmul else None

        mean = st_ref[0:1, :] * (1.0 / N)
        var = st_ref[1:2, :] * (1.0 / N) - mean * mean
        rstd = lax.rsqrt(var + 1e-5)
        xl = (y_ref[...] - mean) * rstd * g_ref[...] + be_ref[...]
        if residual:
            xl = xl + r_ref[...]
        x_ref[...] = xl
        if matmul:
            h = jnp.dot(xl, w_ref[...], preferred_element_type=jnp.float32)
            u_ref[...] = h * dinv_ref[...]

    in_specs = [
        pl.BlockSpec((BM, D), lambda i: (i, 0)),
        pl.BlockSpec((8, D), lambda i: (0, 0)),
        pl.BlockSpec((1, D), lambda i: (0, 0)),
        pl.BlockSpec((1, D), lambda i: (0, 0)),
    ]
    if residual:
        in_specs.append(pl.BlockSpec((BM, D), lambda i: (i, 0)))
    if matmul:
        in_specs.append(pl.BlockSpec((BM, 1), lambda i: (i, 0)))
        in_specs.append(pl.BlockSpec((D, D), lambda i: (0, 0)))
    out_specs = [pl.BlockSpec((BM, D), lambda i: (i, 0))]
    out_shape = [jax.ShapeDtypeStruct((N, D), jnp.float32)]
    if matmul:
        out_specs.append(pl.BlockSpec((BM, D), lambda i: (i, 0)))
        out_shape.append(jax.ShapeDtypeStruct((N, D), jnp.float32))
    return pl.pallas_call(body, grid=(NB,), in_specs=in_specs,
                          out_specs=out_specs, out_shape=out_shape)


_tc_bn_mm = _make_bn_apply(residual=False, matmul=True)
_tc_bn_res_mm = _make_bn_apply(residual=True, matmul=True)
_tc_bn_res = _make_bn_apply(residual=True, matmul=False)


def _head_body(s0_ref, s1_ref, c0_ref, c1_ref, lw1_ref, lb1_ref,
               lw2_ref, lb2_ref, out_ref):
    cnt = c0_ref[:, 0:1] + c1_ref[:, 0:1]
    pooled = (s0_ref[...] + s1_ref[...]) / jnp.maximum(cnt, 1.0)
    h = jnp.maximum(
        jnp.dot(pooled, lw1_ref[...], preferred_element_type=jnp.float32)
        + lb1_ref[...], 0.0)
    out_ref[...] = (
        jnp.dot(h, lw2_ref[...], preferred_element_type=jnp.float32)
        + lb2_ref[...])


_tc_head = pl.pallas_call(
    _head_body,
    grid=(1,),
    in_specs=[
        pl.BlockSpec((G, D), lambda i: (0, 0)),
        pl.BlockSpec((G, D), lambda i: (GP // G, 0)),
        pl.BlockSpec((G, D), lambda i: (0, 0)),
        pl.BlockSpec((G, D), lambda i: (GP // G, 0)),
        pl.BlockSpec((D, D), lambda i: (0, 0)),
        pl.BlockSpec((1, D), lambda i: (0, 0)),
        pl.BlockSpec((D, 1), lambda i: (0, 0)),
        pl.BlockSpec((1, 1), lambda i: (0, 0)),
    ],
    out_specs=pl.BlockSpec((G, 1), lambda i: (0, 0)),
    out_shape=jax.ShapeDtypeStruct((G, 1), jnp.float32),
)



def kernel(x, edge_index, batch, W1, b1, W2, b2, W3, b3,
           g1, be1, g2, be2, g3, be3, lw1, lb1, lw2, lb2):
    src = edge_index[0]
    dst = edge_index[1]
    pad_e = EPAD - E
    src_pad = jnp.concatenate([src, jnp.zeros((pad_e,), jnp.int32)])
    dst_pad = jnp.concatenate([dst, jnp.full((pad_e,), N, jnp.int32)])
    batch_pad = jnp.concatenate([batch, jnp.full((NBP - N,), G, jnp.int32)])
    rowids = jnp.concatenate([jnp.arange(N, dtype=jnp.int32),
                              jnp.zeros((NBP - N,), jnp.int32)])
    zeros128 = jnp.zeros((NP, D), jnp.float32)
    ones128 = jnp.ones((CH, D), jnp.float32)

    b1r, b2r, b3r = (v.reshape(1, D) for v in (b1, b2, b3))
    g1r, g2r, g3r = (v.reshape(1, D) for v in (g1, g2, g3))
    be1r, be2r, be3r = (v.reshape(1, D) for v in (be1, be2, be3))
    lb1r = lb1.reshape(1, D)
    lb2r = lb2.reshape(1, 1)

    degp, cntp = _sc_degree(dst_pad, batch_pad, ones128, zeros128)
    dinv, u1 = _tc_prep(x, W1, degp, degp)

    p1 = _sc_aggregate(u1, src_pad, dst_pad, zeros128)
    y1, st1 = _tc_conv_out(p1, p1, u1, dinv, b1r)
    x1, u2 = _tc_bn_mm(y1, st1, g1r, be1r, dinv, W2)

    p2 = _sc_aggregate(u2, src_pad, dst_pad, zeros128)
    y2, st2 = _tc_conv_out(p2, p2, u2, dinv, b2r)
    x2, u3 = _tc_bn_res_mm(y2, st2, g2r, be2r, x1, dinv, W3)

    p3 = _sc_aggregate(u3, src_pad, dst_pad, zeros128)
    y3, st3 = _tc_conv_out(p3, p3, u3, dinv, b3r)
    (x3,) = _tc_bn_res(y3, st3, g3r, be3r, x2)

    poolp = _sc_pool(x3, rowids, batch_pad, zeros128)
    return _tc_head(poolp, poolp, cntp, cntp, lw1, lb1r, lw2, lb2r)

# --- scband reference (transcript-rebuilt; emitter-appended) ---
"""Pipeline reference for scband-gnn-89687507076125 (READ-ONLY COPY).

The authoritative reference and input builder live on the scoring server;
editing this copy changes nothing except your own understanding.
"""

import jax, jax.numpy as jnp
import numpy as np

N = 10000
E = 320000
D = 128
H = 128
G = 64
OUT = 1


def setup_inputs(seed: int = 0) -> dict:
    key = jax.random.key(seed)
    ks = jax.random.split(key, 24)
    inp = {}
    inp['x'] = jax.random.normal(ks[0], (N, D), dtype=jnp.float32)
    inp['edge_index'] = jax.random.randint(ks[1], (2, E), 0, N, dtype=jnp.int32)
    inp['batch'] = jnp.sort(jax.random.randint(ks[2], (N,), 0, G, dtype=jnp.int32))
    # GCNConv weights
    inp['W1'] = jax.random.normal(ks[3], (D, H), dtype=jnp.float32) * 0.05
    inp['b1'] = jnp.zeros((H,), dtype=jnp.float32)
    inp['W2'] = jax.random.normal(ks[4], (H, H), dtype=jnp.float32) * 0.05
    inp['b2'] = jnp.zeros((H,), dtype=jnp.float32)
    inp['W3'] = jax.random.normal(ks[5], (H, H), dtype=jnp.float32) * 0.05
    inp['b3'] = jnp.zeros((H,), dtype=jnp.float32)
    # BatchNorm affine params
    inp['g1'] = jnp.ones((H,), dtype=jnp.float32)
    inp['be1'] = jnp.zeros((H,), dtype=jnp.float32)
    inp['g2'] = jnp.ones((H,), dtype=jnp.float32)
    inp['be2'] = jnp.zeros((H,), dtype=jnp.float32)
    inp['g3'] = jnp.ones((H,), dtype=jnp.float32)
    inp['be3'] = jnp.zeros((H,), dtype=jnp.float32)
    # Final linear layers
    inp['lw1'] = jax.random.normal(ks[6], (H, H), dtype=jnp.float32) * 0.05
    inp['lb1'] = jnp.zeros((H,), dtype=jnp.float32)
    inp['lw2'] = jax.random.normal(ks[7], (H, OUT), dtype=jnp.float32) * 0.05
    inp['lb2'] = jnp.zeros((OUT,), dtype=jnp.float32)
    return inp


def gcn_conv(x, edge_index, W, b):
    n = x.shape[0]
    src = edge_index[0]
    dst = edge_index[1]
    loop = jnp.arange(n, dtype=src.dtype)
    src = jnp.concatenate([src, loop])
    dst = jnp.concatenate([dst, loop])
    ones = jnp.ones(src.shape[0], dtype=x.dtype)
    deg = jax.ops.segment_sum(ones, dst, num_segments=n)
    dinv = jax.lax.rsqrt(jnp.maximum(deg, 1e-12))
    norm = dinv[src] * dinv[dst]
    h = x @ W
    msg = h[src] * norm[:, None]
    out = jax.ops.segment_sum(msg, dst, num_segments=n)
    return out + b


def batch_norm(x, gamma, beta, eps=1e-5):
    mean = jnp.mean(x, axis=0)
    var = jnp.var(x, axis=0)
    return (x - mean) * jax.lax.rsqrt(var + eps) * gamma + beta


def reference(x, edge_index, batch, W1, b1, W2, b2, W3, b3, g1, be1, g2, be2, g3, be3, lw1, lb1, lw2, lb2):
    x1 = jax.nn.relu(gcn_conv(x, edge_index, W1, b1))
    x1 = batch_norm(x1, g1, be1)
    x2 = jax.nn.relu(gcn_conv(x1, edge_index, W2, b2))
    x2 = batch_norm(x2, g2, be2)
    x2 = x1 + x2
    x3 = jax.nn.relu(gcn_conv(x2, edge_index, W3, b3))
    x3 = batch_norm(x3, g3, be3)
    x3 = x2 + x3
    sums = jax.ops.segment_sum(x3, batch, num_segments=G)
    counts = jax.ops.segment_sum(jnp.ones(x3.shape[0], dtype=x3.dtype), batch, num_segments=G)
    pooled = sums / jnp.maximum(counts, 1.0)[:, None]
    h = jax.nn.relu(pooled @ lw1 + lb1)
    # dropout p=0.2 treated as identity (eval mode)
    out = h @ lw2 + lb2
    return out

if __name__ == "__main__":
    import jax
    _d = setup_inputs()
    print(jax.jit(kernel)(*tuple(_d.values())))

</pallas_src>

<mosaic_0001>
#map = affine_map<(d0, d1) -> (0, 0)>
#map1 = affine_map<(d0, d1) -> (0)>
module attributes {stable_mosaic.version = 14 : i64} {
  func.func @_agg_body(%arg0: i32, %arg1: i32, %arg2: memref<10000x128xf32, #tpu.memory_space<hbm>>, %arg3: memref<323584xi32, #tpu.memory_space<hbm>>, %arg4: memref<323584xi32, #tpu.memory_space<hbm>>, %arg5: memref<12800x128xf32, #tpu.memory_space<hbm>>, %arg6: memref<25600x128xf32, #tpu.memory_space<hbm>>, %arg7: memref<128xi32, #tpu.memory_space<vmem>>, %arg8: memref<128xi32, #tpu.memory_space<vmem>>, %arg9: memref<128x128xf32, #tpu.memory_space<vmem>>, %arg10: memref<12800x128xf32, #tpu.memory_space<vmem_shared>>, %arg11: memref<!tpu.dma_semaphore, #tpu.memory_space<semaphore_mem>>) attributes {dimension_semantics = [#tpu.dimension_semantics<core_parallel>, #tpu.dimension_semantics<subcore_parallel>], iteration_bounds = array<i64: 2, 16>, scalar_prefetch = 0 : i64, scratch_operands = 5 : i64, tpu.core_type = #tpu.core_type<sc_vector_subcore>, window_params = [{transform_indices = #map}, {transform_indices = #map1}, {transform_indices = #map1}, {transform_indices = #map}, {transform_indices = #map}]} {
    %mul3A = arith.constant 16 : i32
    %mul3A_0 = arith.muli %arg0, %mul3A : i32
    %add3A = arith.addi %mul3A_0, %arg1 : i32
    %mul3A_1 = arith.constant 800 : i32
    %mul3A_2 = arith.muli %arg1, %mul3A_1 : i32
    %mul3A_3 = arith.constant 800 : i32
    %mul3A_4 = arith.muli %arg1, %mul3A_3 : i32
    "tpu.region"() ({
      %run_scoped3A = tpu.sem_alloc : memref<!tpu.dma_semaphore, #tpu.memory_space<semaphore_mem>>
      %dma_start3A = arith.constant 0 : i32
      %dma_start3A_18 = tpu.memref_slice %arg10[%mul3A_4, %dma_start3A] : memref<12800x128xf32, #tpu.memory_space<vmem_shared>> -> memref<800x128xf32, #tpu.memory_space<vmem_shared>>
      %dma_start3A_19 = arith.constant 0 : i32
      %dma_start3A_20 = tpu.memref_slice %arg5[%mul3A_2, %dma_start3A_19] : memref<12800x128xf32, #tpu.memory_space<hbm>> -> memref<800x128xf32, #tpu.memory_space<hbm>>
      tpu.enqueue_dma source(%dma_start3A_20 : memref<800x128xf32, #tpu.memory_space<hbm>>) target(%dma_start3A_18 : memref<800x128xf32, #tpu.memory_space<vmem_shared>>) target_semaphore(%run_scoped3A : memref<!tpu.dma_semaphore, #tpu.memory_space<semaphore_mem>>)
      %dma_wait3A = arith.constant 0 : i32
      %dma_wait3A_21 = tpu.memref_slice %arg10[%mul3A_4, %dma_wait3A] : memref<12800x128xf32, #tpu.memory_space<vmem_shared>> -> memref<800x128xf32, #tpu.memory_space<vmem_shared>>
      %dma_wait3A_22 = arith.constant 0 : i32
      %dma_wait3A_23 = tpu.memref_slice %arg5[%mul3A_2, %dma_wait3A_22] : memref<12800x128xf32, #tpu.memory_space<hbm>> -> memref<800x128xf32, #tpu.memory_space<hbm>>
      tpu.wait_dma2 semaphore(%run_scoped3A : memref<!tpu.dma_semaphore, #tpu.memory_space<semaphore_mem>>) src(%dma_wait3A_23 : memref<800x128xf32, #tpu.memory_space<hbm>>) dst(%dma_wait3A_21 : memref<800x128xf32, #tpu.memory_space<vmem_shared>>)
      tpu.yield
    }) : () -> ()
    %barrier3A = arith.constant 0 : index
    tpu.barrier barrier_id(%barrier3A)
    %scan3A = arith.constant 0 : i32
    %scan3A_5 = arith.constant 0 : i32
    %scan3A_6 = arith.constant 79 : i32
    %scan3A_7 = arith.addi %scan3A_5, %scan3A_6 : i32
    %scan3A_8 = arith.constant 1 : i32
    scf.for %scan3A_18 = %scan3A_5 to %scan3A_7 step %scan3A_8  : i32 {
      %mul3A_19 = arith.constant 79 : i32
      %mul3A_20 = arith.muli %add3A, %mul3A_19 : i32
      %add3A_21 = arith.addi %mul3A_20, %scan3A_18 : i32
      %mul3A_22 = arith.constant 128 : i32
      %mul3A_23 = arith.muli %add3A_21, %mul3A_22 : i32
      "tpu.region"() ({
        %run_scoped3A = tpu.sem_alloc : memref<!tpu.dma_semaphore, #tpu.memory_space<semaphore_mem>>
        %dma_start3A_28 = tpu.memref_slice %arg3[%mul3A_23] : memref<323584xi32, #tpu.memory_space<hbm>> -> memref<128xi32, #tpu.memory_space<hbm>>
        %dma_start3A_29 = tpu.memref_slice %arg3[%mul3A_23] : memref<323584xi32, #tpu.memory_space<hbm>> -> memref<128xi32, #tpu.memory_space<hbm>>
        tpu.enqueue_dma source(%dma_start3A_29 : memref<128xi32, #tpu.memory_space<hbm>>) target(%arg7 : memref<128xi32, #tpu.memory_space<vmem>>) target_semaphore(%run_scoped3A : memref<!tpu.dma_semaphore, #tpu.memory_space<semaphore_mem>>)
        %dma_wait3A_30 = tpu.memref_slice %arg3[%mul3A_23] : memref<323584xi32, #tpu.memory_space<hbm>> -> memref<128xi32, #tpu.memory_space<hbm>>
        %dma_wait3A_31 = tpu.memref_slice %arg3[%mul3A_23] : memref<323584xi32, #tpu.memory_space<hbm>> -> memref<128xi32, #tpu.memory_space<hbm>>
        tpu.wait_dma2 semaphore(%run_scoped3A : memref<!tpu.dma_semaphore, #tpu.memory_space<semaphore_mem>>) src(%dma_wait3A_31 : memref<128xi32, #tpu.memory_space<hbm>>) dst(%arg7 : memref<128xi32, #tpu.memory_space<vmem>>)
        tpu.yield
      }) : () -> ()
      "tpu.region"() ({
        %run_scoped3A = tpu.sem_alloc : memref<!tpu.dma_semaphore, #tpu.memory_space<semaphore_mem>>
        %dma_start3A_28 = tpu.memref_slice %arg4[%mul3A_23] : memref<323584xi32, #tpu.memory_space<hbm>> -> memref<128xi32, #tpu.memory_space<hbm>>
        %dma_start3A_29 = tpu.memref_slice %arg4[%mul3A_23] : memref<323584xi32, #tpu.memory_space<hbm>> -> memref<128xi32, #tpu.memory_space<hbm>>
        tpu.enqueue_dma source(%dma_start3A_29 : memref<128xi32, #tpu.memory_space<hbm>>) target(%arg8 : memref<128xi32, #tpu.memory_space<vmem>>) target_semaphore(%run_scoped3A : memref<!tpu.dma_semaphore, #tpu.memory_space<semaphore_mem>>)
        %dma_wait3A_30 = tpu.memref_slice %arg4[%mul3A_23] : memref<323584xi32, #tpu.memory_space<hbm>> -> memref<128xi32, #tpu.memory_space<hbm>>
        %dma_wait3A_31 = tpu.memref_slice %arg4[%mul3A_23] : memref<323584xi32, #tpu.memory_space<hbm>> -> memref<128xi32, #tpu.memory_space<hbm>>
        tpu.wait_dma2 semaphore(%run_scoped3A : memref<!tpu.dma_semaphore, #tpu.memory_space<semaphore_mem>>) src(%dma_wait3A_31 : memref<128xi32, #tpu.memory_space<hbm>>) dst(%arg8 : memref<128xi32, #tpu.memory_space<vmem>>)
        tpu.yield
      }) : () -> ()
      %dma_start3A = arith.constant 0 : i32
      %dma_start3A_24 = arith.constant 0 : i32
      %dma_start3A_25 = tpu.memref_slice %arg2[%dma_start3A, %dma_start3A_24] : memref<10000x128xf32, #tpu.memory_space<hbm>> -> memref<10000x128xf32, #tpu.memory_space<hbm>>
      tpu.enqueue_indirect_dma source(%dma_start3A_25 : memref<10000x128xf32, #tpu.memory_space<hbm>>) target(%arg9 : memref<128x128xf32, #tpu.memory_space<vmem>>) offsets(%arg7 : memref<128xi32, #tpu.memory_space<vmem>>) semaphore(%arg11 : memref<!tpu.dma_semaphore, #tpu.memory_space<semaphore_mem>>)
      %dma_wait3A = arith.constant 0 : i32
      %dma_wait3A_26 = arith.constant 0 : i32
      %dma_wait3A_27 = tpu.memref_slice %arg2[%dma_wait3A, %dma_wait3A_26] : memref<10000x128xf32, #tpu.memory_space<hbm>> -> memref<10000x128xf32, #tpu.memory_space<hbm>>
      tpu.wait_indirect_dma semaphore(%arg11 : memref<!tpu.dma_semaphore, #tpu.memory_space<semaphore_mem>>) src(%dma_wait3A_27 : memref<10000x128xf32, #tpu.memory_space<hbm>>) dst(%arg9 : memref<128x128xf32, #tpu.memory_space<vmem>>)
      "tpu.region"() ({
        %run_scoped3A = tpu.sem_alloc : memref<!tpu.dma_semaphore, #tpu.memory_space<semaphore_mem>>
        %dma_start3A_28 = arith.constant 0 : i32
        %dma_start3A_29 = arith.constant 0 : i32
        %dma_start3A_30 = tpu.memref_slice %arg10[%dma_start3A_28, %dma_start3A_29] : memref<12800x128xf32, #tpu.memory_space<vmem_shared>> -> memref<12800x128xf32, #tpu.memory_space<vmem_shared>>
        tpu.enqueue_indirect_dma source(%arg9 : memref<128x128xf32, #tpu.memory_space<vmem>>) target(%dma_start3A_30 : memref<12800x128xf32, #tpu.memory_space<vmem_shared>>) offsets(%arg8 : memref<128xi32, #tpu.memory_space<vmem>>) semaphore(%run_scoped3A : memref<!tpu.dma_semaphore, #tpu.memory_space<semaphore_mem>>) {add = true}
        %dma_wait3A_31 = arith.constant 0 : i32
        %dma_wait3A_32 = arith.constant 0 : i32
        %dma_wait3A_33 = tpu.memref_slice %arg10[%dma_wait3A_31, %dma_wait3A_32] : memref<12800x128xf32, #tpu.memory_space<vmem_shared>> -> memref<12800x128xf32, #tpu.memory_space<vmem_shared>>
        tpu.wait_indirect_dma semaphore(%run_scoped3A : memref<!tpu.dma_semaphore, #tpu.memory_space<semaphore_mem>>) src(%arg9 : memref<128x128xf32, #tpu.memory_space<vmem>>) dst(%dma_wait3A_33 : memref<12800x128xf32, #tpu.memory_space<vmem_shared>>)
        tpu.yield
      }) : () -> ()
    }
    %scan3A_9 = arith.constant 79 : i32
    %barrier3A_10 = arith.constant 0 : index
    tpu.barrier barrier_id(%barrier3A_10)
    %mul3A_11 = arith.constant 800 : i32
    %mul3A_12 = arith.muli %arg1, %mul3A_11 : i32
    %mul3A_13 = arith.constant 12800 : i32
    %mul3A_14 = arith.muli %arg0, %mul3A_13 : i32
    %mul3A_15 = arith.constant 800 : i32
    %mul3A_16 = arith.muli %arg1, %mul3A_15 : i32
    %add3A_17 = arith.addi %mul3A_14, %mul3A_16 : i32
    "tpu.region"() ({
      %run_scoped3A = tpu.sem_alloc : memref<!tpu.dma_semaphore, #tpu.memory_space<semaphore_mem>>
      %dma_start3A = arith.constant 0 : i32
      %dma_start3A_18 = tpu.memref_slice %arg6[%add3A_17, %dma_start3A] : memref<25600x128xf32, #tpu.memory_space<hbm>> -> memref<800x128xf32, #tpu.memory_space<hbm>>
      %dma_start3A_19 = arith.constant 0 : i32
      %dma_start3A_20 = tpu.memref_slice %arg10[%mul3A_12, %dma_start3A_19] : memref<12800x128xf32, #tpu.memory_space<vmem_shared>> -> memref<800x128xf32, #tpu.memory_space<vmem_shared>>
      tpu.enqueue_dma source(%dma_start3A_20 : memref<800x128xf32, #tpu.memory_space<vmem_shared>>) target(%dma_start3A_18 : memref<800x128xf32, #tpu.memory_space<hbm>>) target_semaphore(%run_scoped3A : memref<!tpu.dma_semaphore, #tpu.memory_space<semaphore_mem>>)
      %dma_wait3A = arith.constant 0 : i32
      %dma_wait3A_21 = tpu.memref_slice %arg6[%add3A_17, %dma_wait3A] : memref<25600x128xf32, #tpu.memory_space<hbm>> -> memref<800x128xf32, #tpu.memory_space<hbm>>
      %dma_wait3A_22 = arith.constant 0 : i32
      %dma_wait3A_23 = tpu.memref_slice %arg10[%mul3A_12, %dma_wait3A_22] : memref<12800x128xf32, #tpu.memory_space<vmem_shared>> -> memref<800x128xf32, #tpu.memory_space<vmem_shared>>
      tpu.wait_dma2 semaphore(%run_scoped3A : memref<!tpu.dma_semaphore, #tpu.memory_space<semaphore_mem>>) src(%dma_wait3A_23 : memref<800x128xf32, #tpu.memory_space<vmem_shared>>) dst(%dma_wait3A_21 : memref<800x128xf32, #tpu.memory_space<hbm>>)
      tpu.yield
    }) : () -> ()
    return
  }
}

#map = affine_map<(d0, d1) -> (0)>
#map1 = affine_map<(d0, d1) -> (0, 0)>
module attributes {stable_mosaic.version = 14 : i64} {
  func.func @_deg_body(%arg0: i32, %arg1: i32, %arg2: memref<323584xi32, #tpu.memory_space<hbm>>, %arg3: memref<12288xi32, #tpu.memory_space<hbm>>, %arg4: memref<128x128xf32, #tpu.memory_space<hbm>>, %arg5: memref<12800x128xf32, #tpu.memory_space<hbm>>, %arg6: memref<25600x128xf32, #tpu.memory_space<hbm>>, %arg7: memref<256x128xf32, #tpu.memory_space<hbm>>, %arg8: memref<128xi32, #tpu.memory_space<vmem>>, %arg9: memref<128xi32, #tpu.memory_space<vmem>>, %arg10: memref<128x128xf32, #tpu.memory_space<vmem>>, %arg11: memref<12800x128xf32, #tpu.memory_space<vmem_shared>>, %arg12: memref<128x128xf32, #tpu.memory_space<vmem_shared>>, %arg13: memref<!tpu.dma_semaphore, #tpu.memory_space<semaphore_mem>>, %arg14: memref<!tpu.dma_semaphore, #tpu.memory_space<semaphore_mem>>) attributes {dimension_semantics = [#tpu.dimension_semantics<core_parallel>, #tpu.dimension_semantics<subcore_parallel>], iteration_bounds = array<i64: 2, 16>, scalar_prefetch = 0 : i64, scratch_operands = 7 : i64, tpu.core_type = #tpu.core_type<sc_vector_subcore>, window_params = [{transform_indices = #map}, {transform_indices = #map}, {transform_indices = #map1}, {transform_indices = #map1}, {transform_indices = #map1}, {transform_indices = #map1}]} {
    %mul3A = arith.constant 16 : i32
    %mul3A_0 = arith.muli %arg0, %mul3A : i32
    %add3A = arith.addi %mul3A_0, %arg1 : i32
    "tpu.region"() ({
      %run_scoped3A = tpu.sem_alloc : memref<!tpu.dma_semaphore, #tpu.memory_space<semaphore_mem>>
      tpu.enqueue_dma source(%arg4 : memref<128x128xf32, #tpu.memory_space<hbm>>) target(%arg10 : memref<128x128xf32, #tpu.memory_space<vmem>>) target_semaphore(%run_scoped3A : memref<!tpu.dma_semaphore, #tpu.memory_space<semaphore_mem>>)
      tpu.wait_dma2 semaphore(%run_scoped3A : memref<!tpu.dma_semaphore, #tpu.memory_space<semaphore_mem>>) src(%arg4 : memref<128x128xf32, #tpu.memory_space<hbm>>) dst(%arg10 : memref<128x128xf32, #tpu.memory_space<vmem>>)
      tpu.yield
    }) : () -> ()
    %mul3A_1 = arith.constant 800 : i32
    %mul3A_2 = arith.muli %arg1, %mul3A_1 : i32
    %mul3A_3 = arith.constant 800 : i32
    %mul3A_4 = arith.muli %arg1, %mul3A_3 : i32
    "tpu.region"() ({
      %run_scoped3A = tpu.sem_alloc : memref<!tpu.dma_semaphore, #tpu.memory_space<semaphore_mem>>
      %dma_start3A_39 = arith.constant 0 : i32
      %dma_start3A_40 = tpu.memref_slice %arg11[%mul3A_4, %dma_start3A_39] : memref<12800x128xf32, #tpu.memory_space<vmem_shared>> -> memref<800x128xf32, #tpu.memory_space<vmem_shared>>
      %dma_start3A_41 = arith.constant 0 : i32
      %dma_start3A_42 = tpu.memref_slice %arg5[%mul3A_2, %dma_start3A_41] : memref<12800x128xf32, #tpu.memory_space<hbm>> -> memref<800x128xf32, #tpu.memory_space<hbm>>
      tpu.enqueue_dma source(%dma_start3A_42 : memref<800x128xf32, #tpu.memory_space<hbm>>) target(%dma_start3A_40 : memref<800x128xf32, #tpu.memory_space<vmem_shared>>) target_semaphore(%run_scoped3A : memref<!tpu.dma_semaphore, #tpu.memory_space<semaphore_mem>>)
      %dma_wait3A = arith.constant 0 : i32
      %dma_wait3A_43 = tpu.memref_slice %arg11[%mul3A_4, %dma_wait3A] : memref<12800x128xf32, #tpu.memory_space<vmem_shared>> -> memref<800x128xf32, #tpu.memory_space<vmem_shared>>
      %dma_wait3A_44 = arith.constant 0 : i32
      %dma_wait3A_45 = tpu.memref_slice %arg5[%mul3A_2, %dma_wait3A_44] : memref<12800x128xf32, #tpu.memory_space<hbm>> -> memref<800x128xf32, #tpu.memory_space<hbm>>
      tpu.wait_dma2 semaphore(%run_scoped3A : memref<!tpu.dma_semaphore, #tpu.memory_space<semaphore_mem>>) src(%dma_wait3A_45 : memref<800x128xf32, #tpu.memory_space<hbm>>) dst(%dma_wait3A_43 : memref<800x128xf32, #tpu.memory_space<vmem_shared>>)
      tpu.yield
    }) : () -> ()
    %mul3A_5 = arith.constant 8 : i32
    %mul3A_6 = arith.muli %arg1, %mul3A_5 : i32
    %mul3A_7 = arith.constant 8 : i32
    %mul3A_8 = arith.muli %arg1, %mul3A_7 : i32
    "tpu.region"() ({
      %run_scoped3A = tpu.sem_alloc : memref<!tpu.dma_semaphore, #tpu.memory_space<semaphore_mem>>
      %dma_start3A_39 = arith.constant 0 : i32
      %dma_start3A_40 = tpu.memref_slice %arg12[%mul3A_8, %dma_start3A_39] : memref<128x128xf32, #tpu.memory_space<vmem_shared>> -> memref<8x128xf32, #tpu.memory_space<vmem_shared>>
      %dma_start3A_41 = arith.constant 0 : i32
      %dma_start3A_42 = tpu.memref_slice %arg5[%mul3A_6, %dma_start3A_41] : memref<12800x128xf32, #tpu.memory_space<hbm>> -> memref<8x128xf32, #tpu.memory_space<hbm>>
      tpu.enqueue_dma source(%dma_start3A_42 : memref<8x128xf32, #tpu.memory_space<hbm>>) target(%dma_start3A_40 : memref<8x128xf32, #tpu.memory_space<vmem_shared>>) target_semaphore(%run_scoped3A : memref<!tpu.dma_semaphore, #tpu.memory_space<semaphore_mem>>)
      %dma_wait3A = arith.constant 0 : i32
      %dma_wait3A_43 = tpu.memref_slice %arg12[%mul3A_8, %dma_wait3A] : memref<128x128xf32, #tpu.memory_space<vmem_shared>> -> memref<8x128xf32, #tpu.memory_space<vmem_shared>>
      %dma_wait3A_44 = arith.constant 0 : i32
      %dma_wait3A_45 = tpu.memref_slice %arg5[%mul3A_6, %dma_wait3A_44] : memref<12800x128xf32, #tpu.memory_space<hbm>> -> memref<8x128xf32, #tpu.memory_space<hbm>>
      tpu.wait_dma2 semaphore(%run_scoped3A : memref<!tpu.dma_semaphore, #tpu.memory_space<semaphore_mem>>) src(%dma_wait3A_45 : memref<8x128xf32, #tpu.memory_space<hbm>>) dst(%dma_wait3A_43 : memref<8x128xf32, #tpu.memory_space<vmem_shared>>)
      tpu.yield
    }) : () -> ()
    %barrier3A = arith.constant 0 : index
    tpu.barrier barrier_id(%barrier3A)
    %mul3A_9 = arith.constant 79 : i32
    %mul3A_10 = arith.muli %add3A, %mul3A_9 : i32
    %mul3A_11 = arith.constant 128 : i32
    %mul3A_12 = arith.muli %mul3A_10, %mul3A_11 : i32
    %dma_start3A = tpu.memref_slice %arg2[%mul3A_12] : memref<323584xi32, #tpu.memory_space<hbm>> -> memref<128xi32, #tpu.memory_space<hbm>>
    %dma_start3A_13 = tpu.memref_slice %arg2[%mul3A_12] : memref<323584xi32, #tpu.memory_space<hbm>> -> memref<128xi32, #tpu.memory_space<hbm>>
    tpu.enqueue_dma source(%dma_start3A_13 : memref<128xi32, #tpu.memory_space<hbm>>) target(%arg8 : memref<128xi32, #tpu.memory_space<vmem>>) target_semaphore(%arg13 : memref<!tpu.dma_semaphore, #tpu.memory_space<semaphore_mem>>)
    %scan3A = arith.constant 0 : i32
    %scan3A_14 = arith.constant 40 : i32
    %scan3A_15 = arith.addi %scan3A, %scan3A_14 : i32
    %scan3A_16 = arith.constant 1 : i32
    scf.for %scan3A_39 = %scan3A to %scan3A_15 step %scan3A_16  : i32 {
      %mul3A_40 = arith.constant 2 : i32
      %mul3A_41 = arith.muli %scan3A_39, %mul3A_40 : i32
      %add3A_42 = arith.constant 0 : i32
      %add3A_43 = arith.addi %add3A_42, %mul3A_41 : i32
      %add3A_44 = arith.constant 0 : i32
      %add3A_45 = arith.addi %add3A_43, %add3A_44 : i32
      %add3A_46 = arith.constant 1 : i32
      %add3A_47 = arith.addi %add3A_45, %add3A_46 : i32
      %lt3A = arith.constant 79 : i32
      %lt3A_48 = arith.cmpi slt, %add3A_45, %lt3A : i32
      %convert_element_type3A = arith.extui %lt3A_48 : i1 to i32
      %cond3A = arith.constant 0 : i32
      %cond3A_49 = arith.cmpi ne, %convert_element_type3A, %cond3A : i32
      scf.if %cond3A_49 {
        %lt3A_59 = arith.constant 79 : i32
        %lt3A_60 = arith.cmpi slt, %add3A_47, %lt3A_59 : i32
        %convert_element_type3A_61 = arith.extui %lt3A_60 : i1 to i32
        %cond3A_62 = arith.constant 0 : i32
        %cond3A_63 = arith.cmpi ne, %convert_element_type3A_61, %cond3A_62 : i32
        scf.if %cond3A_63 {
          %mul3A_70 = arith.constant 79 : i32
          %mul3A_71 = arith.muli %add3A, %mul3A_70 : i32
          %add3A_72 = arith.addi %mul3A_71, %add3A_47 : i32
          %mul3A_73 = arith.constant 128 : i32
          %mul3A_74 = arith.muli %add3A_72, %mul3A_73 : i32
          %dma_start3A_75 = tpu.memref_slice %arg2[%mul3A_74] : memref<323584xi32, #tpu.memory_space<hbm>> -> memref<128xi32, #tpu.memory_space<hbm>>
          %dma_start3A_76 = tpu.memref_slice %arg2[%mul3A_74] : memref<323584xi32, #tpu.memory_space<hbm>> -> memref<128xi32, #tpu.memory_space<hbm>>
          tpu.enqueue_dma source(%dma_start3A_76 : memref<128xi32, #tpu.memory_space<hbm>>) target(%arg9 : memref<128xi32, #tpu.memory_space<vmem>>) target_semaphore(%arg14 : memref<!tpu.dma_semaphore, #tpu.memory_space<semaphore_mem>>)
        } else {
        }
        %mul3A_64 = arith.constant 79 : i32
        %mul3A_65 = arith.muli %add3A, %mul3A_64 : i32
        %add3A_66 = arith.addi %mul3A_65, %add3A_45 : i32
        %mul3A_67 = arith.constant 128 : i32
        %mul3A_68 = arith.muli %add3A_66, %mul3A_67 : i32
        %dma_wait3A = tpu.memref_slice %arg2[%mul3A_68] : memref<323584xi32, #tpu.memory_space<hbm>> -> memref<128xi32, #tpu.memory_space<hbm>>
        %dma_wait3A_69 = tpu.memref_slice %arg2[%mul3A_68] : memref<323584xi32, #tpu.memory_space<hbm>> -> memref<128xi32, #tpu.memory_space<hbm>>
        tpu.wait_dma2 semaphore(%arg13 : memref<!tpu.dma_semaphore, #tpu.memory_space<semaphore_mem>>) src(%dma_wait3A_69 : memref<128xi32, #tpu.memory_space<hbm>>) dst(%arg8 : memref<128xi32, #tpu.memory_space<vmem>>)
        "tpu.region"() ({
          %run_scoped3A = tpu.sem_alloc : memref<!tpu.dma_semaphore, #tpu.memory_space<semaphore_mem>>
          %dma_start3A_70 = arith.constant 0 : i32
          %dma_start3A_71 = arith.constant 0 : i32
          %dma_start3A_72 = tpu.memref_slice %arg11[%dma_start3A_70, %dma_start3A_71] : memref<12800x128xf32, #tpu.memory_space<vmem_shared>> -> memref<12800x128xf32, #tpu.memory_space<vmem_shared>>
          tpu.enqueue_indirect_dma source(%arg10 : memref<128x128xf32, #tpu.memory_space<vmem>>) target(%dma_start3A_72 : memref<12800x128xf32, #tpu.memory_space<vmem_shared>>) offsets(%arg8 : memref<128xi32, #tpu.memory_space<vmem>>) semaphore(%run_scoped3A : memref<!tpu.dma_semaphore, #tpu.memory_space<semaphore_mem>>) {add = true}
          %dma_wait3A_73 = arith.constant 0 : i32
          %dma_wait3A_74 = arith.constant 0 : i32
          %dma_wait3A_75 = tpu.memref_slice %arg11[%dma_wait3A_73, %dma_wait3A_74] : memref<12800x128xf32, #tpu.memory_space<vmem_shared>> -> memref<12800x128xf32, #tpu.memory_space<vmem_shared>>
          tpu.wait_indirect_dma semaphore(%run_scoped3A : memref<!tpu.dma_semaphore, #tpu.memory_space<semaphore_mem>>) src(%arg10 : memref<128x128xf32, #tpu.memory_space<vmem>>) dst(%dma_wait3A_75 : memref<12800x128xf32, #tpu.memory_space<vmem_shared>>)
          tpu.yield
        }) : () -> ()
      } else {
      }
      %add3A_50 = arith.constant 1 : i32
      %add3A_51 = arith.addi %add3A_43, %add3A_50 : i32
      %add3A_52 = arith.constant 1 : i32
      %add3A_53 = arith.addi %add3A_51, %add3A_52 : i32
      %lt3A_54 = arith.constant 79 : i32
      %lt3A_55 = arith.cmpi slt, %add3A_51, %lt3A_54 : i32
      %convert_element_type3A_56 = arith.extui %lt3A_55 : i1 to i32
      %cond3A_57 = arith.constant 0 : i32
      %cond3A_58 = arith.cmpi ne, %convert_element_type3A_56, %cond3A_57 : i32
      scf.if %cond3A_58 {
        %lt3A_59 = arith.constant 79 : i32
        %lt3A_60 = arith.cmpi slt, %add3A_53, %lt3A_59 : i32
        %convert_element_type3A_61 = arith.extui %lt3A_60 : i1 to i32
        %cond3A_62 = arith.constant 0 : i32
        %cond3A_63 = arith.cmpi ne, %convert_element_type3A_61, %cond3A_62 : i32
        scf.if %cond3A_63 {
          %mul3A_70 = arith.constant 79 : i32
          %mul3A_71 = arith.muli %add3A, %mul3A_70 : i32
          %add3A_72 = arith.addi %mul3A_71, %add3A_53 : i32
          %mul3A_73 = arith.constant 128 : i32
          %mul3A_74 = arith.muli %add3A_72, %mul3A_73 : i32
          %dma_start3A_75 = tpu.memref_slice %arg2[%mul3A_74] : memref<323584xi32, #tpu.memory_space<hbm>> -> memref<128xi32, #tpu.memory_space<hbm>>
          %dma_start3A_76 = tpu.memref_slice %arg2[%mul3A_74] : memref<323584xi32, #tpu.memory_space<hbm>> -> memref<128xi32, #tpu.memory_space<hbm>>
          tpu.enqueue_dma source(%dma_start3A_76 : memref<128xi32, #tpu.memory_space<hbm>>) target(%arg8 : memref<128xi32, #tpu.memory_space<vmem>>) target_semaphore(%arg13 : memref<!tpu.dma_semaphore, #tpu.memory_space<semaphore_mem>>)
        } else {
        }
        %mul3A_64 = arith.constant 79 : i32
        %mul3A_65 = arith.muli %add3A, %mul3A_64 : i32
        %add3A_66 = arith.addi %mul3A_65, %add3A_51 : i32
        %mul3A_67 = arith.constant 128 : i32
        %mul3A_68 = arith.muli %add3A_66, %mul3A_67 : i32
        %dma_wait3A = tpu.memref_slice %arg2[%mul3A_68] : memref<323584xi32, #tpu.memory_space<hbm>> -> memref<128xi32, #tpu.memory_space<hbm>>
        %dma_wait3A_69 = tpu.memref_slice %arg2[%mul3A_68] : memref<323584xi32, #tpu.memory_space<hbm>> -> memref<128xi32, #tpu.memory_space<hbm>>
        tpu.wait_dma2 semaphore(%arg14 : memref<!tpu.dma_semaphore, #tpu.memory_space<semaphore_mem>>) src(%dma_wait3A_69 : memref<128xi32, #tpu.memory_space<hbm>>) dst(%arg9 : memref<128xi32, #tpu.memory_space<vmem>>)
        "tpu.region"() ({
          %run_scoped3A = tpu.sem_alloc : memref<!tpu.dma_semaphore, #tpu.memory_space<semaphore_mem>>
          %dma_start3A_70 = arith.constant 0 : i32
          %dma_start3A_71 = arith.constant 0 : i32
          %dma_start3A_72 = tpu.memref_slice %arg11[%dma_start3A_70, %dma_start3A_71] : memref<12800x128xf32, #tpu.memory_space<vmem_shared>> -> memref<12800x128xf32, #tpu.memory_space<vmem_shared>>
          tpu.enqueue_indirect_dma source(%arg10 : memref<128x128xf32, #tpu.memory_space<vmem>>) target(%dma_start3A_72 : memref<12800x128xf32, #tpu.memory_space<vmem_shared>>) offsets(%arg9 : memref<128xi32, #tpu.memory_space<vmem>>) semaphore(%run_scoped3A : memref<!tpu.dma_semaphore, #tpu.memory_space<semaphore_mem>>) {add = true}
          %dma_wait3A_73 = arith.constant 0 : i32
          %dma_wait3A_74 = arith.constant 0 : i32
          %dma_wait3A_75 = tpu.memref_slice %arg11[%dma_wait3A_73, %dma_wait3A_74] : memref<12800x128xf32, #tpu.memory_space<vmem_shared>> -> memref<12800x128xf32, #tpu.memory_space<vmem_shared>>
          tpu.wait_indirect_dma semaphore(%run_scoped3A : memref<!tpu.dma_semaphore, #tpu.memory_space<semaphore_mem>>) src(%arg10 : memref<128x128xf32, #tpu.memory_space<vmem>>) dst(%dma_wait3A_75 : memref<12800x128xf32, #tpu.memory_space<vmem_shared>>)
          tpu.yield
        }) : () -> ()
      } else {
      }
    }
    %scan3A_17 = arith.constant 40 : i32
    %scan3A_18 = arith.constant 0 : i32
    %scan3A_19 = arith.constant 0 : i32
    %scan3A_20 = arith.constant 3 : i32
    %scan3A_21 = arith.addi %scan3A_19, %scan3A_20 : i32
    %scan3A_22 = arith.constant 1 : i32
    scf.for %scan3A_39 = %scan3A_19 to %scan3A_21 step %scan3A_22  : i32 {
      %mul3A_40 = arith.constant 384 : i32
      %mul3A_41 = arith.muli %add3A, %mul3A_40 : i32
      %mul3A_42 = arith.constant 128 : i32
      %mul3A_43 = arith.muli %scan3A_39, %mul3A_42 : i32
      %add3A_44 = arith.addi %mul3A_41, %mul3A_43 : i32
      "tpu.region"() ({
        %run_scoped3A = tpu.sem_alloc : memref<!tpu.dma_semaphore, #tpu.memory_space<semaphore_mem>>
        %dma_start3A_45 = tpu.memref_slice %arg3[%add3A_44] : memref<12288xi32, #tpu.memory_space<hbm>> -> memref<128xi32, #tpu.memory_space<hbm>>
        %dma_start3A_46 = tpu.memref_slice %arg3[%add3A_44] : memref<12288xi32, #tpu.memory_space<hbm>> -> memref<128xi32, #tpu.memory_space<hbm>>
        tpu.enqueue_dma source(%dma_start3A_46 : memref<128xi32, #tpu.memory_space<hbm>>) target(%arg8 : memref<128xi32, #tpu.memory_space<vmem>>) target_semaphore(%run_scoped3A : memref<!tpu.dma_semaphore, #tpu.memory_space<semaphore_mem>>)
        %dma_wait3A = tpu.memref_slice %arg3[%add3A_44] : memref<12288xi32, #tpu.memory_space<hbm>> -> memref<128xi32, #tpu.memory_space<hbm>>
        %dma_wait3A_47 = tpu.memref_slice %arg3[%add3A_44] : memref<12288xi32, #tpu.memory_space<hbm>> -> memref<128xi32, #tpu.memory_space<hbm>>
        tpu.wait_dma2 semaphore(%run_scoped3A : memref<!tpu.dma_semaphore, #tpu.memory_space<semaphore_mem>>) src(%dma_wait3A_47 : memref<128xi32, #tpu.memory_space<hbm>>) dst(%arg8 : memref<128xi32, #tpu.memory_space<vmem>>)
        tpu.yield
      }) : () -> ()
      "tpu.region"() ({
        %run_scoped3A = tpu.sem_alloc : memref<!tpu.dma_semaphore, #tpu.memory_space<semaphore_mem>>
        %dma_start3A_45 = arith.constant 0 : i32
        %dma_start3A_46 = arith.constant 0 : i32
        %dma_start3A_47 = tpu.memref_slice %arg12[%dma_start3A_45, %dma_start3A_46] : memref<128x128xf32, #tpu.memory_space<vmem_shared>> -> memref<128x128xf32, #tpu.memory_space<vmem_shared>>
        tpu.enqueue_indirect_dma source(%arg10 : memref<128x128xf32, #tpu.memory_space<vmem>>) target(%dma_start3A_47 : memref<128x128xf32, #tpu.memory_space<vmem_shared>>) offsets(%arg8 : memref<128xi32, #tpu.memory_space<vmem>>) semaphore(%run_scoped3A : memref<!tpu.dma_semaphore, #tpu.memory_space<semaphore_mem>>) {add = true}
        %dma_wait3A = arith.constant 0 : i32
        %dma_wait3A_48 = arith.constant 0 : i32
        %dma_wait3A_49 = tpu.memref_slice %arg12[%dma_wait3A, %dma_wait3A_48] : memref<128x128xf32, #tpu.memory_space<vmem_shared>> -> memref<128x128xf32, #tpu.memory_space<vmem_shared>>
        tpu.wait_indirect_dma semaphore(%run_scoped3A : memref<!tpu.dma_semaphore, #tpu.memory_space<semaphore_mem>>) src(%arg10 : memref<128x128xf32, #tpu.memory_space<vmem>>) dst(%dma_wait3A_49 : memref<128x128xf32, #tpu.memory_space<vmem_shared>>)
        tpu.yield
      }) : () -> ()
    }
    %scan3A_23 = arith.constant 3 : i32
    %barrier3A_24 = arith.constant 0 : index
    tpu.barrier barrier_id(%barrier3A_24)
    %mul3A_25 = arith.constant 800 : i32
    %mul3A_26 = arith.muli %arg1, %mul3A_25 : i32
    %mul3A_27 = arith.constant 12800 : i32
    %mul3A_28 = arith.muli %arg0, %mul3A_27 : i32
    %mul3A_29 = arith.constant 800 : i32
    %mul3A_30 = arith.muli %arg1, %mul3A_29 : i32
    %add3A_31 = arith.addi %mul3A_28, %mul3A_30 : i32
    "tpu.region"() ({
      %run_scoped3A = tpu.sem_alloc : memref<!tpu.dma_semaphore, #tpu.memory_space<semaphore_mem>>
      %dma_start3A_39 = arith.constant 0 : i32
      %dma_start3A_40 = tpu.memref_slice %arg6[%add3A_31, %dma_start3A_39] : memref<25600x128xf32, #tpu.memory_space<hbm>> -> memref<800x128xf32, #tpu.memory_space<hbm>>
      %dma_start3A_41 = arith.constant 0 : i32
      %dma_start3A_42 = tpu.memref_slice %arg11[%mul3A_26, %dma_start3A_41] : memref<12800x128xf32, #tpu.memory_space<vmem_shared>> -> memref<800x128xf32, #tpu.memory_space<vmem_shared>>
      tpu.enqueue_dma source(%dma_start3A_42 : memref<800x128xf32, #tpu.memory_space<vmem_shared>>) target(%dma_start3A_40 : memref<800x128xf32, #tpu.memory_space<hbm>>) target_semaphore(%run_scoped3A : memref<!tpu.dma_semaphore, #tpu.memory_space<semaphore_mem>>)
      %dma_wait3A = arith.constant 0 : i32
      %dma_wait3A_43 = tpu.memref_slice %arg6[%add3A_31, %dma_wait3A] : memref<25600x128xf32, #tpu.memory_space<hbm>> -> memref<800x128xf32, #tpu.memory_space<hbm>>
      %dma_wait3A_44 = arith.constant 0 : i32
      %dma_wait3A_45 = tpu.memref_slice %arg11[%mul3A_26, %dma_wait3A_44] : memref<12800x128xf32, #tpu.memory_space<vmem_shared>> -> memref<800x128xf32, #tpu.memory_space<vmem_shared>>
      tpu.wait_dma2 semaphore(%run_scoped3A : memref<!tpu.dma_semaphore, #tpu.memory_space<semaphore_mem>>) src(%dma_wait3A_45 : memref<800x128xf32, #tpu.memory_space<vmem_shared>>) dst(%dma_wait3A_43 : memref<800x128xf32, #tpu.memory_space<hbm>>)
      tpu.yield
    }) : () -> ()
    %mul3A_32 = arith.constant 8 : i32
    %mul3A_33 = arith.muli %arg1, %mul3A_32 : i32
    %mul3A_34 = arith.constant 128 : i32
    %mul3A_35 = arith.muli %arg0, %mul3A_34 : i32
    %mul3A_36 = arith.constant 8 : i32
    %mul3A_37 = arith.muli %arg1, %mul3A_36 : i32
    %add3A_38 = arith.addi %mul3A_35, %mul3A_37 : i32
    "tpu.region"() ({
      %run_scoped3A = tpu.sem_alloc : memref<!tpu.dma_semaphore, #tpu.memory_space<semaphore_mem>>
      %dma_start3A_39 = arith.constant 0 : i32
      %dma_start3A_40 = tpu.memref_slice %arg7[%add3A_38, %dma_start3A_39] : memref<256x128xf32, #tpu.memory_space<hbm>> -> memref<8x128xf32, #tpu.memory_space<hbm>>
      %dma_start3A_41 = arith.constant 0 : i32
      %dma_start3A_42 = tpu.memref_slice %arg12[%mul3A_33, %dma_start3A_41] : memref<128x128xf32, #tpu.memory_space<vmem_shared>> -> memref<8x128xf32, #tpu.memory_space<vmem_shared>>
      tpu.enqueue_dma source(%dma_start3A_42 : memref<8x128xf32, #tpu.memory_space<vmem_shared>>) target(%dma_start3A_40 : memref<8x128xf32, #tpu.memory_space<hbm>>) target_semaphore(%run_scoped3A : memref<!tpu.dma_semaphore, #tpu.memory_space<semaphore_mem>>)
      %dma_wait3A = arith.constant 0 : i32
      %dma_wait3A_43 = tpu.memref_slice %arg7[%add3A_38, %dma_wait3A] : memref<256x128xf32, #tpu.memory_space<hbm>> -> memref<8x128xf32, #tpu.memory_space<hbm>>
      %dma_wait3A_44 = arith.constant 0 : i32
      %dma_wait3A_45 = tpu.memref_slice %arg12[%mul3A_33, %dma_wait3A_44] : memref<128x128xf32, #tpu.memory_space<vmem_shared>> -> memref<8x128xf32, #tpu.memory_space<vmem_shared>>
      tpu.wait_dma2 semaphore(%run_scoped3A : memref<!tpu.dma_semaphore, #tpu.memory_space<semaphore_mem>>) src(%dma_wait3A_45 : memref<8x128xf32, #tpu.memory_space<vmem_shared>>) dst(%dma_wait3A_43 : memref<8x128xf32, #tpu.memory_space<hbm>>)
      tpu.yield
    }) : () -> ()
    return
  }
}

#map = affine_map<(d0, d1) -> (0, 0)>
#map1 = affine_map<(d0, d1) -> (0)>
module attributes {stable_mosaic.version = 14 : i64} {
  func.func @_agg_body(%arg0: i32, %arg1: i32, %arg2: memref<10000x128xf32, #tpu.memory_space<hbm>>, %arg3: memref<323584xi32, #tpu.memory_space<hbm>>, %arg4: memref<323584xi32, #tpu.memory_space<hbm>>, %arg5: memref<12800x128xf32, #tpu.memory_space<hbm>>, %arg6: memref<25600x128xf32, #tpu.memory_space<hbm>>, %arg7: memref<128xi32, #tpu.memory_space<vmem>>, %arg8: memref<128xi32, #tpu.memory_space<vmem>>, %arg9: memref<128x128xf32, #tpu.memory_space<vmem>>, %arg10: memref<12800x128xf32, #tpu.memory_space<vmem_shared>>, %arg11: memref<!tpu.dma_semaphore, #tpu.memory_space<semaphore_mem>>) attributes {dimension_semantics = [#tpu.dimension_semantics<core_parallel>, #tpu.dimension_semantics<subcore_parallel>], iteration_bounds = array<i64: 2, 16>, scalar_prefetch = 0 : i64, scratch_operands = 5 : i64, tpu.core_type = #tpu.core_type<sc_vector_subcore>, window_params = [{transform_indices = #map}, {transform_indices = #map1}, {transform_indices = #map1}, {transform_indices = #map}, {transform_indices = #map}]} {
    %mul3A = arith.constant 16 : i32
    %mul3A_0 = arith.muli %arg0, %mul3A : i32
    %add3A = arith.addi %mul3A_0, %arg1 : i32
    %mul3A_1 = arith.constant 800 : i32
    %mul3A_2 = arith.muli %arg1, %mul3A_1 : i32
    %mul3A_3 = arith.constant 800 : i32
    %mul3A_4 = arith.muli %arg1, %mul3A_3 : i32
    "tpu.region"() ({
      %run_scoped3A = tpu.sem_alloc : memref<!tpu.dma_semaphore, #tpu.memory_space<semaphore_mem>>
      %dma_start3A = arith.constant 0 : i32
      %dma_start3A_18 = tpu.memref_slice %arg10[%mul3A_4, %dma_start3A] : memref<12800x128xf32, #tpu.memory_space<vmem_shared>> -> memref<800x128xf32, #tpu.memory_space<vmem_shared>>
      %dma_start3A_19 = arith.constant 0 : i32
      %dma_start3A_20 = tpu.memref_slice %arg5[%mul3A_2, %dma_start3A_19] : memref<12800x128xf32, #tpu.memory_space<hbm>> -> memref<800x128xf32, #tpu.memory_space<hbm>>
      tpu.enqueue_dma source(%dma_start3A_20 : memref<800x128xf32, #tpu.memory_space<hbm>>) target(%dma_start3A_18 : memref<800x128xf32, #tpu.memory_space<vmem_shared>>) target_semaphore(%run_scoped3A : memref<!tpu.dma_semaphore, #tpu.memory_space<semaphore_mem>>)
      %dma_wait3A = arith.constant 0 : i32
      %dma_wait3A_21 = tpu.memref_slice %arg10[%mul3A_4, %dma_wait3A] : memref<12800x128xf32, #tpu.memory_space<vmem_shared>> -> memref<800x128xf32, #tpu.memory_space<vmem_shared>>
      %dma_wait3A_22 = arith.constant 0 : i32
      %dma_wait3A_23 = tpu.memref_slice %arg5[%mul3A_2, %dma_wait3A_22] : memref<12800x128xf32, #tpu.memory_space<hbm>> -> memref<800x128xf32, #tpu.memory_space<hbm>>
      tpu.wait_dma2 semaphore(%run_scoped3A : memref<!tpu.dma_semaphore, #tpu.memory_space<semaphore_mem>>) src(%dma_wait3A_23 : memref<800x128xf32, #tpu.memory_space<hbm>>) dst(%dma_wait3A_21 : memref<800x128xf32, #tpu.memory_space<vmem_shared>>)
      tpu.yield
    }) : () -> ()
    %barrier3A = arith.constant 0 : index
    tpu.barrier barrier_id(%barrier3A)
    %scan3A = arith.constant 0 : i32
    %scan3A_5 = arith.constant 0 : i32
    %scan3A_6 = arith.constant 79 : i32
    %scan3A_7 = arith.addi %scan3A_5, %scan3A_6 : i32
    %scan3A_8 = arith.constant 1 : i32
    scf.for %scan3A_18 = %scan3A_5 to %scan3A_7 step %scan3A_8  : i32 {
      %mul3A_19 = arith.constant 79 : i32
      %mul3A_20 = arith.muli %add3A, %mul3A_19 : i32
      %add3A_21 = arith.addi %mul3A_20, %scan3A_18 : i32
      %mul3A_22 = arith.constant 128 : i32
      %mul3A_23 = arith.muli %add3A_21, %mul3A_22 : i32
      "tpu.region"() ({
        %run_scoped3A = tpu.sem_alloc : memref<!tpu.dma_semaphore, #tpu.memory_space<semaphore_mem>>
        %dma_start3A_28 = tpu.memref_slice %arg3[%mul3A_23] : memref<323584xi32, #tpu.memory_space<hbm>> -> memref<128xi32, #tpu.memory_space<hbm>>
        %dma_start3A_29 = tpu.memref_slice %arg3[%mul3A_23] : memref<323584xi32, #tpu.memory_space<hbm>> -> memref<128xi32, #tpu.memory_space<hbm>>
        tpu.enqueue_dma source(%dma_start3A_29 : memref<128xi32, #tpu.memory_space<hbm>>) target(%arg7 : memref<128xi32, #tpu.memory_space<vmem>>) target_semaphore(%run_scoped3A : memref<!tpu.dma_semaphore, #tpu.memory_space<semaphore_mem>>)
        %dma_wait3A_30 = tpu.memref_slice %arg3[%mul3A_23] : memref<323584xi32, #tpu.memory_space<hbm>> -> memref<128xi32, #tpu.memory_space<hbm>>
        %dma_wait3A_31 = tpu.memref_slice %arg3[%mul3A_23] : memref<323584xi32, #tpu.memory_space<hbm>> -> memref<128xi32, #tpu.memory_space<hbm>>
        tpu.wait_dma2 semaphore(%run_scoped3A : memref<!tpu.dma_semaphore, #tpu.memory_space<semaphore_mem>>) src(%dma_wait3A_31 : memref<128xi32, #tpu.memory_space<hbm>>) dst(%arg7 : memref<128xi32, #tpu.memory_space<vmem>>)
        tpu.yield
      }) : () -> ()
      "tpu.region"() ({
        %run_scoped3A = tpu.sem_alloc : memref<!tpu.dma_semaphore, #tpu.memory_space<semaphore_mem>>
        %dma_start3A_28 = tpu.memref_slice %arg4[%mul3A_23] : memref<323584xi32, #tpu.memory_space<hbm>> -> memref<128xi32, #tpu.memory_space<hbm>>
        %dma_start3A_29 = tpu.memref_slice %arg4[%mul3A_23] : memref<323584xi32, #tpu.memory_space<hbm>> -> memref<128xi32, #tpu.memory_space<hbm>>
        tpu.enqueue_dma source(%dma_start3A_29 : memref<128xi32, #tpu.memory_space<hbm>>) target(%arg8 : memref<128xi32, #tpu.memory_space<vmem>>) target_semaphore(%run_scoped3A : memref<!tpu.dma_semaphore, #tpu.memory_space<semaphore_mem>>)
        %dma_wait3A_30 = tpu.memref_slice %arg4[%mul3A_23] : memref<323584xi32, #tpu.memory_space<hbm>> -> memref<128xi32, #tpu.memory_space<hbm>>
        %dma_wait3A_31 = tpu.memref_slice %arg4[%mul3A_23] : memref<323584xi32, #tpu.memory_space<hbm>> -> memref<128xi32, #tpu.memory_space<hbm>>
        tpu.wait_dma2 semaphore(%run_scoped3A : memref<!tpu.dma_semaphore, #tpu.memory_space<semaphore_mem>>) src(%dma_wait3A_31 : memref<128xi32, #tpu.memory_space<hbm>>) dst(%arg8 : memref<128xi32, #tpu.memory_space<vmem>>)
        tpu.yield
      }) : () -> ()
      %dma_start3A = arith.constant 0 : i32
      %dma_start3A_24 = arith.constant 0 : i32
      %dma_start3A_25 = tpu.memref_slice %arg2[%dma_start3A, %dma_start3A_24] : memref<10000x128xf32, #tpu.memory_space<hbm>> -> memref<10000x128xf32, #tpu.memory_space<hbm>>
      tpu.enqueue_indirect_dma source(%dma_start3A_25 : memref<10000x128xf32, #tpu.memory_space<hbm>>) target(%arg9 : memref<128x128xf32, #tpu.memory_space<vmem>>) offsets(%arg7 : memref<128xi32, #tpu.memory_space<vmem>>) semaphore(%arg11 : memref<!tpu.dma_semaphore, #tpu.memory_space<semaphore_mem>>)
      %dma_wait3A = arith.constant 0 : i32
      %dma_wait3A_26 = arith.constant 0 : i32
      %dma_wait3A_27 = tpu.memref_slice %arg2[%dma_wait3A, %dma_wait3A_26] : memref<10000x128xf32, #tpu.memory_space<hbm>> -> memref<10000x128xf32, #tpu.memory_space<hbm>>
      tpu.wait_indirect_dma semaphore(%arg11 : memref<!tpu.dma_semaphore, #tpu.memory_space<semaphore_mem>>) src(%dma_wait3A_27 : memref<10000x128xf32, #tpu.memory_space<hbm>>) dst(%arg9 : memref<128x128xf32, #tpu.memory_space<vmem>>)
      "tpu.region"() ({
        %run_scoped3A = tpu.sem_alloc : memref<!tpu.dma_semaphore, #tpu.memory_space<semaphore_mem>>
        %dma_start3A_28 = arith.constant 0 : i32
        %dma_start3A_29 = arith.constant 0 : i32
        %dma_start3A_30 = tpu.memref_slice %arg10[%dma_start3A_28, %dma_start3A_29] : memref<12800x128xf32, #tpu.memory_space<vmem_shared>> -> memref<12800x128xf32, #tpu.memory_space<vmem_shared>>
        tpu.enqueue_indirect_dma source(%arg9 : memref<128x128xf32, #tpu.memory_space<vmem>>) target(%dma_start3A_30 : memref<12800x128xf32, #tpu.memory_space<vmem_shared>>) offsets(%arg8 : memref<128xi32, #tpu.memory_space<vmem>>) semaphore(%run_scoped3A : memref<!tpu.dma_semaphore, #tpu.memory_space<semaphore_mem>>) {add = true}
        %dma_wait3A_31 = arith.constant 0 : i32
        %dma_wait3A_32 = arith.constant 0 : i32
        %dma_wait3A_33 = tpu.memref_slice %arg10[%dma_wait3A_31, %dma_wait3A_32] : memref<12800x128xf32, #tpu.memory_space<vmem_shared>> -> memref<12800x128xf32, #tpu.memory_space<vmem_shared>>
        tpu.wait_indirect_dma semaphore(%run_scoped3A : memref<!tpu.dma_semaphore, #tpu.memory_space<semaphore_mem>>) src(%arg9 : memref<128x128xf32, #tpu.memory_space<vmem>>) dst(%dma_wait3A_33 : memref<12800x128xf32, #tpu.memory_space<vmem_shared>>)
        tpu.yield
      }) : () -> ()
    }
    %scan3A_9 = arith.constant 79 : i32
    %barrier3A_10 = arith.constant 0 : index
    tpu.barrier barrier_id(%barrier3A_10)
    %mul3A_11 = arith.constant 800 : i32
    %mul3A_12 = arith.muli %arg1, %mul3A_11 : i32
    %mul3A_13 = arith.constant 12800 : i32
    %mul3A_14 = arith.muli %arg0, %mul3A_13 : i32
    %mul3A_15 = arith.constant 800 : i32
    %mul3A_16 = arith.muli %arg1, %mul3A_15 : i32
    %add3A_17 = arith.addi %mul3A_14, %mul3A_16 : i32
    "tpu.region"() ({
      %run_scoped3A = tpu.sem_alloc : memref<!tpu.dma_semaphore, #tpu.memory_space<semaphore_mem>>
      %dma_start3A = arith.constant 0 : i32
      %dma_start3A_18 = tpu.memref_slice %arg6[%add3A_17, %dma_start3A] : memref<25600x128xf32, #tpu.memory_space<hbm>> -> memref<800x128xf32, #tpu.memory_space<hbm>>
      %dma_start3A_19 = arith.constant 0 : i32
      %dma_start3A_20 = tpu.memref_slice %arg10[%mul3A_12, %dma_start3A_19] : memref<12800x128xf32, #tpu.memory_space<vmem_shared>> -> memref<800x128xf32, #tpu.memory_space<vmem_shared>>
      tpu.enqueue_dma source(%dma_start3A_20 : memref<800x128xf32, #tpu.memory_space<vmem_shared>>) target(%dma_start3A_18 : memref<800x128xf32, #tpu.memory_space<hbm>>) target_semaphore(%run_scoped3A : memref<!tpu.dma_semaphore, #tpu.memory_space<semaphore_mem>>)
      %dma_wait3A = arith.constant 0 : i32
      %dma_wait3A_21 = tpu.memref_slice %arg6[%add3A_17, %dma_wait3A] : memref<25600x128xf32, #tpu.memory_space<hbm>> -> memref<800x128xf32, #tpu.memory_space<hbm>>
      %dma_wait3A_22 = arith.constant 0 : i32
      %dma_wait3A_23 = tpu.memref_slice %arg10[%mul3A_12, %dma_wait3A_22] : memref<12800x128xf32, #tpu.memory_space<vmem_shared>> -> memref<800x128xf32, #tpu.memory_space<vmem_shared>>
      tpu.wait_dma2 semaphore(%run_scoped3A : memref<!tpu.dma_semaphore, #tpu.memory_space<semaphore_mem>>) src(%dma_wait3A_23 : memref<800x128xf32, #tpu.memory_space<vmem_shared>>) dst(%dma_wait3A_21 : memref<800x128xf32, #tpu.memory_space<hbm>>)
      tpu.yield
    }) : () -> ()
    return
  }
}

#map = affine_map<(d0, d1) -> (0, 0)>
#map1 = affine_map<(d0, d1) -> (0)>
module attributes {stable_mosaic.version = 14 : i64} {
  func.func @_agg_body(%arg0: i32, %arg1: i32, %arg2: memref<10000x128xf32, #tpu.memory_space<hbm>>, %arg3: memref<323584xi32, #tpu.memory_space<hbm>>, %arg4: memref<323584xi32, #tpu.memory_space<hbm>>, %arg5: memref<12800x128xf32, #tpu.memory_space<hbm>>, %arg6: memref<25600x128xf32, #tpu.memory_space<hbm>>, %arg7: memref<128xi32, #tpu.memory_space<vmem>>, %arg8: memref<128xi32, #tpu.memory_space<vmem>>, %arg9: memref<128x128xf32, #tpu.memory_space<vmem>>, %arg10: memref<12800x128xf32, #tpu.memory_space<vmem_shared>>, %arg11: memref<!tpu.dma_semaphore, #tpu.memory_space<semaphore_mem>>) attributes {dimension_semantics = [#tpu.dimension_semantics<core_parallel>, #tpu.dimension_semantics<subcore_parallel>], iteration_bounds = array<i64: 2, 16>, scalar_prefetch = 0 : i64, scratch_operands = 5 : i64, tpu.core_type = #tpu.core_type<sc_vector_subcore>, window_params = [{transform_indices = #map}, {transform_indices = #map1}, {transform_indices = #map1}, {transform_indices = #map}, {transform_indices = #map}]} {
    %mul3A = arith.constant 16 : i32
    %mul3A_0 = arith.muli %arg0, %mul3A : i32
    %add3A = arith.addi %mul3A_0, %arg1 : i32
    %mul3A_1 = arith.constant 800 : i32
    %mul3A_2 = arith.muli %arg1, %mul3A_1 : i32
    %mul3A_3 = arith.constant 800 : i32
    %mul3A_4 = arith.muli %arg1, %mul3A_3 : i32
    "tpu.region"() ({
      %run_scoped3A = tpu.sem_alloc : memref<!tpu.dma_semaphore, #tpu.memory_space<semaphore_mem>>
      %dma_start3A = arith.constant 0 : i32
      %dma_start3A_18 = tpu.memref_slice %arg10[%mul3A_4, %dma_start3A] : memref<12800x128xf32, #tpu.memory_space<vmem_shared>> -> memref<800x128xf32, #tpu.memory_space<vmem_shared>>
      %dma_start3A_19 = arith.constant 0 : i32
      %dma_start3A_20 = tpu.memref_slice %arg5[%mul3A_2, %dma_start3A_19] : memref<12800x128xf32, #tpu.memory_space<hbm>> -> memref<800x128xf32, #tpu.memory_space<hbm>>
      tpu.enqueue_dma source(%dma_start3A_20 : memref<800x128xf32, #tpu.memory_space<hbm>>) target(%dma_start3A_18 : memref<800x128xf32, #tpu.memory_space<vmem_shared>>) target_semaphore(%run_scoped3A : memref<!tpu.dma_semaphore, #tpu.memory_space<semaphore_mem>>)
      %dma_wait3A = arith.constant 0 : i32
      %dma_wait3A_21 = tpu.memref_slice %arg10[%mul3A_4, %dma_wait3A] : memref<12800x128xf32, #tpu.memory_space<vmem_shared>> -> memref<800x128xf32, #tpu.memory_space<vmem_shared>>
      %dma_wait3A_22 = arith.constant 0 : i32
      %dma_wait3A_23 = tpu.memref_slice %arg5[%mul3A_2, %dma_wait3A_22] : memref<12800x128xf32, #tpu.memory_space<hbm>> -> memref<800x128xf32, #tpu.memory_space<hbm>>
      tpu.wait_dma2 semaphore(%run_scoped3A : memref<!tpu.dma_semaphore, #tpu.memory_space<semaphore_mem>>) src(%dma_wait3A_23 : memref<800x128xf32, #tpu.memory_space<hbm>>) dst(%dma_wait3A_21 : memref<800x128xf32, #tpu.memory_space<vmem_shared>>)
      tpu.yield
    }) : () -> ()
    %barrier3A = arith.constant 0 : index
    tpu.barrier barrier_id(%barrier3A)
    %scan3A = arith.constant 0 : i32
    %scan3A_5 = arith.constant 0 : i32
    %scan3A_6 = arith.constant 79 : i32
    %scan3A_7 = arith.addi %scan3A_5, %scan3A_6 : i32
    %scan3A_8 = arith.constant 1 : i32
    scf.for %scan3A_18 = %scan3A_5 to %scan3A_7 step %scan3A_8  : i32 {
      %mul3A_19 = arith.constant 79 : i32
      %mul3A_20 = arith.muli %add3A, %mul3A_19 : i32
      %add3A_21 = arith.addi %mul3A_20, %scan3A_18 : i32
      %mul3A_22 = arith.constant 128 : i32
      %mul3A_23 = arith.muli %add3A_21, %mul3A_22 : i32
      "tpu.region"() ({
        %run_scoped3A = tpu.sem_alloc : memref<!tpu.dma_semaphore, #tpu.memory_space<semaphore_mem>>
        %dma_start3A_28 = tpu.memref_slice %arg3[%mul3A_23] : memref<323584xi32, #tpu.memory_space<hbm>> -> memref<128xi32, #tpu.memory_space<hbm>>
        %dma_start3A_29 = tpu.memref_slice %arg3[%mul3A_23] : memref<323584xi32, #tpu.memory_space<hbm>> -> memref<128xi32, #tpu.memory_space<hbm>>
        tpu.enqueue_dma source(%dma_start3A_29 : memref<128xi32, #tpu.memory_space<hbm>>) target(%arg7 : memref<128xi32, #tpu.memory_space<vmem>>) target_semaphore(%run_scoped3A : memref<!tpu.dma_semaphore, #tpu.memory_space<semaphore_mem>>)
        %dma_wait3A_30 = tpu.memref_slice %arg3[%mul3A_23] : memref<323584xi32, #tpu.memory_space<hbm>> -> memref<128xi32, #tpu.memory_space<hbm>>
        %dma_wait3A_31 = tpu.memref_slice %arg3[%mul3A_23] : memref<323584xi32, #tpu.memory_space<hbm>> -> memref<128xi32, #tpu.memory_space<hbm>>
        tpu.wait_dma2 semaphore(%run_scoped3A : memref<!tpu.dma_semaphore, #tpu.memory_space<semaphore_mem>>) src(%dma_wait3A_31 : memref<128xi32, #tpu.memory_space<hbm>>) dst(%arg7 : memref<128xi32, #tpu.memory_space<vmem>>)
        tpu.yield
      }) : () -> ()
      "tpu.region"() ({
        %run_scoped3A = tpu.sem_alloc : memref<!tpu.dma_semaphore, #tpu.memory_space<semaphore_mem>>
        %dma_start3A_28 = tpu.memref_slice %arg4[%mul3A_23] : memref<323584xi32, #tpu.memory_space<hbm>> -> memref<128xi32, #tpu.memory_space<hbm>>
        %dma_start3A_29 = tpu.memref_slice %arg4[%mul3A_23] : memref<323584xi32, #tpu.memory_space<hbm>> -> memref<128xi32, #tpu.memory_space<hbm>>
        tpu.enqueue_dma source(%dma_start3A_29 : memref<128xi32, #tpu.memory_space<hbm>>) target(%arg8 : memref<128xi32, #tpu.memory_space<vmem>>) target_semaphore(%run_scoped3A : memref<!tpu.dma_semaphore, #tpu.memory_space<semaphore_mem>>)
        %dma_wait3A_30 = tpu.memref_slice %arg4[%mul3A_23] : memref<323584xi32, #tpu.memory_space<hbm>> -> memref<128xi32, #tpu.memory_space<hbm>>
        %dma_wait3A_31 = tpu.memref_slice %arg4[%mul3A_23] : memref<323584xi32, #tpu.memory_space<hbm>> -> memref<128xi32, #tpu.memory_space<hbm>>
        tpu.wait_dma2 semaphore(%run_scoped3A : memref<!tpu.dma_semaphore, #tpu.memory_space<semaphore_mem>>) src(%dma_wait3A_31 : memref<128xi32, #tpu.memory_space<hbm>>) dst(%arg8 : memref<128xi32, #tpu.memory_space<vmem>>)
        tpu.yield
      }) : () -> ()
      %dma_start3A = arith.constant 0 : i32
      %dma_start3A_24 = arith.constant 0 : i32
      %dma_start3A_25 = tpu.memref_slice %arg2[%dma_start3A, %dma_start3A_24] : memref<10000x128xf32, #tpu.memory_space<hbm>> -> memref<10000x128xf32, #tpu.memory_space<hbm>>
      tpu.enqueue_indirect_dma source(%dma_start3A_25 : memref<10000x128xf32, #tpu.memory_space<hbm>>) target(%arg9 : memref<128x128xf32, #tpu.memory_space<vmem>>) offsets(%arg7 : memref<128xi32, #tpu.memory_space<vmem>>) semaphore(%arg11 : memref<!tpu.dma_semaphore, #tpu.memory_space<semaphore_mem>>)
      %dma_wait3A = arith.constant 0 : i32
      %dma_wait3A_26 = arith.constant 0 : i32
      %dma_wait3A_27 = tpu.memref_slice %arg2[%dma_wait3A, %dma_wait3A_26] : memref<10000x128xf32, #tpu.memory_space<hbm>> -> memref<10000x128xf32, #tpu.memory_space<hbm>>
      tpu.wait_indirect_dma semaphore(%arg11 : memref<!tpu.dma_semaphore, #tpu.memory_space<semaphore_mem>>) src(%dma_wait3A_27 : memref<10000x128xf32, #tpu.memory_space<hbm>>) dst(%arg9 : memref<128x128xf32, #tpu.memory_space<vmem>>)
      "tpu.region"() ({
        %run_scoped3A = tpu.sem_alloc : memref<!tpu.dma_semaphore, #tpu.memory_space<semaphore_mem>>
        %dma_start3A_28 = arith.constant 0 : i32
        %dma_start3A_29 = arith.constant 0 : i32
        %dma_start3A_30 = tpu.memref_slice %arg10[%dma_start3A_28, %dma_start3A_29] : memref<12800x128xf32, #tpu.memory_space<vmem_shared>> -> memref<12800x128xf32, #tpu.memory_space<vmem_shared>>
        tpu.enqueue_indirect_dma source(%arg9 : memref<128x128xf32, #tpu.memory_space<vmem>>) target(%dma_start3A_30 : memref<12800x128xf32, #tpu.memory_space<vmem_shared>>) offsets(%arg8 : memref<128xi32, #tpu.memory_space<vmem>>) semaphore(%run_scoped3A : memref<!tpu.dma_semaphore, #tpu.memory_space<semaphore_mem>>) {add = true}
        %dma_wait3A_31 = arith.constant 0 : i32
        %dma_wait3A_32 = arith.constant 0 : i32
        %dma_wait3A_33 = tpu.memref_slice %arg10[%dma_wait3A_31, %dma_wait3A_32] : memref<12800x128xf32, #tpu.memory_space<vmem_shared>> -> memref<12800x128xf32, #tpu.memory_space<vmem_shared>>
        tpu.wait_indirect_dma semaphore(%run_scoped3A : memref<!tpu.dma_semaphore, #tpu.memory_space<semaphore_mem>>) src(%arg9 : memref<128x128xf32, #tpu.memory_space<vmem>>) dst(%dma_wait3A_33 : memref<12800x128xf32, #tpu.memory_space<vmem_shared>>)
        tpu.yield
      }) : () -> ()
    }
    %scan3A_9 = arith.constant 79 : i32
    %barrier3A_10 = arith.constant 0 : index
    tpu.barrier barrier_id(%barrier3A_10)
    %mul3A_11 = arith.constant 800 : i32
    %mul3A_12 = arith.muli %arg1, %mul3A_11 : i32
    %mul3A_13 = arith.constant 12800 : i32
    %mul3A_14 = arith.muli %arg0, %mul3A_13 : i32
    %mul3A_15 = arith.constant 800 : i32
    %mul3A_16 = arith.muli %arg1, %mul3A_15 : i32
    %add3A_17 = arith.addi %mul3A_14, %mul3A_16 : i32
    "tpu.region"() ({
      %run_scoped3A = tpu.sem_alloc : memref<!tpu.dma_semaphore, #tpu.memory_space<semaphore_mem>>
      %dma_start3A = arith.constant 0 : i32
      %dma_start3A_18 = tpu.memref_slice %arg6[%add3A_17, %dma_start3A] : memref<25600x128xf32, #tpu.memory_space<hbm>> -> memref<800x128xf32, #tpu.memory_space<hbm>>
      %dma_start3A_19 = arith.constant 0 : i32
      %dma_start3A_20 = tpu.memref_slice %arg10[%mul3A_12, %dma_start3A_19] : memref<12800x128xf32, #tpu.memory_space<vmem_shared>> -> memref<800x128xf32, #tpu.memory_space<vmem_shared>>
      tpu.enqueue_dma source(%dma_start3A_20 : memref<800x128xf32, #tpu.memory_space<vmem_shared>>) target(%dma_start3A_18 : memref<800x128xf32, #tpu.memory_space<hbm>>) target_semaphore(%run_scoped3A : memref<!tpu.dma_semaphore, #tpu.memory_space<semaphore_mem>>)
      %dma_wait3A = arith.constant 0 : i32
      %dma_wait3A_21 = tpu.memref_slice %arg6[%add3A_17, %dma_wait3A] : memref<25600x128xf32, #tpu.memory_space<hbm>> -> memref<800x128xf32, #tpu.memory_space<hbm>>
      %dma_wait3A_22 = arith.constant 0 : i32
      %dma_wait3A_23 = tpu.memref_slice %arg10[%mul3A_12, %dma_wait3A_22] : memref<12800x128xf32, #tpu.memory_space<vmem_shared>> -> memref<800x128xf32, #tpu.memory_space<vmem_shared>>
      tpu.wait_dma2 semaphore(%run_scoped3A : memref<!tpu.dma_semaphore, #tpu.memory_space<semaphore_mem>>) src(%dma_wait3A_23 : memref<800x128xf32, #tpu.memory_space<vmem_shared>>) dst(%dma_wait3A_21 : memref<800x128xf32, #tpu.memory_space<hbm>>)
      tpu.yield
    }) : () -> ()
    return
  }
}

#map = affine_map<(d0, d1) -> (0, 0)>
#map1 = affine_map<(d0, d1) -> (0)>
module attributes {stable_mosaic.version = 14 : i64} {
  func.func @_pool_body(%arg0: i32, %arg1: i32, %arg2: memref<10000x128xf32, #tpu.memory_space<hbm>>, %arg3: memref<12288xi32, #tpu.memory_space<hbm>>, %arg4: memref<12288xi32, #tpu.memory_space<hbm>>, %arg5: memref<12800x128xf32, #tpu.memory_space<hbm>>, %arg6: memref<256x128xf32, #tpu.memory_space<hbm>>, %arg7: memref<128xi32, #tpu.memory_space<vmem>>, %arg8: memref<128xi32, #tpu.memory_space<vmem>>, %arg9: memref<128x128xf32, #tpu.memory_space<vmem>>, %arg10: memref<128x128xf32, #tpu.memory_space<vmem_shared>>, %arg11: memref<!tpu.dma_semaphore, #tpu.memory_space<semaphore_mem>>) attributes {dimension_semantics = [#tpu.dimension_semantics<core_parallel>, #tpu.dimension_semantics<subcore_parallel>], iteration_bounds = array<i64: 2, 16>, scalar_prefetch = 0 : i64, scratch_operands = 5 : i64, tpu.core_type = #tpu.core_type<sc_vector_subcore>, window_params = [{transform_indices = #map}, {transform_indices = #map1}, {transform_indices = #map1}, {transform_indices = #map}, {transform_indices = #map}]} {
    %mul3A = arith.constant 16 : i32
    %mul3A_0 = arith.muli %arg0, %mul3A : i32
    %add3A = arith.addi %mul3A_0, %arg1 : i32
    %mul3A_1 = arith.constant 8 : i32
    %mul3A_2 = arith.muli %arg1, %mul3A_1 : i32
    %mul3A_3 = arith.constant 8 : i32
    %mul3A_4 = arith.muli %arg1, %mul3A_3 : i32
    "tpu.region"() ({
      %run_scoped3A = tpu.sem_alloc : memref<!tpu.dma_semaphore, #tpu.memory_space<semaphore_mem>>
      %dma_start3A = arith.constant 0 : i32
      %dma_start3A_18 = tpu.memref_slice %arg10[%mul3A_4, %dma_start3A] : memref<128x128xf32, #tpu.memory_space<vmem_shared>> -> memref<8x128xf32, #tpu.memory_space<vmem_shared>>
      %dma_start3A_19 = arith.constant 0 : i32
      %dma_start3A_20 = tpu.memref_slice %arg5[%mul3A_2, %dma_start3A_19] : memref<12800x128xf32, #tpu.memory_space<hbm>> -> memref<8x128xf32, #tpu.memory_space<hbm>>
      tpu.enqueue_dma source(%dma_start3A_20 : memref<8x128xf32, #tpu.memory_space<hbm>>) target(%dma_start3A_18 : memref<8x128xf32, #tpu.memory_space<vmem_shared>>) target_semaphore(%run_scoped3A : memref<!tpu.dma_semaphore, #tpu.memory_space<semaphore_mem>>)
      %dma_wait3A = arith.constant 0 : i32
      %dma_wait3A_21 = tpu.memref_slice %arg10[%mul3A_4, %dma_wait3A] : memref<128x128xf32, #tpu.memory_space<vmem_shared>> -> memref<8x128xf32, #tpu.memory_space<vmem_shared>>
      %dma_wait3A_22 = arith.constant 0 : i32
      %dma_wait3A_23 = tpu.memref_slice %arg5[%mul3A_2, %dma_wait3A_22] : memref<12800x128xf32, #tpu.memory_space<hbm>> -> memref<8x128xf32, #tpu.memory_space<hbm>>
      tpu.wait_dma2 semaphore(%run_scoped3A : memref<!tpu.dma_semaphore, #tpu.memory_space<semaphore_mem>>) src(%dma_wait3A_23 : memref<8x128xf32, #tpu.memory_space<hbm>>) dst(%dma_wait3A_21 : memref<8x128xf32, #tpu.memory_space<vmem_shared>>)
      tpu.yield
    }) : () -> ()
    %barrier3A = arith.constant 0 : index
    tpu.barrier barrier_id(%barrier3A)
    %scan3A = arith.constant 0 : i32
    %scan3A_5 = arith.constant 0 : i32
    %scan3A_6 = arith.constant 3 : i32
    %scan3A_7 = arith.addi %scan3A_5, %scan3A_6 : i32
    %scan3A_8 = arith.constant 1 : i32
    scf.for %scan3A_18 = %scan3A_5 to %scan3A_7 step %scan3A_8  : i32 {
      %mul3A_19 = arith.constant 384 : i32
      %mul3A_20 = arith.muli %add3A, %mul3A_19 : i32
      %mul3A_21 = arith.constant 128 : i32
      %mul3A_22 = arith.muli %scan3A_18, %mul3A_21 : i32
      %add3A_23 = arith.addi %mul3A_20, %mul3A_22 : i32
      "tpu.region"() ({
        %run_scoped3A = tpu.sem_alloc : memref<!tpu.dma_semaphore, #tpu.memory_space<semaphore_mem>>
        %dma_start3A_28 = tpu.memref_slice %arg3[%add3A_23] : memref<12288xi32, #tpu.memory_space<hbm>> -> memref<128xi32, #tpu.memory_space<hbm>>
        %dma_start3A_29 = tpu.memref_slice %arg3[%add3A_23] : memref<12288xi32, #tpu.memory_space<hbm>> -> memref<128xi32, #tpu.memory_space<hbm>>
        tpu.enqueue_dma source(%dma_start3A_29 : memref<128xi32, #tpu.memory_space<hbm>>) target(%arg7 : memref<128xi32, #tpu.memory_space<vmem>>) target_semaphore(%run_scoped3A : memref<!tpu.dma_semaphore, #tpu.memory_space<semaphore_mem>>)
        %dma_wait3A_30 = tpu.memref_slice %arg3[%add3A_23] : memref<12288xi32, #tpu.memory_space<hbm>> -> memref<128xi32, #tpu.memory_space<hbm>>
        %dma_wait3A_31 = tpu.memref_slice %arg3[%add3A_23] : memref<12288xi32, #tpu.memory_space<hbm>> -> memref<128xi32, #tpu.memory_space<hbm>>
        tpu.wait_dma2 semaphore(%run_scoped3A : memref<!tpu.dma_semaphore, #tpu.memory_space<semaphore_mem>>) src(%dma_wait3A_31 : memref<128xi32, #tpu.memory_space<hbm>>) dst(%arg7 : memref<128xi32, #tpu.memory_space<vmem>>)
        tpu.yield
      }) : () -> ()
      "tpu.region"() ({
        %run_scoped3A = tpu.sem_alloc : memref<!tpu.dma_semaphore, #tpu.memory_space<semaphore_mem>>
        %dma_start3A_28 = tpu.memref_slice %arg4[%add3A_23] : memref<12288xi32, #tpu.memory_space<hbm>> -> memref<128xi32, #tpu.memory_space<hbm>>
        %dma_start3A_29 = tpu.memref_slice %arg4[%add3A_23] : memref<12288xi32, #tpu.memory_space<hbm>> -> memref<128xi32, #tpu.memory_space<hbm>>
        tpu.enqueue_dma source(%dma_start3A_29 : memref<128xi32, #tpu.memory_space<hbm>>) target(%arg8 : memref<128xi32, #tpu.memory_space<vmem>>) target_semaphore(%run_scoped3A : memref<!tpu.dma_semaphore, #tpu.memory_space<semaphore_mem>>)
        %dma_wait3A_30 = tpu.memref_slice %arg4[%add3A_23] : memref<12288xi32, #tpu.memory_space<hbm>> -> memref<128xi32, #tpu.memory_space<hbm>>
        %dma_wait3A_31 = tpu.memref_slice %arg4[%add3A_23] : memref<12288xi32, #tpu.memory_space<hbm>> -> memref<128xi32, #tpu.memory_space<hbm>>
        tpu.wait_dma2 semaphore(%run_scoped3A : memref<!tpu.dma_semaphore, #tpu.memory_space<semaphore_mem>>) src(%dma_wait3A_31 : memref<128xi32, #tpu.memory_space<hbm>>) dst(%arg8 : memref<128xi32, #tpu.memory_space<vmem>>)
        tpu.yield
      }) : () -> ()
      %dma_start3A = arith.constant 0 : i32
      %dma_start3A_24 = arith.constant 0 : i32
      %dma_start3A_25 = tpu.memref_slice %arg2[%dma_start3A, %dma_start3A_24] : memref<10000x128xf32, #tpu.memory_space<hbm>> -> memref<10000x128xf32, #tpu.memory_space<hbm>>
      tpu.enqueue_indirect_dma source(%dma_start3A_25 : memref<10000x128xf32, #tpu.memory_space<hbm>>) target(%arg9 : memref<128x128xf32, #tpu.memory_space<vmem>>) offsets(%arg7 : memref<128xi32, #tpu.memory_space<vmem>>) semaphore(%arg11 : memref<!tpu.dma_semaphore, #tpu.memory_space<semaphore_mem>>)
      %dma_wait3A = arith.constant 0 : i32
      %dma_wait3A_26 = arith.constant 0 : i32
      %dma_wait3A_27 = tpu.memref_slice %arg2[%dma_wait3A, %dma_wait3A_26] : memref<10000x128xf32, #tpu.memory_space<hbm>> -> memref<10000x128xf32, #tpu.memory_space<hbm>>
      tpu.wait_indirect_dma semaphore(%arg11 : memref<!tpu.dma_semaphore, #tpu.memory_space<semaphore_mem>>) src(%dma_wait3A_27 : memref<10000x128xf32, #tpu.memory_space<hbm>>) dst(%arg9 : memref<128x128xf32, #tpu.memory_space<vmem>>)
      "tpu.region"() ({
        %run_scoped3A = tpu.sem_alloc : memref<!tpu.dma_semaphore, #tpu.memory_space<semaphore_mem>>
        %dma_start3A_28 = arith.constant 0 : i32
        %dma_start3A_29 = arith.constant 0 : i32
        %dma_start3A_30 = tpu.memref_slice %arg10[%dma_start3A_28, %dma_start3A_29] : memref<128x128xf32, #tpu.memory_space<vmem_shared>> -> memref<128x128xf32, #tpu.memory_space<vmem_shared>>
        tpu.enqueue_indirect_dma source(%arg9 : memref<128x128xf32, #tpu.memory_space<vmem>>) target(%dma_start3A_30 : memref<128x128xf32, #tpu.memory_space<vmem_shared>>) offsets(%arg8 : memref<128xi32, #tpu.memory_space<vmem>>) semaphore(%run_scoped3A : memref<!tpu.dma_semaphore, #tpu.memory_space<semaphore_mem>>) {add = true}
        %dma_wait3A_31 = arith.constant 0 : i32
        %dma_wait3A_32 = arith.constant 0 : i32
        %dma_wait3A_33 = tpu.memref_slice %arg10[%dma_wait3A_31, %dma_wait3A_32] : memref<128x128xf32, #tpu.memory_space<vmem_shared>> -> memref<128x128xf32, #tpu.memory_space<vmem_shared>>
        tpu.wait_indirect_dma semaphore(%run_scoped3A : memref<!tpu.dma_semaphore, #tpu.memory_space<semaphore_mem>>) src(%arg9 : memref<128x128xf32, #tpu.memory_space<vmem>>) dst(%dma_wait3A_33 : memref<128x128xf32, #tpu.memory_space<vmem_shared>>)
        tpu.yield
      }) : () -> ()
    }
    %scan3A_9 = arith.constant 3 : i32
    %barrier3A_10 = arith.constant 0 : index
    tpu.barrier barrier_id(%barrier3A_10)
    %mul3A_11 = arith.constant 8 : i32
    %mul3A_12 = arith.muli %arg1, %mul3A_11 : i32
    %mul3A_13 = arith.constant 128 : i32
    %mul3A_14 = arith.muli %arg0, %mul3A_13 : i32
    %mul3A_15 = arith.constant 8 : i32
    %mul3A_16 = arith.muli %arg1, %mul3A_15 : i32
    %add3A_17 = arith.addi %mul3A_14, %mul3A_16 : i32
    "tpu.region"() ({
      %run_scoped3A = tpu.sem_alloc : memref<!tpu.dma_semaphore, #tpu.memory_space<semaphore_mem>>
      %dma_start3A = arith.constant 0 : i32
      %dma_start3A_18 = tpu.memref_slice %arg6[%add3A_17, %dma_start3A] : memref<256x128xf32, #tpu.memory_space<hbm>> -> memref<8x128xf32, #tpu.memory_space<hbm>>
      %dma_start3A_19 = arith.constant 0 : i32
      %dma_start3A_20 = tpu.memref_slice %arg10[%mul3A_12, %dma_start3A_19] : memref<128x128xf32, #tpu.memory_space<vmem_shared>> -> memref<8x128xf32, #tpu.memory_space<vmem_shared>>
      tpu.enqueue_dma source(%dma_start3A_20 : memref<8x128xf32, #tpu.memory_space<vmem_shared>>) target(%dma_start3A_18 : memref<8x128xf32, #tpu.memory_space<hbm>>) target_semaphore(%run_scoped3A : memref<!tpu.dma_semaphore, #tpu.memory_space<semaphore_mem>>)
      %dma_wait3A = arith.constant 0 : i32
      %dma_wait3A_21 = tpu.memref_slice %arg6[%add3A_17, %dma_wait3A] : memref<256x128xf32, #tpu.memory_space<hbm>> -> memref<8x128xf32, #tpu.memory_space<hbm>>
      %dma_wait3A_22 = arith.constant 0 : i32
      %dma_wait3A_23 = tpu.memref_slice %arg10[%mul3A_12, %dma_wait3A_22] : memref<128x128xf32, #tpu.memory_space<vmem_shared>> -> memref<8x128xf32, #tpu.memory_space<vmem_shared>>
      tpu.wait_dma2 semaphore(%run_scoped3A : memref<!tpu.dma_semaphore, #tpu.memory_space<semaphore_mem>>) src(%dma_wait3A_23 : memref<8x128xf32, #tpu.memory_space<vmem_shared>>) dst(%dma_wait3A_21 : memref<8x128xf32, #tpu.memory_space<hbm>>)
      tpu.yield
    }) : () -> ()
    return
  }
}

module attributes {stable_mosaic.version = 14 : i64} {
  func.func @_b_body(%arg0: i32, %arg1: memref<400x128xf32, #tpu.memory_space<vmem>>, %arg2: memref<128x128xf32, #tpu.memory_space<vmem>>, %arg3: memref<400x128xf32, #tpu.memory_space<vmem>>, %arg4: memref<400x128xf32, #tpu.memory_space<vmem>>, %arg5: memref<400x1xf32, #tpu.memory_space<vmem>>, %arg6: memref<400x128xf32, #tpu.memory_space<vmem>>) attributes {dimension_semantics = [#tpu.dimension_semantics<arbitrary>], iteration_bounds = array<i64: 25>, scalar_prefetch = 0 : i64, scratch_operands = 0 : i64, tpu.core_type = #tpu.core_type<tc>, window_params = [{transform_indices = @transform_0, window_bounds = array<i64: 400, 128>}, {pipeline_mode = #tpu.pipeline_mode<synchronous>, transform_indices = @transform_1, window_bounds = array<i64: 128, 128>}, {transform_indices = @transform_2, window_bounds = array<i64: 400, 128>}, {transform_indices = @transform_3, window_bounds = array<i64: 400, 128>}, {transform_indices = @transform_4, window_bounds = array<i64: 400, 1>}, {transform_indices = @transform_5, window_bounds = array<i64: 400, 128>}]} {
    %get3A = arith.constant 0 : index
    %get3A_0 = arith.constant 0 : index
    %get3A_1 = vector.load %arg3[%get3A, %get3A_0] : memref<400x128xf32, #tpu.memory_space<vmem>>, vector<400x1xf32>
    %get3A_2 = arith.constant 0 : index
    %get3A_3 = arith.constant 0 : index
    %get3A_4 = vector.load %arg4[%get3A_2, %get3A_3] : memref<400x128xf32, #tpu.memory_space<vmem>>, vector<400x1xf32>
    %add3A = arith.addf %get3A_1, %get3A_4 : vector<400x1xf32>
    %add3A_5 = arith.constant 1.000000e+00 : f32
    %add3A_6 = vector.broadcast %add3A_5 : f32 to vector<400x1xf32>
    %add3A_7 = arith.addf %add3A, %add3A_6 : vector<400x1xf32>
    %max3A = arith.constant 9.99999996E-13 : f32
    %max3A_8 = vector.broadcast %max3A : f32 to vector<400x1xf32>
    %max3A_9 = arith.maximumf %add3A_7, %max3A_8 : vector<400x1xf32>
    %rsqrt3A = math.rsqrt %max3A_9 : vector<400x1xf32>
    %swap3A = arith.constant 0 : index
    %swap3A_10 = arith.constant 0 : index
    %swap3A_11 = vector.load %arg5[%swap3A, %swap3A_10] : memref<400x1xf32, #tpu.memory_space<vmem>>, vector<400x1xf32>
    tpu.vector_store %arg5[%swap3A, %swap3A_10], %rsqrt3A {strides = array<i32>} : memref<400x1xf32, #tpu.memory_space<vmem>>, vector<400x1xf32>,
    %get3A_12 = arith.constant 0 : index
    %get3A_13 = arith.constant 0 : index
    %get3A_14 = vector.load %arg1[%get3A_12, %get3A_13] : memref<400x128xf32, #tpu.memory_space<vmem>>, vector<400x128xf32>
    %get3A_15 = arith.constant 0 : index
    %get3A_16 = arith.constant 0 : index
    %get3A_17 = vector.load %arg2[%get3A_15, %get3A_16] : memref<128x128xf32, #tpu.memory_space<vmem>>, vector<128x128xf32>
    %dot_general3A = arith.constant dense<0.000000e+00> : vector<400x128xf32>
    %dot_general3A_18 = tpu.matmul %get3A_14, %get3A_17, %dot_general3A {dimension_numbers = #tpu.dot_dimension_numbers<[1], [0], [0], [1], [0, 0, 1, 1], [], []>, transpose_lhs_hint = false} : vector<400x128xf32>, vector<128x128xf32>, vector<400x128xf32> -> vector<400x128xf32>
    %mul3A = vector.broadcast %rsqrt3A : vector<400x1xf32> to vector<400x128xf32>
    %mul3A_19 = arith.mulf %dot_general3A_18, %mul3A : vector<400x128xf32>
    %swap3A_20 = arith.constant 0 : index
    %swap3A_21 = arith.constant 0 : index
    %swap3A_22 = vector.load %arg6[%swap3A_20, %swap3A_21] : memref<400x128xf32, #tpu.memory_space<vmem>>, vector<400x128xf32>
    tpu.vector_store %arg6[%swap3A_20, %swap3A_21], %mul3A_19 {strides = array<i32>} : memref<400x128xf32, #tpu.memory_space<vmem>>, vector<400x128xf32>,
    return
  }
  func.func @transform_0(%arg0: i32) -> (i32, i32) {
    %c0_i32 = arith.constant 0 : i32
    %c0_i32_0 = arith.constant 0 : i32
    return %arg0, %c0_i32 : i32, i32
  }
  func.func @transform_1(%arg0: i32) -> (i32, i32) {
    %c0_i32 = arith.constant 0 : i32
    %c0_i32_0 = arith.constant 0 : i32
    %c0_i32_1 = arith.constant 0 : i32
    return %c0_i32, %c0_i32_0 : i32, i32
  }
  func.func @transform_2(%arg0: i32) -> (i32, i32) {
    %c0_i32 = arith.constant 0 : i32
    %c0_i32_0 = arith.constant 0 : i32
    return %arg0, %c0_i32 : i32, i32
  }
  func.func @transform_3(%arg0: i32) -> (i32, i32) {
    %add3A = arith.constant 32 : i32
    %add3A_0 = arith.addi %arg0, %add3A : i32
    %c0_i32 = arith.constant 0 : i32
    %c0_i32_1 = arith.constant 0 : i32
    return %add3A_0, %c0_i32 : i32, i32
  }
  func.func @transform_4(%arg0: i32) -> (i32, i32) {
    %c0_i32 = arith.constant 0 : i32
    %c0_i32_0 = arith.constant 0 : i32
    return %arg0, %c0_i32 : i32, i32
  }
  func.func @transform_5(%arg0: i32) -> (i32, i32) {
    %c0_i32 = arith.constant 0 : i32
    %c0_i32_0 = arith.constant 0 : i32
    return %arg0, %c0_i32 : i32, i32
  }
}

module attributes {stable_mosaic.version = 14 : i64} {
  func.func @_d1_body(%arg0: i32, %arg1: memref<400x128xf32, #tpu.memory_space<vmem>>, %arg2: memref<400x128xf32, #tpu.memory_space<vmem>>, %arg3: memref<400x128xf32, #tpu.memory_space<vmem>>, %arg4: memref<400x1xf32, #tpu.memory_space<vmem>>, %arg5: memref<1x128xf32, #tpu.memory_space<vmem>>, %arg6: memref<400x128xf32, #tpu.memory_space<vmem>>, %arg7: memref<8x128xf32, #tpu.memory_space<vmem>>) attributes {dimension_semantics = [#tpu.dimension_semantics<arbitrary>], iteration_bounds = array<i64: 25>, scalar_prefetch = 0 : i64, scratch_operands = 0 : i64, tpu.core_type = #tpu.core_type<tc>, window_params = [{transform_indices = @transform_0, window_bounds = array<i64: 400, 128>}, {transform_indices = @transform_1, window_bounds = array<i64: 400, 128>}, {transform_indices = @transform_2, window_bounds = array<i64: 400, 128>}, {transform_indices = @transform_3, window_bounds = array<i64: 400, 1>}, {pipeline_mode = #tpu.pipeline_mode<synchronous>, transform_indices = @transform_4, window_bounds = array<i64: 1, 128>}, {transform_indices = @transform_5, window_bounds = array<i64: 400, 128>}, {pipeline_mode = #tpu.pipeline_mode<synchronous>, transform_indices = @transform_6, window_bounds = array<i64: 8, 128>}]} {
    %get3A = arith.constant 0 : index
    %get3A_0 = arith.constant 0 : index
    %get3A_1 = vector.load %arg4[%get3A, %get3A_0] : memref<400x1xf32, #tpu.memory_space<vmem>>, vector<400x1xf32>
    %get3A_2 = arith.constant 0 : index
    %get3A_3 = arith.constant 0 : index
    %get3A_4 = vector.load %arg1[%get3A_2, %get3A_3] : memref<400x128xf32, #tpu.memory_space<vmem>>, vector<400x128xf32>
    %get3A_5 = arith.constant 0 : index
    %get3A_6 = arith.constant 0 : index
    %get3A_7 = vector.load %arg2[%get3A_5, %get3A_6] : memref<400x128xf32, #tpu.memory_space<vmem>>, vector<400x128xf32>
    %add3A = arith.addf %get3A_4, %get3A_7 : vector<400x128xf32>
    %get3A_8 = arith.constant 0 : index
    %get3A_9 = arith.constant 0 : index
    %get3A_10 = vector.load %arg3[%get3A_8, %get3A_9] : memref<400x128xf32, #tpu.memory_space<vmem>>, vector<400x128xf32>
    %add3A_11 = arith.addf %add3A, %get3A_10 : vector<400x128xf32>
    %mul3A = vector.broadcast %get3A_1 : vector<400x1xf32> to vector<400x128xf32>
    %mul3A_12 = arith.mulf %mul3A, %add3A_11 : vector<400x128xf32>
    %get3A_13 = arith.constant 0 : index
    %get3A_14 = arith.constant 0 : index
    %get3A_15 = vector.load %arg5[%get3A_13, %get3A_14] : memref<1x128xf32, #tpu.memory_space<vmem>>, vector<1x128xf32>
    %add3A_16 = vector.broadcast %get3A_15 : vector<1x128xf32> to vector<400x128xf32>
    %add3A_17 = arith.addf %mul3A_12, %add3A_16 : vector<400x128xf32>
    %max3A = arith.constant 0.000000e+00 : f32
    %max3A_18 = vector.broadcast %max3A : f32 to vector<400x128xf32>
    %max3A_19 = arith.maximumf %add3A_17, %max3A_18 : vector<400x128xf32>
    %swap3A = arith.constant 0 : index
    %swap3A_20 = arith.constant 0 : index
    %swap3A_21 = vector.load %arg6[%swap3A, %swap3A_20] : memref<400x128xf32, #tpu.memory_space<vmem>>, vector<400x128xf32>
    tpu.vector_store %arg6[%swap3A, %swap3A_20], %max3A_19 {strides = array<i32>} : memref<400x128xf32, #tpu.memory_space<vmem>>, vector<400x128xf32>,
    %eq3A = arith.constant 0 : i32
    %eq3A_22 = arith.cmpi eq, %arg0, %eq3A : i32
    %convert_element_type3A = arith.extui %eq3A_22 : i1 to i32
    %cond3A = arith.constant 0 : i32
    %cond3A_23 = arith.cmpi ne, %convert_element_type3A, %cond3A : i32
    scf.if %cond3A_23 {
      %broadcast_in_dim3A_43 = arith.constant 0.000000e+00 : f32
      %broadcast_in_dim3A_44 = vector.broadcast %broadcast_in_dim3A_43 : f32 to vector<8x128xf32>
      %swap3A_45 = arith.constant 0 : index
      %swap3A_46 = arith.constant 0 : index
      %swap3A_47 = vector.load %arg7[%swap3A_45, %swap3A_46] : memref<8x128xf32, #tpu.memory_space<vmem>>, vector<8x128xf32>
      tpu.vector_store %arg7[%swap3A_45, %swap3A_46], %broadcast_in_dim3A_44 {strides = array<i32>} : memref<8x128xf32, #tpu.memory_space<vmem>>, vector<8x128xf32>,
    } else {
    }
    %get3A_24 = arith.constant 0 : index
    %get3A_25 = arith.constant 0 : index
    %get3A_26 = vector.load %arg7[%get3A_24, %get3A_25] : memref<8x128xf32, #tpu.memory_space<vmem>>, vector<1x128xf32>
    %reduce_sum3A = arith.constant dense<0.000000e+00> : vector<128xf32>
    %reduce_sum3A_27 = vector.multi_reduction <add>, %max3A_19, %reduce_sum3A [0] : vector<400x128xf32> to vector<128xf32>
    %broadcast_in_dim3A = vector.shape_cast %reduce_sum3A_27 : vector<128xf32> to vector<1x128xf32>
    %add3A_28 = arith.addf %get3A_26, %broadcast_in_dim3A : vector<1x128xf32>
    %swap3A_29 = arith.constant 0 : index
    %swap3A_30 = arith.constant 0 : index
    %swap3A_31 = vector.load %arg7[%swap3A_29, %swap3A_30] : memref<8x128xf32, #tpu.memory_space<vmem>>, vector<1x128xf32>
    tpu.vector_store %arg7[%swap3A_29, %swap3A_30], %add3A_28 {strides = array<i32>} : memref<8x128xf32, #tpu.memory_space<vmem>>, vector<1x128xf32>,
    %get3A_32 = arith.constant 1 : index
    %get3A_33 = arith.constant 0 : index
    %get3A_34 = vector.load %arg7[%get3A_32, %get3A_33] : memref<8x128xf32, #tpu.memory_space<vmem>>, vector<1x128xf32>
    %mul3A_35 = arith.mulf %max3A_19, %max3A_19 : vector<400x128xf32>
    %reduce_sum3A_36 = arith.constant dense<0.000000e+00> : vector<128xf32>
    %reduce_sum3A_37 = vector.multi_reduction <add>, %mul3A_35, %reduce_sum3A_36 [0] : vector<400x128xf32> to vector<128xf32>
    %broadcast_in_dim3A_38 = vector.shape_cast %reduce_sum3A_37 : vector<128xf32> to vector<1x128xf32>
    %add3A_39 = arith.addf %get3A_34, %broadcast_in_dim3A_38 : vector<1x128xf32>
    %swap3A_40 = arith.constant 1 : index
    %swap3A_41 = arith.constant 0 : index
    %swap3A_42 = vector.load %arg7[%swap3A_40, %swap3A_41] : memref<8x128xf32, #tpu.memory_space<vmem>>, vector<1x128xf32>
    tpu.vector_store %arg7[%swap3A_40, %swap3A_41], %add3A_39 {strides = array<i32>} : memref<8x128xf32, #tpu.memory_space<vmem>>, vector<1x128xf32>,
    return
  }
  func.func @transform_0(%arg0: i32) -> (i32, i32) {
    %c0_i32 = arith.constant 0 : i32
    %c0_i32_0 = arith.constant 0 : i32
    return %arg0, %c0_i32 : i32, i32
  }
  func.func @transform_1(%arg0: i32) -> (i32, i32) {
    %add3A = arith.constant 32 : i32
    %add3A_0 = arith.addi %arg0, %add3A : i32
    %c0_i32 = arith.constant 0 : i32
    %c0_i32_1 = arith.constant 0 : i32
    return %add3A_0, %c0_i32 : i32, i32
  }
  func.func @transform_2(%arg0: i32) -> (i32, i32) {
    %c0_i32 = arith.constant 0 : i32
    %c0_i32_0 = arith.constant 0 : i32
    return %arg0, %c0_i32 : i32, i32
  }
  func.func @transform_3(%arg0: i32) -> (i32, i32) {
    %c0_i32 = arith.constant 0 : i32
    %c0_i32_0 = arith.constant 0 : i32
    return %arg0, %c0_i32 : i32, i32
  }
  func.func @transform_4(%arg0: i32) -> (i32, i32) {
    %c0_i32 = arith.constant 0 : i32
    %c0_i32_0 = arith.constant 0 : i32
    %c0_i32_1 = arith.constant 0 : i32
    return %c0_i32, %c0_i32_0 : i32, i32
  }
  func.func @transform_5(%arg0: i32) -> (i32, i32) {
    %c0_i32 = arith.constant 0 : i32
    %c0_i32_0 = arith.constant 0 : i32
    return %arg0, %c0_i32 : i32, i32
  }
  func.func @transform_6(%arg0: i32) -> (i32, i32) {
    %c0_i32 = arith.constant 0 : i32
    %c0_i32_0 = arith.constant 0 : i32
    %c0_i32_1 = arith.constant 0 : i32
    return %c0_i32, %c0_i32_0 : i32, i32
  }
}

module attributes {stable_mosaic.version = 14 : i64} {
  func.func @body(%arg0: i32, %arg1: memref<400x128xf32, #tpu.memory_space<vmem>>, %arg2: memref<8x128xf32, #tpu.memory_space<vmem>>, %arg3: memref<1x128xf32, #tpu.memory_space<vmem>>, %arg4: memref<1x128xf32, #tpu.memory_space<vmem>>, %arg5: memref<400x1xf32, #tpu.memory_space<vmem>>, %arg6: memref<128x128xf32, #tpu.memory_space<vmem>>, %arg7: memref<400x128xf32, #tpu.memory_space<vmem>>, %arg8: memref<400x128xf32, #tpu.memory_space<vmem>>) attributes {dimension_semantics = [#tpu.dimension_semantics<arbitrary>], iteration_bounds = array<i64: 25>, scalar_prefetch = 0 : i64, scratch_operands = 0 : i64, tpu.core_type = #tpu.core_type<tc>, window_params = [{transform_indices = @transform_0, window_bounds = array<i64: 400, 128>}, {pipeline_mode = #tpu.pipeline_mode<synchronous>, transform_indices = @transform_1, window_bounds = array<i64: 8, 128>}, {pipeline_mode = #tpu.pipeline_mode<synchronous>, transform_indices = @transform_2, window_bounds = array<i64: 1, 128>}, {pipeline_mode = #tpu.pipeline_mode<synchronous>, transform_indices = @transform_3, window_bounds = array<i64: 1, 128>}, {transform_indices = @transform_4, window_bounds = array<i64: 400, 1>}, {pipeline_mode = #tpu.pipeline_mode<synchronous>, transform_indices = @transform_5, window_bounds = array<i64: 128, 128>}, {transform_indices = @transform_6, window_bounds = array<i64: 400, 128>}, {transform_indices = @transform_7, window_bounds = array<i64: 400, 128>}]} {
    %get3A = arith.constant 0 : index
    %get3A_0 = arith.constant 0 : index
    %get3A_1 = vector.load %arg2[%get3A, %get3A_0] : memref<8x128xf32, #tpu.memory_space<vmem>>, vector<1x128xf32>
    %mul3A = arith.constant 9.99999974E-5 : f32
    %mul3A_2 = vector.broadcast %mul3A : f32 to vector<1x128xf32>
    %mul3A_3 = arith.mulf %get3A_1, %mul3A_2 : vector<1x128xf32>
    %get3A_4 = arith.constant 1 : index
    %get3A_5 = arith.constant 0 : index
    %get3A_6 = vector.load %arg2[%get3A_4, %get3A_5] : memref<8x128xf32, #tpu.memory_space<vmem>>, vector<1x128xf32>
    %mul3A_7 = arith.constant 9.99999974E-5 : f32
    %mul3A_8 = vector.broadcast %mul3A_7 : f32 to vector<1x128xf32>
    %mul3A_9 = arith.mulf %get3A_6, %mul3A_8 : vector<1x128xf32>
    %mul3A_10 = arith.mulf %mul3A_3, %mul3A_3 : vector<1x128xf32>
    %sub3A = arith.subf %mul3A_9, %mul3A_10 : vector<1x128xf32>
    %add3A = arith.constant 9.99999974E-6 : f32
    %add3A_11 = vector.broadcast %add3A : f32 to vector<1x128xf32>
    %add3A_12 = arith.addf %sub3A, %add3A_11 : vector<1x128xf32>
    %rsqrt3A = math.rsqrt %add3A_12 : vector<1x128xf32>
    %get3A_13 = arith.constant 0 : index
    %get3A_14 = arith.constant 0 : index
    %get3A_15 = vector.load %arg1[%get3A_13, %get3A_14] : memref<400x128xf32, #tpu.memory_space<vmem>>, vector<400x128xf32>
    %sub3A_16 = vector.broadcast %mul3A_3 : vector<1x128xf32> to vector<400x128xf32>
    %sub3A_17 = arith.subf %get3A_15, %sub3A_16 : vector<400x128xf32>
    %mul3A_18 = vector.broadcast %rsqrt3A : vector<1x128xf32> to vector<400x128xf32>
    %mul3A_19 = arith.mulf %sub3A_17, %mul3A_18 : vector<400x128xf32>
    %get3A_20 = arith.constant 0 : index
    %get3A_21 = arith.constant 0 : index
    %get3A_22 = vector.load %arg3[%get3A_20, %get3A_21] : memref<1x128xf32, #tpu.memory_space<vmem>>, vector<1x128xf32>
    %mul3A_23 = vector.broadcast %get3A_22 : vector<1x128xf32> to vector<400x128xf32>
    %mul3A_24 = arith.mulf %mul3A_19, %mul3A_23 : vector<400x128xf32>
    %get3A_25 = arith.constant 0 : index
    %get3A_26 = arith.constant 0 : index
    %get3A_27 = vector.load %arg4[%get3A_25, %get3A_26] : memref<1x128xf32, #tpu.memory_space<vmem>>, vector<1x128xf32>
    %add3A_28 = vector.broadcast %get3A_27 : vector<1x128xf32> to vector<400x128xf32>
    %add3A_29 = arith.addf %mul3A_24, %add3A_28 : vector<400x128xf32>
    %swap3A = arith.constant 0 : index
    %swap3A_30 = arith.constant 0 : index
    %swap3A_31 = vector.load %arg7[%swap3A, %swap3A_30] : memref<400x128xf32, #tpu.memory_space<vmem>>, vector<400x128xf32>
    tpu.vector_store %arg7[%swap3A, %swap3A_30], %add3A_29 {strides = array<i32>} : memref<400x128xf32, #tpu.memory_space<vmem>>, vector<400x128xf32>,
    %get3A_32 = arith.constant 0 : index
    %get3A_33 = arith.constant 0 : index
    %get3A_34 = vector.load %arg6[%get3A_32, %get3A_33] : memref<128x128xf32, #tpu.memory_space<vmem>>, vector<128x128xf32>
    %dot_general3A = arith.constant dense<0.000000e+00> : vector<400x128xf32>
    %dot_general3A_35 = tpu.matmul %add3A_29, %get3A_34, %dot_general3A {dimension_numbers = #tpu.dot_dimension_numbers<[1], [0], [0], [1], [0, 0, 1, 1], [], []>, transpose_lhs_hint = false} : vector<400x128xf32>, vector<128x128xf32>, vector<400x128xf32> -> vector<400x128xf32>
    %get3A_36 = arith.constant 0 : index
    %get3A_37 = arith.constant 0 : index
    %get3A_38 = vector.load %arg5[%get3A_36, %get3A_37] : memref<400x1xf32, #tpu.memory_space<vmem>>, vector<400x1xf32>
    %mul3A_39 = vector.broadcast %get3A_38 : vector<400x1xf32> to vector<400x128xf32>
    %mul3A_40 = arith.mulf %dot_general3A_35, %mul3A_39 : vector<400x128xf32>
    %swap3A_41 = arith.constant 0 : index
    %swap3A_42 = arith.constant 0 : index
    %swap3A_43 = vector.load %arg8[%swap3A_41, %swap3A_42] : memref<400x128xf32, #tpu.memory_space<vmem>>, vector<400x128xf32>
    tpu.vector_store %arg8[%swap3A_41, %swap3A_42], %mul3A_40 {strides = array<i32>} : memref<400x128xf32, #tpu.memory_space<vmem>>, vector<400x128xf32>,
    return
  }
  func.func @transform_0(%arg0: i32) -> (i32, i32) {
    %c0_i32 = arith.constant 0 : i32
    %c0_i32_0 = arith.constant 0 : i32
    return %arg0, %c0_i32 : i32, i32
  }
  func.func @transform_1(%arg0: i32) -> (i32, i32) {
    %c0_i32 = arith.constant 0 : i32
    %c0_i32_0 = arith.constant 0 : i32
    %c0_i32_1 = arith.constant 0 : i32
    return %c0_i32, %c0_i32_0 : i32, i32
  }
  func.func @transform_2(%arg0: i32) -> (i32, i32) {
    %c0_i32 = arith.constant 0 : i32
    %c0_i32_0 = arith.constant 0 : i32
    %c0_i32_1 = arith.constant 0 : i32
    return %c0_i32, %c0_i32_0 : i32, i32
  }
  func.func @transform_3(%arg0: i32) -> (i32, i32) {
    %c0_i32 = arith.constant 0 : i32
    %c0_i32_0 = arith.constant 0 : i32
    %c0_i32_1 = arith.constant 0 : i32
    return %c0_i32, %c0_i32_0 : i32, i32
  }
  func.func @transform_4(%arg0: i32) -> (i32, i32) {
    %c0_i32 = arith.constant 0 : i32
    %c0_i32_0 = arith.constant 0 : i32
    return %arg0, %c0_i32 : i32, i32
  }
  func.func @transform_5(%arg0: i32) -> (i32, i32) {
    %c0_i32 = arith.constant 0 : i32
    %c0_i32_0 = arith.constant 0 : i32
    %c0_i32_1 = arith.constant 0 : i32
    return %c0_i32, %c0_i32_0 : i32, i32
  }
  func.func @transform_6(%arg0: i32) -> (i32, i32) {
    %c0_i32 = arith.constant 0 : i32
    %c0_i32_0 = arith.constant 0 : i32
    return %arg0, %c0_i32 : i32, i32
  }
  func.func @transform_7(%arg0: i32) -> (i32, i32) {
    %c0_i32 = arith.constant 0 : i32
    %c0_i32_0 = arith.constant 0 : i32
    return %arg0, %c0_i32 : i32, i32
  }
}

module attributes {stable_mosaic.version = 14 : i64} {
  func.func @body(%arg0: i32, %arg1: memref<400x128xf32, #tpu.memory_space<vmem>>, %arg2: memref<8x128xf32, #tpu.memory_space<vmem>>, %arg3: memref<1x128xf32, #tpu.memory_space<vmem>>, %arg4: memref<1x128xf32, #tpu.memory_space<vmem>>, %arg5: memref<400x128xf32, #tpu.memory_space<vmem>>, %arg6: memref<400x1xf32, #tpu.memory_space<vmem>>, %arg7: memref<128x128xf32, #tpu.memory_space<vmem>>, %arg8: memref<400x128xf32, #tpu.memory_space<vmem>>, %arg9: memref<400x128xf32, #tpu.memory_space<vmem>>) attributes {dimension_semantics = [#tpu.dimension_semantics<arbitrary>], iteration_bounds = array<i64: 25>, scalar_prefetch = 0 : i64, scratch_operands = 0 : i64, tpu.core_type = #tpu.core_type<tc>, window_params = [{transform_indices = @transform_0, window_bounds = array<i64: 400, 128>}, {pipeline_mode = #tpu.pipeline_mode<synchronous>, transform_indices = @transform_1, window_bounds = array<i64: 8, 128>}, {pipeline_mode = #tpu.pipeline_mode<synchronous>, transform_indices = @transform_2, window_bounds = array<i64: 1, 128>}, {pipeline_mode = #tpu.pipeline_mode<synchronous>, transform_indices = @transform_3, window_bounds = array<i64: 1, 128>}, {transform_indices = @transform_4, window_bounds = array<i64: 400, 128>}, {transform_indices = @transform_5, window_bounds = array<i64: 400, 1>}, {pipeline_mode = #tpu.pipeline_mode<synchronous>, transform_indices = @transform_6, window_bounds = array<i64: 128, 128>}, {transform_indices = @transform_7, window_bounds = array<i64: 400, 128>}, {transform_indices = @transform_8, window_bounds = array<i64: 400, 128>}]} {
    %get3A = arith.constant 0 : index
    %get3A_0 = arith.constant 0 : index
    %get3A_1 = vector.load %arg2[%get3A, %get3A_0] : memref<8x128xf32, #tpu.memory_space<vmem>>, vector<1x128xf32>
    %mul3A = arith.constant 9.99999974E-5 : f32
    %mul3A_2 = vector.broadcast %mul3A : f32 to vector<1x128xf32>
    %mul3A_3 = arith.mulf %get3A_1, %mul3A_2 : vector<1x128xf32>
    %get3A_4 = arith.constant 1 : index
    %get3A_5 = arith.constant 0 : index
    %get3A_6 = vector.load %arg2[%get3A_4, %get3A_5] : memref<8x128xf32, #tpu.memory_space<vmem>>, vector<1x128xf32>
    %mul3A_7 = arith.constant 9.99999974E-5 : f32
    %mul3A_8 = vector.broadcast %mul3A_7 : f32 to vector<1x128xf32>
    %mul3A_9 = arith.mulf %get3A_6, %mul3A_8 : vector<1x128xf32>
    %mul3A_10 = arith.mulf %mul3A_3, %mul3A_3 : vector<1x128xf32>
    %sub3A = arith.subf %mul3A_9, %mul3A_10 : vector<1x128xf32>
    %add3A = arith.constant 9.99999974E-6 : f32
    %add3A_11 = vector.broadcast %add3A : f32 to vector<1x128xf32>
    %add3A_12 = arith.addf %sub3A, %add3A_11 : vector<1x128xf32>
    %rsqrt3A = math.rsqrt %add3A_12 : vector<1x128xf32>
    %get3A_13 = arith.constant 0 : index
    %get3A_14 = arith.constant 0 : index
    %get3A_15 = vector.load %arg1[%get3A_13, %get3A_14] : memref<400x128xf32, #tpu.memory_space<vmem>>, vector<400x128xf32>
    %sub3A_16 = vector.broadcast %mul3A_3 : vector<1x128xf32> to vector<400x128xf32>
    %sub3A_17 = arith.subf %get3A_15, %sub3A_16 : vector<400x128xf32>
    %mul3A_18 = vector.broadcast %rsqrt3A : vector<1x128xf32> to vector<400x128xf32>
    %mul3A_19 = arith.mulf %sub3A_17, %mul3A_18 : vector<400x128xf32>
    %get3A_20 = arith.constant 0 : index
    %get3A_21 = arith.constant 0 : index
    %get3A_22 = vector.load %arg3[%get3A_20, %get3A_21] : memref<1x128xf32, #tpu.memory_space<vmem>>, vector<1x128xf32>
    %mul3A_23 = vector.broadcast %get3A_22 : vector<1x128xf32> to vector<400x128xf32>
    %mul3A_24 = arith.mulf %mul3A_19, %mul3A_23 : vector<400x128xf32>
    %get3A_25 = arith.constant 0 : index
    %get3A_26 = arith.constant 0 : index
    %get3A_27 = vector.load %arg4[%get3A_25, %get3A_26] : memref<1x128xf32, #tpu.memory_space<vmem>>, vector<1x128xf32>
    %add3A_28 = vector.broadcast %get3A_27 : vector<1x128xf32> to vector<400x128xf32>
    %add3A_29 = arith.addf %mul3A_24, %add3A_28 : vector<400x128xf32>
    %get3A_30 = arith.constant 0 : index
    %get3A_31 = arith.constant 0 : index
    %get3A_32 = vector.load %arg5[%get3A_30, %get3A_31] : memref<400x128xf32, #tpu.memory_space<vmem>>, vector<400x128xf32>
    %add3A_33 = arith.addf %add3A_29, %get3A_32 : vector<400x128xf32>
    %swap3A = arith.constant 0 : index
    %swap3A_34 = arith.constant 0 : index
    %swap3A_35 = vector.load %arg8[%swap3A, %swap3A_34] : memref<400x128xf32, #tpu.memory_space<vmem>>, vector<400x128xf32>
    tpu.vector_store %arg8[%swap3A, %swap3A_34], %add3A_33 {strides = array<i32>} : memref<400x128xf32, #tpu.memory_space<vmem>>, vector<400x128xf32>,
    %get3A_36 = arith.constant 0 : index
    %get3A_37 = arith.constant 0 : index
    %get3A_38 = vector.load %arg7[%get3A_36, %get3A_37] : memref<128x128xf32, #tpu.memory_space<vmem>>, vector<128x128xf32>
    %dot_general3A = arith.constant dense<0.000000e+00> : vector<400x128xf32>
    %dot_general3A_39 = tpu.matmul %add3A_33, %get3A_38, %dot_general3A {dimension_numbers = #tpu.dot_dimension_numbers<[1], [0], [0], [1], [0, 0, 1, 1], [], []>, transpose_lhs_hint = false} : vector<400x128xf32>, vector<128x128xf32>, vector<400x128xf32> -> vector<400x128xf32>
    %get3A_40 = arith.constant 0 : index
    %get3A_41 = arith.constant 0 : index
    %get3A_42 = vector.load %arg6[%get3A_40, %get3A_41] : memref<400x1xf32, #tpu.memory_space<vmem>>, vector<400x1xf32>
    %mul3A_43 = vector.broadcast %get3A_42 : vector<400x1xf32> to vector<400x128xf32>
    %mul3A_44 = arith.mulf %dot_general3A_39, %mul3A_43 : vector<400x128xf32>
    %swap3A_45 = arith.constant 0 : index
    %swap3A_46 = arith.constant 0 : index
    %swap3A_47 = vector.load %arg9[%swap3A_45, %swap3A_46] : memref<400x128xf32, #tpu.memory_space<vmem>>, vector<400x128xf32>
    tpu.vector_store %arg9[%swap3A_45, %swap3A_46], %mul3A_44 {strides = array<i32>} : memref<400x128xf32, #tpu.memory_space<vmem>>, vector<400x128xf32>,
    return
  }
  func.func @transform_0(%arg0: i32) -> (i32, i32) {
    %c0_i32 = arith.constant 0 : i32
    %c0_i32_0 = arith.constant 0 : i32
    return %arg0, %c0_i32 : i32, i32
  }
  func.func @transform_1(%arg0: i32) -> (i32, i32) {
    %c0_i32 = arith.constant 0 : i32
    %c0_i32_0 = arith.constant 0 : i32
    %c0_i32_1 = arith.constant 0 : i32
    return %c0_i32, %c0_i32_0 : i32, i32
  }
  func.func @transform_2(%arg0: i32) -> (i32, i32) {
    %c0_i32 = arith.constant 0 : i32
    %c0_i32_0 = arith.constant 0 : i32
    %c0_i32_1 = arith.constant 0 : i32
    return %c0_i32, %c0_i32_0 : i32, i32
  }
  func.func @transform_3(%arg0: i32) -> (i32, i32) {
    %c0_i32 = arith.constant 0 : i32
    %c0_i32_0 = arith.constant 0 : i32
    %c0_i32_1 = arith.constant 0 : i32
    return %c0_i32, %c0_i32_0 : i32, i32
  }
  func.func @transform_4(%arg0: i32) -> (i32, i32) {
    %c0_i32 = arith.constant 0 : i32
    %c0_i32_0 = arith.constant 0 : i32
    return %arg0, %c0_i32 : i32, i32
  }
  func.func @transform_5(%arg0: i32) -> (i32, i32) {
    %c0_i32 = arith.constant 0 : i32
    %c0_i32_0 = arith.constant 0 : i32
    return %arg0, %c0_i32 : i32, i32
  }
  func.func @transform_6(%arg0: i32) -> (i32, i32) {
    %c0_i32 = arith.constant 0 : i32
    %c0_i32_0 = arith.constant 0 : i32
    %c0_i32_1 = arith.constant 0 : i32
    return %c0_i32, %c0_i32_0 : i32, i32
  }
  func.func @transform_7(%arg0: i32) -> (i32, i32) {
    %c0_i32 = arith.constant 0 : i32
    %c0_i32_0 = arith.constant 0 : i32
    return %arg0, %c0_i32 : i32, i32
  }
  func.func @transform_8(%arg0: i32) -> (i32, i32) {
    %c0_i32 = arith.constant 0 : i32
    %c0_i32_0 = arith.constant 0 : i32
    return %arg0, %c0_i32 : i32, i32
  }
}

module attributes {stable_mosaic.version = 14 : i64} {
  func.func @body(%arg0: i32, %arg1: memref<400x128xf32, #tpu.memory_space<vmem>>, %arg2: memref<8x128xf32, #tpu.memory_space<vmem>>, %arg3: memref<1x128xf32, #tpu.memory_space<vmem>>, %arg4: memref<1x128xf32, #tpu.memory_space<vmem>>, %arg5: memref<400x128xf32, #tpu.memory_space<vmem>>, %arg6: memref<400x128xf32, #tpu.memory_space<vmem>>) attributes {dimension_semantics = [#tpu.dimension_semantics<arbitrary>], iteration_bounds = array<i64: 25>, scalar_prefetch = 0 : i64, scratch_operands = 0 : i64, tpu.core_type = #tpu.core_type<tc>, window_params = [{transform_indices = @transform_0, window_bounds = array<i64: 400, 128>}, {pipeline_mode = #tpu.pipeline_mode<synchronous>, transform_indices = @transform_1, window_bounds = array<i64: 8, 128>}, {pipeline_mode = #tpu.pipeline_mode<synchronous>, transform_indices = @transform_2, window_bounds = array<i64: 1, 128>}, {pipeline_mode = #tpu.pipeline_mode<synchronous>, transform_indices = @transform_3, window_bounds = array<i64: 1, 128>}, {transform_indices = @transform_4, window_bounds = array<i64: 400, 128>}, {transform_indices = @transform_5, window_bounds = array<i64: 400, 128>}]} {
    %get3A = arith.constant 0 : index
    %get3A_0 = arith.constant 0 : index
    %get3A_1 = vector.load %arg2[%get3A, %get3A_0] : memref<8x128xf32, #tpu.memory_space<vmem>>, vector<1x128xf32>
    %mul3A = arith.constant 9.99999974E-5 : f32
    %mul3A_2 = vector.broadcast %mul3A : f32 to vector<1x128xf32>
    %mul3A_3 = arith.mulf %get3A_1, %mul3A_2 : vector<1x128xf32>
    %get3A_4 = arith.constant 1 : index
    %get3A_5 = arith.constant 0 : index
    %get3A_6 = vector.load %arg2[%get3A_4, %get3A_5] : memref<8x128xf32, #tpu.memory_space<vmem>>, vector<1x128xf32>
    %mul3A_7 = arith.constant 9.99999974E-5 : f32
    %mul3A_8 = vector.broadcast %mul3A_7 : f32 to vector<1x128xf32>
    %mul3A_9 = arith.mulf %get3A_6, %mul3A_8 : vector<1x128xf32>
    %mul3A_10 = arith.mulf %mul3A_3, %mul3A_3 : vector<1x128xf32>
    %sub3A = arith.subf %mul3A_9, %mul3A_10 : vector<1x128xf32>
    %add3A = arith.constant 9.99999974E-6 : f32
    %add3A_11 = vector.broadcast %add3A : f32 to vector<1x128xf32>
    %add3A_12 = arith.addf %sub3A, %add3A_11 : vector<1x128xf32>
    %rsqrt3A = math.rsqrt %add3A_12 : vector<1x128xf32>
    %get3A_13 = arith.constant 0 : index
    %get3A_14 = arith.constant 0 : index
    %get3A_15 = vector.load %arg1[%get3A_13, %get3A_14] : memref<400x128xf32, #tpu.memory_space<vmem>>, vector<400x128xf32>
    %sub3A_16 = vector.broadcast %mul3A_3 : vector<1x128xf32> to vector<400x128xf32>
    %sub3A_17 = arith.subf %get3A_15, %sub3A_16 : vector<400x128xf32>
    %mul3A_18 = vector.broadcast %rsqrt3A : vector<1x128xf32> to vector<400x128xf32>
    %mul3A_19 = arith.mulf %sub3A_17, %mul3A_18 : vector<400x128xf32>
    %get3A_20 = arith.constant 0 : index
    %get3A_21 = arith.constant 0 : index
    %get3A_22 = vector.load %arg3[%get3A_20, %get3A_21] : memref<1x128xf32, #tpu.memory_space<vmem>>, vector<1x128xf32>
    %mul3A_23 = vector.broadcast %get3A_22 : vector<1x128xf32> to vector<400x128xf32>
    %mul3A_24 = arith.mulf %mul3A_19, %mul3A_23 : vector<400x128xf32>
    %get3A_25 = arith.constant 0 : index
    %get3A_26 = arith.constant 0 : index
    %get3A_27 = vector.load %arg4[%get3A_25, %get3A_26] : memref<1x128xf32, #tpu.memory_space<vmem>>, vector<1x128xf32>
    %add3A_28 = vector.broadcast %get3A_27 : vector<1x128xf32> to vector<400x128xf32>
    %add3A_29 = arith.addf %mul3A_24, %add3A_28 : vector<400x128xf32>
    %get3A_30 = arith.constant 0 : index
    %get3A_31 = arith.constant 0 : index
    %get3A_32 = vector.load %arg5[%get3A_30, %get3A_31] : memref<400x128xf32, #tpu.memory_space<vmem>>, vector<400x128xf32>
    %add3A_33 = arith.addf %add3A_29, %get3A_32 : vector<400x128xf32>
    %swap3A = arith.constant 0 : index
    %swap3A_34 = arith.constant 0 : index
    %swap3A_35 = vector.load %arg6[%swap3A, %swap3A_34] : memref<400x128xf32, #tpu.memory_space<vmem>>, vector<400x128xf32>
    tpu.vector_store %arg6[%swap3A, %swap3A_34], %add3A_33 {strides = array<i32>} : memref<400x128xf32, #tpu.memory_space<vmem>>, vector<400x128xf32>,
    return
  }
  func.func @transform_0(%arg0: i32) -> (i32, i32) {
    %c0_i32 = arith.constant 0 : i32
    %c0_i32_0 = arith.constant 0 : i32
    return %arg0, %c0_i32 : i32, i32
  }
  func.func @transform_1(%arg0: i32) -> (i32, i32) {
    %c0_i32 = arith.constant 0 : i32
    %c0_i32_0 = arith.constant 0 : i32
    %c0_i32_1 = arith.constant 0 : i32
    return %c0_i32, %c0_i32_0 : i32, i32
  }
  func.func @transform_2(%arg0: i32) -> (i32, i32) {
    %c0_i32 = arith.constant 0 : i32
    %c0_i32_0 = arith.constant 0 : i32
    %c0_i32_1 = arith.constant 0 : i32
    return %c0_i32, %c0_i32_0 : i32, i32
  }
  func.func @transform_3(%arg0: i32) -> (i32, i32) {
    %c0_i32 = arith.constant 0 : i32
    %c0_i32_0 = arith.constant 0 : i32
    %c0_i32_1 = arith.constant 0 : i32
    return %c0_i32, %c0_i32_0 : i32, i32
  }
  func.func @transform_4(%arg0: i32) -> (i32, i32) {
    %c0_i32 = arith.constant 0 : i32
    %c0_i32_0 = arith.constant 0 : i32
    return %arg0, %c0_i32 : i32, i32
  }
  func.func @transform_5(%arg0: i32) -> (i32, i32) {
    %c0_i32 = arith.constant 0 : i32
    %c0_i32_0 = arith.constant 0 : i32
    return %arg0, %c0_i32 : i32, i32
  }
}

module attributes {stable_mosaic.version = 14 : i64} {
  func.func @_head_body(%arg0: i32, %arg1: memref<64x128xf32, #tpu.memory_space<vmem>>, %arg2: memref<64x128xf32, #tpu.memory_space<vmem>>, %arg3: memref<64x128xf32, #tpu.memory_space<vmem>>, %arg4: memref<64x128xf32, #tpu.memory_space<vmem>>, %arg5: memref<128x128xf32, #tpu.memory_space<vmem>>, %arg6: memref<1x128xf32, #tpu.memory_space<vmem>>, %arg7: memref<128x1xf32, #tpu.memory_space<vmem>>, %arg8: memref<1x1xf32, #tpu.memory_space<vmem>>, %arg9: memref<64x1xf32, #tpu.memory_space<vmem>>) attributes {dimension_semantics = [#tpu.dimension_semantics<arbitrary>], iteration_bounds = array<i64: 1>, scalar_prefetch = 0 : i64, scratch_operands = 0 : i64, tpu.core_type = #tpu.core_type<tc>, window_params = [{transform_indices = @transform_0, window_bounds = array<i64: 64, 128>}, {transform_indices = @transform_1, window_bounds = array<i64: 64, 128>}, {transform_indices = @transform_2, window_bounds = array<i64: 64, 128>}, {transform_indices = @transform_3, window_bounds = array<i64: 64, 128>}, {pipeline_mode = #tpu.pipeline_mode<synchronous>, transform_indices = @transform_4, window_bounds = array<i64: 128, 128>}, {pipeline_mode = #tpu.pipeline_mode<synchronous>, transform_indices = @transform_5, window_bounds = array<i64: 1, 128>}, {pipeline_mode = #tpu.pipeline_mode<synchronous>, transform_indices = @transform_6, window_bounds = array<i64: 128, 1>}, {pipeline_mode = #tpu.pipeline_mode<synchronous>, transform_indices = @transform_7, window_bounds = array<i64: 1, 1>}, {pipeline_mode = #tpu.pipeline_mode<synchronous>, transform_indices = @transform_8, window_bounds = array<i64: 64, 1>}]} {
    %get3A = arith.constant 0 : index
    %get3A_0 = arith.constant 0 : index
    %get3A_1 = vector.load %arg3[%get3A, %get3A_0] : memref<64x128xf32, #tpu.memory_space<vmem>>, vector<64x1xf32>
    %get3A_2 = arith.constant 0 : index
    %get3A_3 = arith.constant 0 : index
    %get3A_4 = vector.load %arg4[%get3A_2, %get3A_3] : memref<64x128xf32, #tpu.memory_space<vmem>>, vector<64x1xf32>
    %add3A = arith.addf %get3A_1, %get3A_4 : vector<64x1xf32>
    %get3A_5 = arith.constant 0 : index
    %get3A_6 = arith.constant 0 : index
    %get3A_7 = vector.load %arg1[%get3A_5, %get3A_6] : memref<64x128xf32, #tpu.memory_space<vmem>>, vector<64x128xf32>
    %get3A_8 = arith.constant 0 : index
    %get3A_9 = arith.constant 0 : index
    %get3A_10 = vector.load %arg2[%get3A_8, %get3A_9] : memref<64x128xf32, #tpu.memory_space<vmem>>, vector<64x128xf32>
    %add3A_11 = arith.addf %get3A_7, %get3A_10 : vector<64x128xf32>
    %max3A = arith.constant 1.000000e+00 : f32
    %max3A_12 = vector.broadcast %max3A : f32 to vector<64x1xf32>
    %max3A_13 = arith.maximumf %add3A, %max3A_12 : vector<64x1xf32>
    %div3A = vector.broadcast %max3A_13 : vector<64x1xf32> to vector<64x128xf32>
    %div3A_14 = arith.divf %add3A_11, %div3A : vector<64x128xf32>
    %get3A_15 = arith.constant 0 : index
    %get3A_16 = arith.constant 0 : index
    %get3A_17 = vector.load %arg5[%get3A_15, %get3A_16] : memref<128x128xf32, #tpu.memory_space<vmem>>, vector<128x128xf32>
    %dot_general3A = arith.constant dense<0.000000e+00> : vector<64x128xf32>
    %dot_general3A_18 = tpu.matmul %div3A_14, %get3A_17, %dot_general3A {dimension_numbers = #tpu.dot_dimension_numbers<[1], [0], [0], [1], [0, 0, 1, 1], [], []>, transpose_lhs_hint = false} : vector<64x128xf32>, vector<128x128xf32>, vector<64x128xf32> -> vector<64x128xf32>
    %get3A_19 = arith.constant 0 : index
    %get3A_20 = arith.constant 0 : index
    %get3A_21 = vector.load %arg6[%get3A_19, %get3A_20] : memref<1x128xf32, #tpu.memory_space<vmem>>, vector<1x128xf32>
    %add3A_22 = vector.broadcast %get3A_21 : vector<1x128xf32> to vector<64x128xf32>
    %add3A_23 = arith.addf %dot_general3A_18, %add3A_22 : vector<64x128xf32>
    %max3A_24 = arith.constant 0.000000e+00 : f32
    %max3A_25 = vector.broadcast %max3A_24 : f32 to vector<64x128xf32>
    %max3A_26 = arith.maximumf %add3A_23, %max3A_25 : vector<64x128xf32>
    %get3A_27 = arith.constant 0 : index
    %get3A_28 = arith.constant 0 : index
    %get3A_29 = vector.load %arg7[%get3A_27, %get3A_28] : memref<128x1xf32, #tpu.memory_space<vmem>>, vector<128x1xf32>
    %dot_general3A_30 = arith.constant dense<0.000000e+00> : vector<64x1xf32>
    %dot_general3A_31 = tpu.matmul %max3A_26, %get3A_29, %dot_general3A_30 {dimension_numbers = #tpu.dot_dimension_numbers<[1], [0], [0], [1], [0, 0, 1, 1], [], []>, transpose_lhs_hint = false} : vector<64x128xf32>, vector<128x1xf32>, vector<64x1xf32> -> vector<64x1xf32>
    %get3A_32 = arith.constant 0 : index
    %get3A_33 = arith.constant 0 : index
    %get3A_34 = vector.load %arg8[%get3A_32, %get3A_33] : memref<1x1xf32, #tpu.memory_space<vmem>>, vector<1x1xf32>
    %add3A_35 = vector.broadcast %get3A_34 : vector<1x1xf32> to vector<64x1xf32>
    %add3A_36 = arith.addf %dot_general3A_31, %add3A_35 : vector<64x1xf32>
    %swap3A = arith.constant 0 : index
    %swap3A_37 = arith.constant 0 : index
    %swap3A_38 = vector.load %arg9[%swap3A, %swap3A_37] : memref<64x1xf32, #tpu.memory_space<vmem>>, vector<64x1xf32>
    tpu.vector_store %arg9[%swap3A, %swap3A_37], %add3A_36 {strides = array<i32>} : memref<64x1xf32, #tpu.memory_space<vmem>>, vector<64x1xf32>,
    return
  }
  func.func @transform_0(%arg0: i32) -> (i32, i32) {
    %c0_i32 = arith.constant 0 : i32
    %c0_i32_0 = arith.constant 0 : i32
    %c0_i32_1 = arith.constant 0 : i32
    return %c0_i32, %c0_i32_0 : i32, i32
  }
  func.func @transform_1(%arg0: i32) -> (i32, i32) {
    %c2_i32 = arith.constant 2 : i32
    %c0_i32 = arith.constant 0 : i32
    %c0_i32_0 = arith.constant 0 : i32
    return %c2_i32, %c0_i32 : i32, i32
  }
  func.func @transform_2(%arg0: i32) -> (i32, i32) {
    %c0_i32 = arith.constant 0 : i32
    %c0_i32_0 = arith.constant 0 : i32
    %c0_i32_1 = arith.constant 0 : i32
    return %c0_i32, %c0_i32_0 : i32, i32
  }
  func.func @transform_3(%arg0: i32) -> (i32, i32) {
    %c2_i32 = arith.constant 2 : i32
    %c0_i32 = arith.constant 0 : i32
    %c0_i32_0 = arith.constant 0 : i32
    return %c2_i32, %c0_i32 : i32, i32
  }
  func.func @transform_4(%arg0: i32) -> (i32, i32) {
    %c0_i32 = arith.constant 0 : i32
    %c0_i32_0 = arith.constant 0 : i32
    %c0_i32_1 = arith.constant 0 : i32
    return %c0_i32, %c0_i32_0 : i32, i32
  }
  func.func @transform_5(%arg0: i32) -> (i32, i32) {
    %c0_i32 = arith.constant 0 : i32
    %c0_i32_0 = arith.constant 0 : i32
    %c0_i32_1 = arith.constant 0 : i32
    return %c0_i32, %c0_i32_0 : i32, i32
  }
  func.func @transform_6(%arg0: i32) -> (i32, i32) {
    %c0_i32 = arith.constant 0 : i32
    %c0_i32_0 = arith.constant 0 : i32
    %c0_i32_1 = arith.constant 0 : i32
    return %c0_i32, %c0_i32_0 : i32, i32
  }
  func.func @transform_7(%arg0: i32) -> (i32, i32) {
    %c0_i32 = arith.constant 0 : i32
    %c0_i32_0 = arith.constant 0 : i32
    %c0_i32_1 = arith.constant 0 : i32
    return %c0_i32, %c0_i32_0 : i32, i32
  }
  func.func @transform_8(%arg0: i32) -> (i32, i32) {
    %c0_i32 = arith.constant 0 : i32
    %c0_i32_0 = arith.constant 0 : i32
    %c0_i32_1 = arith.constant 0 : i32
    return %c0_i32, %c0_i32_0 : i32, i32
  }
}

</mosaic_0001>

<sc_bundles>
// kernel: kernel.15.cloned.1.call-start
scs
__scs_entry_jumppad:
0x0: {  	(pc) =	sbr.rel $0x88, $3  }
0x1: {  	(tag) =	ssettag $0x0;
	lr =	simm.s32 $0x1  }
0x2: {  	[smem:$0x3F8E] =	sst lr;
	_ =	strace $0xD0000000  }
0x3: {  	_ = 	snop  }
0x4: {  	_ = 	snop  }
0x5: {  	_ = 	snop  }
0x6: {  	_ = 	snop  }
0x7: {  	_ = 	snop  }
__scs_overlays_trampoline_lowered:
0x8: {  	[smem:$0x3F9D] =	sst s0  }
0x9: {  	[smem:$0x3F9E] =	sst s1  }
0xa: {  	[smem:$0x3F9F] =	sst s2  }
0xb: {  	[smem:$0x3FA0] =	sst s3  }
0xc: {  	[smem:$0x3FA1] =	sst s4  }
0xd: {  	[smem:$0x3FA2] =	sst s5  }
0xe: {  	[smem:$0x3FA3] =	sst s6  }
0xf: {  	[smem:$0x3FA4] =	sst s7  }
0x10: {  	[smem:$0x3FA5] =	sst s8  }
0x11: {  	[smem:$0x3FA6] =	sst s9;
	s0 =	simm.s32 @!p0 $0x0  }
0x12: {  	s1 =	sld [smem:$0x3F8C];
	s0 =	simm.s32 @p0 $0x1  }
0x13: {  	[smem:$0x3FA7] =	sst s0;
	s0 =	simm.s32 @!p1 $0x0  }
0x14: {  	s2 =	sld [smem:$0x3F8B];
	s0 =	simm.s32 @p1 $0x1  }
0x15: {  	[smem:$0x3FA8] =	sst s0;
	s0 =	simm.s32 @!p2 $0x0  }
0x16: {  	s3 =	sld [smem:$0x3FDB];
	s0 =	simm.s32 @p2 $0x1  }
0x17: {  	s4 =	simm.s32 $0x1BF5;
	[smem:$0x3FAA] =	sst s0  }
0x18: {  	s0 =	sld [smem:$0x3F8D];
	_ =	swait.ge [sflag:s4], $0x0  }
0x19: {  	s7 =	sld [smem:$0x3F8E]  }
0x1a: {  	s8 =	sadd.s32 $0xFFFFE003, lr  }
0x1b: {  	s9 =	sadd.s32 $0xFFFFFEF7, lr;
	s5 =	simm.s32 $0xFFFFFFFF;
	p2 =	slt.u32 s8, $0xFFFFF086  }
0x1c: {  	p1 =	slt.u32 s9, $0xF7A;
	s5 =	simm.s32 @!p2 $0x0  }
0x1d: {  	s5 =	simm.s32 @p1 $0x1;
	p0 =	seq.s32 s7, s2  }
0x1e: {  	s7 =	smul.u32 @!p0 $0xF7A, s2;
	p2 =	seq.s32 @!p0 s5, $0x0  }
0x1f: {  	s9 =	smul.u32 $0xF7A, s1;
	s8 =	simm.s32 @!p0 $0x1BF5;
	p2 =	por !p2, p0  }
0x20: {  	[sflag:s8] =	ssyncset.s32 @!p0 $0xFFFFF086;
	s6 =	sadd.s32 @!p0 s3, s7;
	s7 =	simm.s32 @!p0 $0x108  }
0x21: {  	s3 =	sadd.s32 s3, s9;
	s6 =	sadd.s32 @!p0 $0x88, s6;
	s7 =	simm.s32 @p2 $0x1082  }
0x22: {  	[simem:s7], [sflag:s8] =	dma.local @!p0 [hbm:s6], $0xF7A  }
0x23: {  	s9 =	sor.u32 $0xD0000000, s2;
	s6 =	simm.s32 $0x108;
	_ =	swait.ge @!p0 [sflag:s8], $0x0  }
0x24: {  	s3 =	sadd.s32 $0x88, s3;
	s6 =	simm.s32 @!p1 $0x1082;
	[sflag:s4] =	ssyncset.s32 $0xFFFFF086  }
0x25: {  	[simem:s6], [sflag:s4] =	dma.local [hbm:s3], $0xF7A  }
0x26: {  	[smem:$0x3F8E] =	sst s1;
	(tag) =	ssettag s2;
	_ =	strace s9  }
0x27: {  	s1 =	sld [smem:$0x3F9E]  }
0x28: {  	s2 =	sld [smem:$0x3F9F]  }
0x29: {  	s4 =	sld [smem:$0x3FA1]  }
0x2a: {  	p0 =	seq.s32 s5, $0x0;
	s5 =	sld [smem:$0x3FA2]  }
0x2b: {  	s6 =	sld [smem:$0x3FA3]  }
0x2c: {  	s7 =	sld [smem:$0x3FA4]  }
0x2d: {  	s3 =	simm.s32 $0x108;
	s8 =	sld [smem:$0x3FA5]  }
0x2e: {  	s3 =	simm.s32 @!p0 $0x1082;
	s9 =	sld [smem:$0x3FA6]  }
0x2f: {  	lr =	sadd.s32 s0, s3;
	s0 =	sld [smem:$0x3F9D]  }
0x30: {  	s3 =	sld [smem:$0x3FA0]  }
0x31: {  	[smem:$0x3FA9] =	sst s10  }
0x32: {  	s10 =	sld [smem:$0x3FA7];
	_ =	sdelay $0x3  }
0x33: {  	p0 =	seq.s32 s10, $0x1;
	s10 =	sld [smem:$0x3FA9];
	_ =	sdelay $0x3  }
0x34: {  	[smem:$0x3FA9] =	sst s10  }
0x35: {  	s10 =	sld [smem:$0x3FA8];
	_ =	sdelay $0x3  }
0x36: {  	p1 =	seq.s32 s10, $0x1;
	s10 =	sld [smem:$0x3FA9];
	_ =	sdelay $0x3  }
0x37: {  	[smem:$0x3FA9] =	sst s10  }
0x38: {  	s10 =	sld [smem:$0x3FAA]  }
0x39: {  	_ = 	snop;
	(pc) =	sbr.ind lr, $3  }
0x3a: {  	_ = 	snop  }
0x3b: {  	_ = 	snop  }
0x3c: {  	p2 =	seq.s32 s10, $0x1;
	s10 =	sld [smem:$0x3FA9]  }
0x3d: {  	_ =	shalt  }
0x3e: {  	_ =	shalt  }
0x3f: {  	_ =	shalt  }
0x40: {  	_ =	shalt  }
0x41: {  	_ =	shalt  }
0x42: {  	_ =	shalt  }
0x43: {  	_ =	shalt  }
0x44: {  	_ =	shalt  }
0x45: {  	_ =	shalt  }
0x46: {  	_ =	shalt  }
0x47: {  	_ =	shalt  }
0x48: {  	_ =	shalt  }
0x49: {  	_ =	shalt  }
0x4a: {  	_ =	shalt  }
0x4b: {  	_ =	shalt  }
0x4c: {  	_ =	shalt  }
0x4d: {  	_ =	shalt  }
0x4e: {  	_ =	shalt  }
0x4f: {  	_ =	shalt  }
0x50: {  	_ =	shalt  }
0x51: {  	_ =	shalt  }
0x52: {  	_ =	shalt  }
0x53: {  	_ =	shalt  }
0x54: {  	_ =	shalt  }
0x55: {  	_ =	shalt  }
0x56: {  	_ =	shalt  }
0x57: {  	_ =	shalt  }
0x58: {  	_ =	shalt  }
0x59: {  	_ =	shalt  }
0x5a: {  	_ =	shalt  }
0x5b: {  	_ =	shalt  }
0x5c: {  	_ =	shalt  }
0x5d: {  	_ =	shalt  }
0x5e: {  	_ =	shalt  }
0x5f: {  	_ =	shalt  }
0x60: {  	_ =	shalt  }
0x61: {  	_ =	shalt  }
0x62: {  	_ =	shalt  }
0x63: {  	_ =	shalt  }
0x64: {  	_ =	shalt  }
0x65: {  	_ =	shalt  }
0x66: {  	_ =	shalt  }
0x67: {  	_ =	shalt  }
0x68: {  	_ =	shalt  }
0x69: {  	_ =	shalt  }
0x6a: {  	_ =	shalt  }
0x6b: {  	_ =	shalt  }
0x6c: {  	_ =	shalt  }
0x6d: {  	_ =	shalt  }
0x6e: {  	_ =	shalt  }
0x6f: {  	_ =	shalt  }
0x70: {  	_ =	shalt  }
0x71: {  	_ =	shalt  }
0x72: {  	_ =	shalt  }
0x73: {  	_ =	shalt  }
0x74: {  	_ =	shalt  }
0x75: {  	_ =	shalt  }
0x76: {  	_ =	shalt  }
0x77: {  	_ =	shalt  }
0x78: {  	_ =	shalt  }
0x79: {  	_ =	shalt  }
0x7a: {  	_ =	shalt  }
0x7b: {  	_ =	shalt  }
0x7c: {  	_ =	shalt  }
0x7d: {  	_ =	shalt  }
0x7e: {  	_ =	shalt  }
0x7f: {  	_ =	shalt  }
0x80: {  	_ =	shalt  }
0x81: {  	_ =	shalt  }
0x82: {  	_ =	shalt  }
0x83: {  	_ =	shalt  }
0x84: {  	_ =	shalt  }
0x85: {  	_ =	shalt  }
0x86: {  	_ =	shalt  }
0x87: {  	_ =	shalt  }
.Lfunc_end0:
.L_simem_size_0:
called_computation_lowered:
.L_overlay_start_0:
0x88: {  	s2 =	sld [smem:$0x3FD9]  }
0x89: {  	s3 =	sld [smem:$0x3FFE];
	_ =	sdelay $0x1  }
0x8a: {  	s1 =	srdreg.scid  }
0x8b: {  	s0 =	sand.u32 $0x1, s1  }
0x8c: {  	s16 =	sshll.u32 s0, $0xA;
	s2 =	sadd.s32 s3, s2  }
0x8d: {  	s2 =	sadd.s32 s2, s16  }
0x8e: {  	[smem:$0x3FB5] =	sst s2  }
0x8f: {  	_ = 	snop  }
0x90: {  	(tm) =	ssettm $0x1  }
0x91: {  	s17 =	sld [smem:$0x3FFB];
	_ =	sdelay $0x3  }
0x92: {  	_ =	strace s17  }
0x93: {  	s2 =	sld [smem:$0x3FFC];
	_ =	sdelay $0x3  }
0x94: {  	_ =	strace s2  }
0x95: {  	s2 =	sld [smem:$0x3FFD];
	_ =	sdelay $0x3  }
0x96: {  	_ =	strace s2  }
0x97: {  	_ =	strace $0x8FFFFFFF  }
0x98: {  	s18 =	sld [smem:$0x3FDB];
	_ =	sdelay $0x1  }
0x99: {  	s19 =	simm.s32 $_scs_section_size  }
0x9a: {  	s4 =	simm.s32 $_size__tile_overlayer_lowered;
	s5 =	simm.s32 $_tile_overlayer_lowered  }
0x9b: {  	s22 =	simm.s32 $0x1BFF;
	s21 =	sshll.u32 s5, $0x1;
	s2 =	sadd.s32 s19, s18  }
0x9c: {  	s6 =	simm.s32 $0x0;
	s20 =	sshll.u32 s4, $0x1;
	s4 =	sadd.s32 s21, s2  }
0x9d: {  	[timem:s6], [sflag:s22] =	dma.local [hbm:s4], s20  }
0x9e: {  	_ =	swait.ge [sflag:s22], s20  }
0x9f: {  	s3 =	ssub.s32 $0x0, s20;
	[sflag:s22] =	ssyncset.done $0x0  }
0xa0: {  	[sflag:s22] =	ssyncadd.s32 s3;
	_ =	sdelay $0x1  }
0xa1: {  	s23 =	simm.s32 $0x1B8B  }
0xa2: {  	_ =	swait.ge [sflag:s23], $0x1  }
0xa3: {  	[sflag:s23] =	ssyncset.done $0x0  }
0xa4: {  	s25 =	simm.s32 $0x1B8E;
	s24 =	sld [smem:$0x3FFE];
	[sflag:s23] =	ssyncadd.s32 $0xFFFFFFFF  }
0xa5: {  	s26 =	simm.s32 $execute0_lowered;
	[smem:$0x3FD2] =	sst s25  }
0xa6: {  	s4 =	sshll.u32 s26, $0x1;
	_ =	strace $0x80000046;
	[dreg:$0x1] =	wrdreg $0xFFFFFFFF  }
0xa7: {  	s28 =	simm.s32 $_size_execute0_lowered;
	s2 =	sadd.s32 s2, s4;
	[dreg:$0x0] =	wrdreg $0x0  }
0xa8: {  	s4 =	sshll.u32 s28, $0x1;
	[dreg:$0x2] =	wrdreg s2  }
0xa9: {  	[dreg:$0x3] =	wrdreg s4  }
0xaa: {  	[dreg:$0x4] =	wrdreg $0xC0  }
0xab: {  	_ =	task [dreg:s6], $0x5FFFF  }
0xac: {  	[dreg:$0x1] =	wrdreg $0xFFFFFFFF  }
0xad: {  	[dreg:$0x0] =	wrdreg $0x60  }
0xae: {  	[dreg:$0x2] =	wrdreg s24  }
0xaf: {  	[dreg:$0x3] =	wrdreg $0x41000  }
0xb0: {  	[dreg:$0x4] =	wrdreg $0x1D1000  }
0xb1: {  	[dreg:$0x5] =	wrdreg $0x9  }
0xb2: {  	_ =	task.clear_ibuf [dreg:s6], $0x6FFFF;
	_ =	strace $0x90000046  }
0xb3: {  	s29 =	simm.s32 $0x9;
	_ =	strace $0x80000048  }
0xb4: {  	_ =	swait.ge [sflag:s29], $0x1  }
0xb5: {  	[sflag:s29] =	ssyncadd.s32 $0xFFFFFFFF  }
0xb6: {  	_ =	strace $0x90000048  }
0xb7: {  	_ =	sfence  }
0xb8: {  	s30 =	sld [smem:$0x0];
	_ =	sdelay $0x2  }
0xb9: {  	s31 =	sshll.u32 s1, $0xD;
	s1 =	sshrl.u32 s1, $0x2  }
0xba: {  	s3 =	sand.u32 $0x4000, s31;
	s1 =	sadd.s32 s1, s30  }
0xbb: {  	s0 =	sor.u32 s3, s0;
	s1 =	sshll.u32 s1, $0x11  }
0xbc: {  	s0 =	sor.u32 s1, s0  }
0xbd: {  	s0 =	sadd.s32 $0x8F2B, s0  }
0xbe: {  	[sflag:s0] =	ssyncadd.remote.s32 $0x1  }
0xbf: {  	_ =	sfence.sel $0xFFFF  }
0xc0: {  	[dreg:$0x0] =	wrdreg $0xFFFFFFFF;
	(pc) =	sbr.abs _section_cstart, $3  }
0xc1: {  	[dreg:$0x1] =	wrdreg $0xFFFFFFFF  }
0xc2: {  	_ =	task.clear_ibuf [dreg:s6], $0x2FFFF;
	_ =	strace $0x9FFFFFFF  }
0xc3: {  	(tm) =	ssettm $0x7FFFFFFF  }
tec
execute0_lowered:
.L_overlay_start_1:
0x0: {  	(tag) =	ssettag $0x1  }
0x1: {  	s6 =	rddreg [dreg:$0x0]  }
0x2: {  	s0 =	srdreg.scid;
	s2 =	rddreg [dreg:$0x1]  }
0x3: {  	s23 =	stileid.u32;
	s3 =	rddreg [dreg:$0x2];
	s4 =	simm.s32 $0x0  }
0x4: {  	s21 =	simm.s32 $0x80;
	s22 =	simm.s32 $0x1;
	s9 =	sand.u32 $0x1, s0  }
0x5: {  	[smem:$0x7FF] =	sst s4;
	s8 =	smul.u32 $0x3200, s23;
	s17 =	sadd.s32 $0x6200, s6  }
0x6: {  	s24 =	sadd.s32 $0x42600, s6;
	s11 =	sadd.s32 $0x10600, s6;
	s12 =	smul.u32 $0x64000, s23  }
0x7: {  	s25 =	sshll.u32 s23, $0x7;
	s29 =	sshll.u32 s23, $0xA;
	s20 =	smul.u32 $0x4F, s23  }
0x8: {  	s1 =	sshll.u32 s9, $0x4;
	_ =	strace $0x80000047;
	s10 =	smul.u32 $0x32000, s9  }
0x9: {  	[dreg:$0x4] =	wrdreg s24;
	s14 =	ssub.s32 $0x2, s9;
	s15 =	sadd.s32 s25, s6  }
0xa: {  	s18 =	smul.u32 $0x4F0, s9;
	s19 =	sshll.u32 s9, $0xB;
	s9 =	sadd.s32 s11, s25  }
0xb: {  	s24 =	simm.s32 $0x2;
	s25 =	simm.s32 $0x0;
	s7 =	sor.u32 s23, s1  }
0xc: {  	s26 =	sshrl.u32 s14, $0x1;
	s12 =	sshrl.u32 s12, $0x2;
	s30 =	sadd.s32 s19, s15  }
0xd: {  	s19 =	simm.s32 $0x100;
	s23 =	simm.s32 $0x4;
	s5 =	smul.u32 $0x30, s7  }
0xe: {  	s10 =	sadd.s32 s8, s10;
	s14 =	ssub.s32 s14, s26;
	s28 =	smul.u32 $0x4F0, s7  }
0xf: {  	s7 =	sadd.s32 s11, s8;
	s8 =	sadd.s32 s29, s3;
	s31 =	sadd.s32 s20, s18  }
0x10: {  	s20 =	simm.s32 $0x3;
	s13 =	sadd.s32 s10, s6;
	s14 =	smax.u32 s14, $0x1  }
0x11: {  	s18 =	sshll.u32 s31, $0x4;
	s16 =	sadd.s32 s5, s6;
	s6 =	sadd.s32 s12, s2  }
0x12: {  	s10 =	sadd.s32 s17, s28;
	s11 =	sadd.s32 $0x42E00, s13;
	s12 =	sadd.s32 $0xA6E00, s30  }
0x13: {  	s18 =	sadd.s32 s18, s17;
	s13 =	sadd.s32 $0x10000, s16;
	s15 =	sadd.s32 $0x10010, s16  }
0x14: {  	s16 =	sadd.s32 $0x10020, s16;
	s17 =	sadd.s32 $0x20, s18;
	s18 =	sadd.s32 $0x10, s18  }
.LBB2_1:
0x15: {  	s0 =	rddreg [dreg:$0x4]  }
0x16: {  	[tilespmem:s19], [sflag:$0x3] =	stream.linear.gather [hbm4b:s0+s4], $0x4000, $0x38;
	[tilespmem:$0x1D500] =	vst v63  }
0x17: {  	s26 =	stileid.u32;
	_ =	swait.ge [sflag:s20], $0x4000  }
0x18: {  	s26 =	sshll.u32 s26, $0x6;
	[sflag:s20] =	ssyncset.done $0x0  }
0x19: {  	s28 =	sshrl.u32 s6, $0x3;
	s26 =	sor.u32 $0x1C03, s26;
	[sflag:s20] =	ssyncadd.s32 $0xFFFFC000  }
0x1a: {  	[spmem:s28], [sflag:s26] =	dma.local [hbm:s7], $0x3200  }
0x1b: {  	_ =	swait.ge [sflag:s20], $0x3200  }
0x1c: {  	[sflag:s20] =	ssyncset.done $0x0  }
0x1d: {  	s29 =	sshrl.u32 s8, $0x3;
	[sflag:s20] =	ssyncadd.s32 $0xFFFFCE00  }
0x1e: {  	[spmem:s29], [sflag:s26] =	dma.local [hbm:s9], $0x80  }
0x1f: {  	_ =	swait.ge [sflag:s20], $0x80  }
0x20: {  	[sflag:s20] =	ssyncset.done $0x0  }
0x21: {  	[sflag:s20] =	ssyncadd.s32 $0xFFFFFF80  }
0x22: {  	[bflag:$0x0] =	sbarrier.arrive $0xFFFF  }
0x23: {  	[tilespmem:s4], [sflag:$0x1] =	stream.linear.gather [hbm4b:s10+s4], $0x80, $0x38;
	[tilespmem:$0x1D500] =	vst v63  }
0x24: {  	s30 =	sadd.s32 $0x0, s18  }
0x25: {  	[tilespmem:s21], [sflag:$0x2] =	stream.linear.gather [hbm4b:s30+s4], $0x80, $0x38;
	[tilespmem:$0x1D500] =	vst v63  }
0x26: {  	_ =	swait.ge [sflag:s22], $0x80  }
0x27: {  	[sflag:s22] =	ssyncset.done $0x0  }
0x28: {  	[sflag:s22] =	ssyncadd.s32 $0xFFFFFF80  }
0x29: {  	[spmem:s2] =	stream.indirect.scatter.add.f32 [tilespmem:s19], [sflag:$0x4], $0x80, s4, s21, $0xb8;
	[tilespmem:$0x1D500] =	vst v63  }
0x2a: {  	_ =	swait.ge [sflag:s23], $0x4000  }
0x2b: {  	[sflag:s23] =	ssyncset.done $0x0  }
0x2c: {  	s30 =	sadd.s32 $0x0, s17;
	[sflag:s23] =	ssyncadd.s32 $0xFFFFC000  }
0x2d: {  	[tilespmem:s4], [sflag:$0x1] =	stream.linear.gather [hbm4b:s30+s4], $0x80, $0x38;
	[tilespmem:$0x1D500] =	vst v63  }
0x2e: {  	_ =	swait.ge [sflag:s24], $0x80  }
0x2f: {  	[sflag:s24] =	ssyncset.done $0x0  }
0x30: {  	[sflag:s24] =	ssyncadd.s32 $0xFFFFFF80  }
0x31: {  	[spmem:s2] =	stream.indirect.scatter.add.f32 [tilespmem:s19], [sflag:$0x3], $0x80, s21, s21, $0xb8;
	[tilespmem:$0x1D500] =	vst v63  }
0x32: {  	_ =	swait.ge [sflag:s20], $0x4000  }
0x33: {  	s31 =	simm.s32 $0x40;
	s30 =	simm.s32 $0x20;
	[sflag:s20] =	ssyncset.done $0x0  }
.LBB2_2:
0x34: {  	s1 =	sadd.s32 s30, s18  }
0x35: {  	[sflag:s20] =	ssyncadd.s32 $0xFFFFC000;
	s0 =	smov.u32 s31;
	s5 =	sadd.s32 $0x20, s31  }
0x36: {  	[tilespmem:s21], [sflag:$0x2] =	stream.linear.gather [hbm4b:s1+s4], $0x80, $0x38;
	[tilespmem:$0x1D500] =	vst v63  }
0x37: {  	p0 =	sne.s32 s31, $0x4C0;
	_ =	swait.ge [sflag:s22], $0x80  }
0x38: {  	[sflag:s22] =	ssyncset.done $0x0  }
0x39: {  	[sflag:s22] =	ssyncadd.s32 $0xFFFFFF80  }
0x3a: {  	[spmem:s2] =	stream.indirect.scatter.add.f32 [tilespmem:s19], [sflag:$0x4], $0x80, s4, s21, $0xb8;
	[tilespmem:$0x1D500] =	vst v63  }
0x3b: {  	_ =	swait.ge [sflag:s23], $0x4000  }
0x3c: {  	[sflag:s23] =	ssyncset.done $0x0  }
0x3d: {  	s1 =	sadd.s32 s30, s17;
	s30 =	smov.u32 s0;
	[sflag:s23] =	ssyncadd.s32 $0xFFFFC000  }
0x3e: {  	[tilespmem:s4], [sflag:$0x1] =	stream.linear.gather [hbm4b:s1+s4], $0x80, $0x38;
	[tilespmem:$0x1D500] =	vst v63  }
0x3f: {  	_ =	swait.ge [sflag:s24], $0x80  }
.Ltmp0:
0x40: {  	[sflag:s24] =	ssyncset.done $0x0;
	(pc) =	sbr.rel @p0 .LBB2_2-.Ltmp0, $4  }
0x41: {  	[sflag:s24] =	ssyncadd.s32 $0xFFFFFF80  }
0x42: {  	[spmem:s2] =	stream.indirect.scatter.add.f32 [tilespmem:s19], [sflag:$0x3], $0x80, s21, s21, $0xb8;
	[tilespmem:$0x1D500] =	vst v63  }
0x43: {  	_ =	swait.ge [sflag:s20], $0x4000  }
0x44: {  	s31 =	smov.u32 s5;
	[sflag:s20] =	ssyncset.done $0x0  }
0x45: {  	s0 =	sadd.s32 s30, s18;
	[sflag:s20] =	ssyncadd.s32 $0xFFFFC000  }
0x46: {  	[tilespmem:s21], [sflag:$0x2] =	stream.linear.gather [hbm4b:s0+s4], $0x80, $0x38;
	[tilespmem:$0x1D500] =	vst v63  }
0x47: {  	_ =	swait.ge [sflag:s22], $0x80  }
0x48: {  	[sflag:s22] =	ssyncset.done $0x0  }
0x49: {  	[sflag:s22] =	ssyncadd.s32 $0xFFFFFF80  }
0x4a: {  	[spmem:s2] =	stream.indirect.scatter.add.f32 [tilespmem:s19], [sflag:$0x4], $0x80, s4, s21, $0xb8;
	[tilespmem:$0x1D500] =	vst v63  }
0x4b: {  	_ =	swait.ge [sflag:s23], $0x4000  }
0x4c: {  	[sflag:s23] =	ssyncset.done $0x0  }
0x4d: {  	s31 =	sadd.s32 s30, s17;
	[sflag:s23] =	ssyncadd.s32 $0xFFFFC000  }
0x4e: {  	[tilespmem:s4], [sflag:$0x1] =	stream.linear.gather [hbm4b:s31+s4], $0x80, $0x38;
	[tilespmem:$0x1D500] =	vst v63  }
0x4f: {  	_ =	swait.ge [sflag:s24], $0x80  }
0x50: {  	[sflag:s24] =	ssyncset.done $0x0  }
0x51: {  	[sflag:s24] =	ssyncadd.s32 $0xFFFFFF80  }
0x52: {  	[spmem:s2] =	stream.indirect.scatter.add.f32 [tilespmem:s19], [sflag:$0x3], $0x80, s21, s21, $0xb8;
	[tilespmem:$0x1D500] =	vst v63  }
0x53: {  	_ =	swait.ge [sflag:s20], $0x4000  }
0x54: {  	[sflag:s20] =	ssyncset.done $0x0  }
0x55: {  	[sflag:s20] =	ssyncadd.s32 $0xFFFFC000  }
0x56: {  	_ =	swait.ge [sflag:s22], $0x80  }
0x57: {  	[sflag:s22] =	ssyncset.done $0x0  }
0x58: {  	[sflag:s22] =	ssyncadd.s32 $0xFFFFFF80  }
0x59: {  	[spmem:s2] =	stream.indirect.scatter.add.f32 [tilespmem:s19], [sflag:$0x4], $0x80, s4, s21, $0xb8;
	[tilespmem:$0x1D500] =	vst v63  }
0x5a: {  	_ =	swait.ge [sflag:s23], $0x4000  }
0x5b: {  	[sflag:s23] =	ssyncset.done $0x0  }
0x5c: {  	[sflag:s23] =	ssyncadd.s32 $0xFFFFC000  }
0x5d: {  	[tilespmem:s4], [sflag:$0x3] =	stream.linear.gather [hbm4b:s13+s4], $0x80, $0x38;
	[tilespmem:$0x1D500] =	vst v63  }
0x5e: {  	_ =	swait.ge [sflag:s20], $0x80  }
0x5f: {  	[sflag:s20] =	ssyncset.done $0x0  }
0x60: {  	[sflag:s20] =	ssyncadd.s32 $0xFFFFFF80  }
0x61: {  	[spmem:s3] =	stream.indirect.scatter.add.f32 [tilespmem:s19], [sflag:$0x3], $0x80, s4, s21, $0xb8;
	[tilespmem:$0x1D500] =	vst v63  }
0x62: {  	_ =	swait.ge [sflag:s20], $0x4000  }
0x63: {  	[sflag:s20] =	ssyncset.done $0x0  }
0x64: {  	[sflag:s20] =	ssyncadd.s32 $0xFFFFC000  }
0x65: {  	[tilespmem:s4], [sflag:$0x3] =	stream.linear.gather [hbm4b:s15+s4], $0x80, $0x38;
	[tilespmem:$0x1D500] =	vst v63  }
0x66: {  	_ =	swait.ge [sflag:s20], $0x80  }
0x67: {  	[sflag:s20] =	ssyncset.done $0x0  }
0x68: {  	[sflag:s20] =	ssyncadd.s32 $0xFFFFFF80  }
0x69: {  	[spmem:s3] =	stream.indirect.scatter.add.f32 [tilespmem:s19], [sflag:$0x3], $0x80, s4, s21, $0xb8;
	[tilespmem:$0x1D500] =	vst v63  }
0x6a: {  	_ =	swait.ge [sflag:s20], $0x4000  }
0x6b: {  	[sflag:s20] =	ssyncset.done $0x0  }
0x6c: {  	[sflag:s20] =	ssyncadd.s32 $0xFFFFC000  }
0x6d: {  	[tilespmem:s4], [sflag:$0x3] =	stream.linear.gather [hbm4b:s16+s4], $0x80, $0x38;
	[tilespmem:$0x1D500] =	vst v63  }
0x6e: {  	_ =	swait.ge [sflag:s20], $0x80  }
0x6f: {  	[sflag:s20] =	ssyncset.done $0x0  }
0x70: {  	[sflag:s20] =	ssyncadd.s32 $0xFFFFFF80  }
0x71: {  	[spmem:s3] =	stream.indirect.scatter.add.f32 [tilespmem:s19], [sflag:$0x3], $0x80, s4, s21, $0xb8;
	[tilespmem:$0x1D500] =	vst v63  }
0x72: {  	_ =	swait.ge [sflag:s20], $0x4000  }
0x73: {  	[sflag:s20] =	ssyncset.done $0x0  }
0x74: {  	[sflag:s20] =	ssyncadd.s32 $0xFFFFC000  }
0x75: {  	[bflag:$0x0] =	sbarrier.arrive $0xFFFF  }
0x76: {  	[hbm:s11], [sflag:s26] =	dma.local [spmem:s28], $0x3200  }
0x77: {  	s25 =	sadd.s32 $0x1, s25;
	_ =	swait.ge [sflag:s20], $0x3200  }
0x78: {  	p0 =	sne.s32 s25, s14;
	[sflag:s20] =	ssyncset.done $0x0  }
.Ltmp1:
0x79: {  	[sflag:s20] =	ssyncadd.s32 $0xFFFFCE00;
	(pc) =	sbr.rel @p0 .LBB2_1-.Ltmp1, $4  }
0x7a: {  	[hbm:s12], [sflag:s26] =	dma.local [spmem:s29], $0x80  }
0x7b: {  	_ =	swait.ge [sflag:s20], $0x80  }
0x7c: {  	[sflag:s20] =	ssyncset.done $0x0  }
0x7d: {  	[sflag:s20] =	ssyncadd.s32 $0xFFFFFF80  }
0x7e: {  	_ =	sfence.sel $0x180000  }
0x7f: {  	[bflag:$0x0] =	sbarrier.arrive $0xFFFF  }
0x80: {  	_ =	strace $0x90000047  }
0x81: {  	s0 =	stileid.u32;
	[bflag:$0x2] =	sbarrier.arrive $0xFFFF  }
0x82: {  	p0 =	sne.s32 s0, $0x0;
	s0 =	rddreg [dreg:$0x3]  }
0x83: {  	s0 =	sadd.s32 @!p0 $0x100000, s0  }
0x84: {  	[sflag:s0] =	ssyncadd.tile.s32 @!p0 $0x1;
	_ =	shalt  }
.Lfunc_end2:
_tile_overlayer_lowered:
.L_overlay_start_2:
0x85: {  	(tag) =	ssettag $0x2  }
0x86: {  	s0 =	rddreg [dreg:$0x0];
	s2 =	stileid.u32  }
0x87: {  	s1 =	rddreg [dreg:$0x1];
	p0 =	sne.s32 s2, $0x0  }
0x88: {  	s3 =	rddreg [dreg:$0x2];
	[bflag:$0x3] =	sbarrier.arrive $0xFFFF;
	s2 =	simm.s32 @!p0 $0x1C03  }
0x89: {  	[timem:s3], [sflag:s2] =	dma.local @!p0 [hbm:s0], s1  }
0x8a: {  	s0 =	simm.s32 @!p0 $0x3  }
0x8b: {  	_ =	swait.ge @!p0 [sflag:s0], s1  }
0x8c: {  	s1 =	ssub.s32 @!p0 $0x0, s1;
	[sflag:s0] =	ssyncset.done @!p0 $0x0  }
0x8d: {  	[sflag:s0] =	ssyncadd.s32 @!p0 s1  }
0x8e: {  	[bflag:$0x3] =	sbarrier.arrive $0xFFFF  }
0x8f: {  	_ =	shalt  }

// kernel: kernel.18.cloned.1.call-start
scs
__scs_entry_jumppad:
0x0: {  	(pc) =	sbr.rel $0x88, $3  }
0x1: {  	(tag) =	ssettag $0x0;
	lr =	simm.s32 $0x1  }
0x2: {  	[smem:$0x3F8E] =	sst lr;
	_ =	strace $0xD0000000  }
0x3: {  	_ = 	snop  }
0x4: {  	_ = 	snop  }
0x5: {  	_ = 	snop  }
0x6: {  	_ = 	snop  }
0x7: {  	_ = 	snop  }
__scs_overlays_trampoline_lowered:
0x8: {  	[smem:$0x3F9D] =	sst s0  }
0x9: {  	[smem:$0x3F9E] =	sst s1  }
0xa: {  	[smem:$0x3F9F] =	sst s2  }
0xb: {  	[smem:$0x3FA0] =	sst s3  }
0xc: {  	[smem:$0x3FA1] =	sst s4  }
0xd: {  	[smem:$0x3FA2] =	sst s5  }
0xe: {  	[smem:$0x3FA3] =	sst s6  }
0xf: {  	[smem:$0x3FA4] =	sst s7  }
0x10: {  	[smem:$0x3FA5] =	sst s8  }
0x11: {  	[smem:$0x3FA6] =	sst s9;
	s0 =	simm.s32 @!p0 $0x0  }
0x12: {  	s1 =	sld [smem:$0x3F8C];
	s0 =	simm.s32 @p0 $0x1  }
0x13: {  	[smem:$0x3FA7] =	sst s0;
	s0 =	simm.s32 @!p1 $0x0  }
0x14: {  	s2 =	sld [smem:$0x3F8B];
	s0 =	simm.s32 @p1 $0x1  }
0x15: {  	[smem:$0x3FA8] =	sst s0;
	s0 =	simm.s32 @!p2 $0x0  }
0x16: {  	s3 =	sld [smem:$0x3FDB];
	s0 =	simm.s32 @p2 $0x1  }
0x17: {  	s4 =	simm.s32 $0x1BF5;
	[smem:$0x3FAA] =	sst s0  }
0x18: {  	s0 =	sld [smem:$0x3F8D];
	_ =	swait.ge [sflag:s4], $0x0  }
0x19: {  	s7 =	sld [smem:$0x3F8E]  }
0x1a: {  	s8 =	sadd.s32 $0xFFFFE003, lr  }
0x1b: {  	s9 =	sadd.s32 $0xFFFFFEF7, lr;
	s5 =	simm.s32 $0xFFFFFFFF;
	p2 =	slt.u32 s8, $0xFFFFF086  }
0x1c: {  	p1 =	slt.u32 s9, $0xF7A;
	s5 =	simm.s32 @!p2 $0x0  }
0x1d: {  	s5 =	simm.s32 @p1 $0x1;
	p0 =	seq.s32 s7, s2  }
0x1e: {  	s7 =	smul.u32 @!p0 $0xF7A, s2;
	p2 =	seq.s32 @!p0 s5, $0x0  }
0x1f: {  	s9 =	smul.u32 $0xF7A, s1;
	s8 =	simm.s32 @!p0 $0x1BF5;
	p2 =	por !p2, p0  }
0x20: {  	[sflag:s8] =	ssyncset.s32 @!p0 $0xFFFFF086;
	s6 =	sadd.s32 @!p0 s3, s7;
	s7 =	simm.s32 @!p0 $0x108  }
0x21: {  	s3 =	sadd.s32 s3, s9;
	s6 =	sadd.s32 @!p0 $0x88, s6;
	s7 =	simm.s32 @p2 $0x1082  }
0x22: {  	[simem:s7], [sflag:s8] =	dma.local @!p0 [hbm:s6], $0xF7A  }
0x23: {  	s9 =	sor.u32 $0xD0000000, s2;
	s6 =	simm.s32 $0x108;
	_ =	swait.ge @!p0 [sflag:s8], $0x0  }
0x24: {  	s3 =	sadd.s32 $0x88, s3;
	s6 =	simm.s32 @!p1 $0x1082;
	[sflag:s4] =	ssyncset.s32 $0xFFFFF086  }
0x25: {  	[simem:s6], [sflag:s4] =	dma.local [hbm:s3], $0xF7A  }
0x26: {  	[smem:$0x3F8E] =	sst s1;
	(tag) =	ssettag s2;
	_ =	strace s9  }
0x27: {  	s1 =	sld [smem:$0x3F9E]  }
0x28: {  	s2 =	sld [smem:$0x3F9F]  }
0x29: {  	s4 =	sld [smem:$0x3FA1]  }
0x2a: {  	p0 =	seq.s32 s5, $0x0;
	s5 =	sld [smem:$0x3FA2]  }
0x2b: {  	s6 =	sld [smem:$0x3FA3]  }
0x2c: {  	s7 =	sld [smem:$0x3FA4]  }
0x2d: {  	s3 =	simm.s32 $0x108;
	s8 =	sld [smem:$0x3FA5]  }
0x2e: {  	s3 =	simm.s32 @!p0 $0x1082;
	s9 =	sld [smem:$0x3FA6]  }
0x2f: {  	lr =	sadd.s32 s0, s3;
	s0 =	sld [smem:$0x3F9D]  }
0x30: {  	s3 =	sld [smem:$0x3FA0]  }
0x31: {  	[smem:$0x3FA9] =	sst s10  }
0x32: {  	s10 =	sld [smem:$0x3FA7];
	_ =	sdelay $0x3  }
0x33: {  	p0 =	seq.s32 s10, $0x1;
	s10 =	sld [smem:$0x3FA9];
	_ =	sdelay $0x3  }
0x34: {  	[smem:$0x3FA9] =	sst s10  }
0x35: {  	s10 =	sld [smem:$0x3FA8];
	_ =	sdelay $0x3  }
0x36: {  	p1 =	seq.s32 s10, $0x1;
	s10 =	sld [smem:$0x3FA9];
	_ =	sdelay $0x3  }
0x37: {  	[smem:$0x3FA9] =	sst s10  }
0x38: {  	s10 =	sld [smem:$0x3FAA]  }
0x39: {  	_ = 	snop;
	(pc) =	sbr.ind lr, $3  }
0x3a: {  	_ = 	snop  }
0x3b: {  	_ = 	snop  }
0x3c: {  	p2 =	seq.s32 s10, $0x1;
	s10 =	sld [smem:$0x3FA9]  }
0x3d: {  	_ =	shalt  }
0x3e: {  	_ =	shalt  }
0x3f: {  	_ =	shalt  }
0x40: {  	_ =	shalt  }
0x41: {  	_ =	shalt  }
0x42: {  	_ =	shalt  }
0x43: {  	_ =	shalt  }
0x44: {  	_ =	shalt  }
0x45: {  	_ =	shalt  }
0x46: {  	_ =	shalt  }
0x47: {  	_ =	shalt  }
0x48: {  	_ =	shalt  }
0x49: {  	_ =	shalt  }
0x4a: {  	_ =	shalt  }
0x4b: {  	_ =	shalt  }
0x4c: {  	_ =	shalt  }
0x4d: {  	_ =	shalt  }
0x4e: {  	_ =	shalt  }
0x4f: {  	_ =	shalt  }
0x50: {  	_ =	shalt  }
0x51: {  	_ =	shalt  }
0x52: {  	_ =	shalt  }
0x53: {  	_ =	shalt  }
0x54: {  	_ =	shalt  }
0x55: {  	_ =	shalt  }
0x56: {  	_ =	shalt  }
0x57: {  	_ =	shalt  }
0x58: {  	_ =	shalt  }
0x59: {  	_ =	shalt  }
0x5a: {  	_ =	shalt  }
0x5b: {  	_ =	shalt  }
0x5c: {  	_ =	shalt  }
0x5d: {  	_ =	shalt  }
0x5e: {  	_ =	shalt  }
0x5f: {  	_ =	shalt  }
0x60: {  	_ =	shalt  }
0x61: {  	_ =	shalt  }
0x62: {  	_ =	shalt  }
0x63: {  	_ =	shalt  }
0x64: {  	_ =	shalt  }
0x65: {  	_ =	shalt  }
0x66: {  	_ =	shalt  }
0x67: {  	_ =	shalt  }
0x68: {  	_ =	shalt  }
0x69: {  	_ =	shalt  }
0x6a: {  	_ =	shalt  }
0x6b: {  	_ =	shalt  }
0x6c: {  	_ =	shalt  }
0x6d: {  	_ =	shalt  }
0x6e: {  	_ =	shalt  }
0x6f: {  	_ =	shalt  }
0x70: {  	_ =	shalt  }
0x71: {  	_ =	shalt  }
0x72: {  	_ =	shalt  }
0x73: {  	_ =	shalt  }
0x74: {  	_ =	shalt  }
0x75: {  	_ =	shalt  }
0x76: {  	_ =	shalt  }
0x77: {  	_ =	shalt  }
0x78: {  	_ =	shalt  }
0x79: {  	_ =	shalt  }
0x7a: {  	_ =	shalt  }
0x7b: {  	_ =	shalt  }
0x7c: {  	_ =	shalt  }
0x7d: {  	_ =	shalt  }
0x7e: {  	_ =	shalt  }
0x7f: {  	_ =	shalt  }
0x80: {  	_ =	shalt  }
0x81: {  	_ =	shalt  }
0x82: {  	_ =	shalt  }
0x83: {  	_ =	shalt  }
0x84: {  	_ =	shalt  }
0x85: {  	_ =	shalt  }
0x86: {  	_ =	shalt  }
0x87: {  	_ =	shalt  }
.Lfunc_end0:
.L_simem_size_0:
called_computation.1_lowered:
.L_overlay_start_0:
0x88: {  	s2 =	sld [smem:$0x3FD9]  }
0x89: {  	s3 =	sld [smem:$0x3FFE];
	_ =	sdelay $0x1  }
0x8a: {  	s1 =	srdreg.scid  }
0x8b: {  	s0 =	sand.u32 $0x1, s1  }
0x8c: {  	s16 =	sshll.u32 s0, $0xA;
	s2 =	sadd.s32 s3, s2  }
0x8d: {  	s2 =	sadd.s32 s2, s16  }
0x8e: {  	[smem:$0x3FB5] =	sst s2  }
0x8f: {  	_ = 	snop  }
0x90: {  	(tm) =	ssettm $0x1  }
0x91: {  	s17 =	sld [smem:$0x3FFB];
	_ =	sdelay $0x3  }
0x92: {  	_ =	strace s17  }
0x93: {  	s2 =	sld [smem:$0x3FFC];
	_ =	sdelay $0x3  }
0x94: {  	_ =	strace s2  }
0x95: {  	s2 =	sld [smem:$0x3FFD];
	_ =	sdelay $0x3  }
0x96: {  	_ =	strace s2  }
0x97: {  	_ =	strace $0x8FFFFFFF  }
0x98: {  	s18 =	sld [smem:$0x3FDB];
	_ =	sdelay $0x1  }
0x99: {  	s19 =	simm.s32 $_scs_section_size  }
0x9a: {  	s4 =	simm.s32 $_size__tile_overlayer_lowered;
	s5 =	simm.s32 $_tile_overlayer_lowered  }
0x9b: {  	s22 =	simm.s32 $0x1BFF;
	s21 =	sshll.u32 s5, $0x1;
	s2 =	sadd.s32 s19, s18  }
0x9c: {  	s6 =	simm.s32 $0x0;
	s20 =	sshll.u32 s4, $0x1;
	s4 =	sadd.s32 s21, s2  }
0x9d: {  	[timem:s6], [sflag:s22] =	dma.local [hbm:s4], s20  }
0x9e: {  	_ =	swait.ge [sflag:s22], s20  }
0x9f: {  	s3 =	ssub.s32 $0x0, s20;
	[sflag:s22] =	ssyncset.done $0x0  }
0xa0: {  	[sflag:s22] =	ssyncadd.s32 s3;
	_ =	sdelay $0x1  }
0xa1: {  	s23 =	simm.s32 $0x1B8B  }
0xa2: {  	_ =	swait.ge [sflag:s23], $0x1  }
0xa3: {  	[sflag:s23] =	ssyncset.done $0x0  }
0xa4: {  	s25 =	simm.s32 $0x1B8E;
	s24 =	sld [smem:$0x3FFE];
	[sflag:s23] =	ssyncadd.s32 $0xFFFFFFFF  }
0xa5: {  	s26 =	simm.s32 $execute0_lowered;
	[smem:$0x3FD2] =	sst s25  }
0xa6: {  	s4 =	sshll.u32 s26, $0x1;
	_ =	strace $0x80000049;
	[dreg:$0x1] =	wrdreg $0xFFFFFFFF  }
0xa7: {  	s28 =	simm.s32 $_size_execute0_lowered;
	s2 =	sadd.s32 s2, s4;
	[dreg:$0x0] =	wrdreg $0x0  }
0xa8: {  	s4 =	sshll.u32 s28, $0x1;
	[dreg:$0x2] =	wrdreg s2  }
0xa9: {  	[dreg:$0x3] =	wrdreg s4  }
0xaa: {  	[dreg:$0x4] =	wrdreg $0xC0  }
0xab: {  	_ =	task [dreg:s6], $0x5FFFF  }
0xac: {  	[dreg:$0x1] =	wrdreg $0xFFFFFFFF  }
0xad: {  	[dreg:$0x0] =	wrdreg $0x60  }
0xae: {  	[dreg:$0x2] =	wrdreg s24  }
0xaf: {  	[dreg:$0x3] =	wrdreg $0x41000  }
0xb0: {  	[dreg:$0x4] =	wrdreg $0x9  }
0xb1: {  	_ =	task.clear_ibuf [dreg:s6], $0x5FFFF;
	_ =	strace $0x90000049  }
0xb2: {  	s29 =	simm.s32 $0x9;
	_ =	strace $0x8000004B  }
0xb3: {  	_ =	swait.ge [sflag:s29], $0x1  }
0xb4: {  	[sflag:s29] =	ssyncadd.s32 $0xFFFFFFFF  }
0xb5: {  	_ =	strace $0x9000004B  }
0xb6: {  	_ =	sfence  }
0xb7: {  	s30 =	sld [smem:$0x0];
	_ =	sdelay $0x2  }
0xb8: {  	s31 =	sshll.u32 s1, $0xD;
	s1 =	sshrl.u32 s1, $0x2  }
0xb9: {  	s3 =	sand.u32 $0x4000, s31;
	s1 =	sadd.s32 s1, s30  }
0xba: {  	s0 =	sor.u32 s3, s0;
	s1 =	sshll.u32 s1, $0x11  }
0xbb: {  	s0 =	sor.u32 s1, s0  }
0xbc: {  	s0 =	sadd.s32 $0x8F2B, s0  }
0xbd: {  	[sflag:s0] =	ssyncadd.remote.s32 $0x1  }
0xbe: {  	_ =	sfence.sel $0xFFFF  }
0xbf: {  	[dreg:$0x0] =	wrdreg $0xFFFFFFFF;
	(pc) =	sbr.abs _section_cstart, $3  }
0xc0: {  	[dreg:$0x1] =	wrdreg $0xFFFFFFFF  }
0xc1: {  	_ =	task.clear_ibuf [dreg:s6], $0x2FFFF;
	_ =	strace $0x9FFFFFFF  }
0xc2: {  	(tm) =	ssettm $0x7FFFFFFF  }
0xc3: {  	_ =	shalt  }
tec
execute0_lowered:
.L_overlay_start_1:
0x0: {  	(tag) =	ssettag $0x1  }
0x1: {  	s5 =	rddreg [dreg:$0x0];
	s0 =	srdreg.scid  }
0x2: {  	s2 =	rddreg [dreg:$0x1];
	s1 =	stileid.u32;
	s3 =	simm.s32 $0x0  }
0x3: {  	s13 =	simm.s32 $0x80;
	s14 =	simm.s32 $0x100;
	s8 =	smul.u32 $0x3200, s1  }
0x4: {  	s15 =	simm.s32 $0x1;
	s16 =	simm.s32 $0x0;
	s26 =	smul.u32 $0x64000, s1  }
0x5: {  	s6 =	sand.u32 $0x1, s0;
	s0 =	rddreg [dreg:$0x2];
	s30 =	smul.u32 $0x4F0, s1  }
0x6: {  	[smem:$0x7FF] =	sst s3;
	s4 =	sadd.s32 $0x42600, s5;
	s7 =	smul.u32 $0x4F00, s6  }
0x7: {  	s31 =	sshll.u32 s1, $0x6;
	s9 =	smul.u32 $0x32000, s6;
	s6 =	ssub.s32 $0x2, s6  }
0x8: {  	_ =	strace $0x8000004A;
	s28 =	sshrl.u32 s6, $0x1;
	s29 =	sshrl.u32 s26, $0x2  }
0x9: {  	s10 =	sadd.s32 s7, s5;
	s25 =	sadd.s32 s8, s9;
	s8 =	sadd.s32 s8, s5  }
0xa: {  	s11 =	ssub.s32 s6, s28;
	s12 =	sadd.s32 s29, s2;
	s6 =	sor.u32 $0x1C02, s31  }
0xb: {  	s7 =	sadd.s32 s25, s5;
	s5 =	sadd.s32 $0x10600, s8;
	s10 =	sadd.s32 s30, s10  }
0xc: {  	s8 =	smax.u32 s11, $0x1;
	s11 =	sshrl.u32 s12, $0x3;
	s12 =	simm.s32 $0x2  }
0xd: {  	s7 =	sadd.s32 $0xB1C00, s7;
	s9 =	sadd.s32 $0x6200, s10;
	s10 =	sadd.s32 $0xA7E00, s10  }
.LBB2_1:
0xe: {  	[spmem:s11], [sflag:s6] =	dma.local [hbm:s5], $0x3200  }
0xf: {  	_ =	swait.ge [sflag:s12], $0x3200  }
0x10: {  	[sflag:s12] =	ssyncset.done $0x0  }
0x11: {  	[sflag:s12] =	ssyncadd.s32 $0xFFFFCE00  }
0x12: {  	s17 =	sadd.s32 $0x0, s10;
	[bflag:$0x0] =	sbarrier.arrive $0xFFFF  }
0x13: {  	[tilespmem:s3], [sflag:$0x2] =	stream.linear.gather [hbm4b:s17+s3], $0x80, $0x38;
	[tilespmem:$0x1D100] =	vst v63  }
0x14: {  	_ =	swait.ge [sflag:s12], $0x80  }
0x15: {  	[sflag:s12] =	ssyncset.done $0x0  }
0x16: {  	s31 =	sadd.s32 $0x0, s9;
	[sflag:s12] =	ssyncadd.s32 $0xFFFFFF80  }
0x17: {  	[tilespmem:s13], [sflag:$0x2] =	stream.linear.gather [hbm4b:s31+s3], $0x80, $0x38;
	[tilespmem:$0x1D100] =	vst v63  }
0x18: {  	_ =	swait.ge [sflag:s12], $0x80  }
0x19: {  	[sflag:s12] =	ssyncset.done $0x0  }
0x1a: {  	[sflag:s12] =	ssyncadd.s32 $0xFFFFFF80  }
0x1b: {  	[tilespmem:s14], [sflag:$0x1] =	stream.indirect.gather [hbm4b:s4+s13], $0x80, s3, s13, $0xb8;
	[tilespmem:$0x1D100] =	vst v63  }
0x1c: {  	_ =	swait.ge [sflag:s15], $0x4000  }
0x1d: {  	[sflag:s15] =	ssyncset.done $0x0  }
0x1e: {  	[sflag:s15] =	ssyncadd.s32 $0xFFFFC000  }
0x1f: {  	[spmem:s2] =	stream.indirect.scatter.add.f32 [tilespmem:s14], [sflag:$0x2], $0x80, s13, s13, $0xb8;
	[tilespmem:$0x1D100] =	vst v63  }
0x20: {  	_ =	swait.ge [sflag:s12], $0x4000  }
0x21: {  	s18 =	simm.s32 $0x20;
	s17 =	simm.s32 $0x10;
	[sflag:s12] =	ssyncset.done $0x0  }
.LBB2_2:
0x22: {  	s19 =	sadd.s32 s17, s10  }
0x23: {  	[sflag:s12] =	ssyncadd.s32 $0xFFFFC000;
	s20 =	smov.u32 s18;
	s21 =	sadd.s32 $0x10, s18  }
0x24: {  	[tilespmem:s3], [sflag:$0x2] =	stream.linear.gather [hbm4b:s19+s3], $0x80, $0x38;
	[tilespmem:$0x1D100] =	vst v63  }
0x25: {  	p0 =	sne.s32 s18, $0x4E0;
	_ =	swait.ge [sflag:s12], $0x80  }
0x26: {  	[sflag:s12] =	ssyncset.done $0x0  }
0x27: {  	s18 =	sadd.s32 s17, s9;
	s17 =	smov.u32 s20;
	[sflag:s12] =	ssyncadd.s32 $0xFFFFFF80  }
0x28: {  	[tilespmem:s13], [sflag:$0x2] =	stream.linear.gather [hbm4b:s18+s3], $0x80, $0x38;
	[tilespmem:$0x1D100] =	vst v63  }
0x29: {  	_ =	swait.ge [sflag:s12], $0x80  }
0x2a: {  	[sflag:s12] =	ssyncset.done $0x0  }
0x2b: {  	[sflag:s12] =	ssyncadd.s32 $0xFFFFFF80  }
0x2c: {  	[tilespmem:s14], [sflag:$0x1] =	stream.indirect.gather [hbm4b:s4+s13], $0x80, s3, s13, $0xb8;
	[tilespmem:$0x1D100] =	vst v63  }
0x2d: {  	_ =	swait.ge [sflag:s15], $0x4000  }
.Ltmp0:
0x2e: {  	[sflag:s15] =	ssyncset.done $0x0;
	(pc) =	sbr.rel @p0 .LBB2_2-.Ltmp0, $4  }
0x2f: {  	[sflag:s15] =	ssyncadd.s32 $0xFFFFC000  }
0x30: {  	[spmem:s2] =	stream.indirect.scatter.add.f32 [tilespmem:s14], [sflag:$0x2], $0x80, s13, s13, $0xb8;
	[tilespmem:$0x1D100] =	vst v63  }
0x31: {  	_ =	swait.ge [sflag:s12], $0x4000  }
0x32: {  	s18 =	smov.u32 s21;
	[sflag:s12] =	ssyncset.done $0x0  }
0x33: {  	s18 =	sadd.s32 s17, s10;
	[sflag:s12] =	ssyncadd.s32 $0xFFFFC000  }
0x34: {  	[tilespmem:s3], [sflag:$0x2] =	stream.linear.gather [hbm4b:s18+s3], $0x80, $0x38;
	[tilespmem:$0x1D100] =	vst v63  }
0x35: {  	_ =	swait.ge [sflag:s12], $0x80  }
0x36: {  	[sflag:s12] =	ssyncset.done $0x0  }
0x37: {  	s31 =	sadd.s32 s17, s9;
	[sflag:s12] =	ssyncadd.s32 $0xFFFFFF80  }
0x38: {  	[tilespmem:s13], [sflag:$0x2] =	stream.linear.gather [hbm4b:s31+s3], $0x80, $0x38;
	[tilespmem:$0x1D100] =	vst v63  }
0x39: {  	_ =	swait.ge [sflag:s12], $0x80  }
0x3a: {  	[sflag:s12] =	ssyncset.done $0x0  }
0x3b: {  	[sflag:s12] =	ssyncadd.s32 $0xFFFFFF80  }
0x3c: {  	[tilespmem:s14], [sflag:$0x1] =	stream.indirect.gather [hbm4b:s4+s13], $0x80, s3, s13, $0xb8;
	[tilespmem:$0x1D100] =	vst v63  }
0x3d: {  	_ =	swait.ge [sflag:s15], $0x4000  }
0x3e: {  	[sflag:s15] =	ssyncset.done $0x0  }
0x3f: {  	[sflag:s15] =	ssyncadd.s32 $0xFFFFC000  }
0x40: {  	[spmem:s2] =	stream.indirect.scatter.add.f32 [tilespmem:s14], [sflag:$0x2], $0x80, s13, s13, $0xb8;
	[tilespmem:$0x1D100] =	vst v63  }
0x41: {  	_ =	swait.ge [sflag:s12], $0x4000  }
0x42: {  	s16 =	sadd.s32 $0x1, s16;
	[sflag:s12] =	ssyncset.done $0x0  }
0x43: {  	p0 =	sne.s32 s16, s8;
	[sflag:s12] =	ssyncadd.s32 $0xFFFFC000  }
.Ltmp1:
0x44: {  	[bflag:$0x0] =	sbarrier.arrive $0xFFFF;
	(pc) =	sbr.rel @p0 .LBB2_1-.Ltmp1, $4  }
0x45: {  	[hbm:s7], [sflag:s6] =	dma.local [spmem:s11], $0x3200  }
0x46: {  	_ =	swait.ge [sflag:s12], $0x3200  }
0x47: {  	[sflag:s12] =	ssyncset.done $0x0  }
0x48: {  	[sflag:s12] =	ssyncadd.s32 $0xFFFFCE00  }
0x49: {  	_ =	sfence.sel $0x180000  }
0x4a: {  	[bflag:$0x0] =	sbarrier.arrive $0xFFFF  }
0x4b: {  	p0 =	sne.s32 s1, $0x0;
	_ =	strace $0x9000004A  }
0x4c: {  	s0 =	sadd.s32 @!p0 $0x100000, s0;
	[bflag:$0x2] =	sbarrier.arrive $0xFFFF  }
0x4d: {  	[sflag:s0] =	ssyncadd.tile.s32 @!p0 $0x1;
	_ =	shalt  }
.Lfunc_end2:
_tile_overlayer_lowered:
.L_overlay_start_2:
0x4e: {  	(tag) =	ssettag $0x2  }
0x4f: {  	s0 =	rddreg [dreg:$0x0];
	s2 =	stileid.u32  }
0x50: {  	s1 =	rddreg [dreg:$0x1];
	p0 =	sne.s32 s2, $0x0  }
0x51: {  	s3 =	rddreg [dreg:$0x2];
	[bflag:$0x3] =	sbarrier.arrive $0xFFFF;
	s2 =	simm.s32 @!p0 $0x1C02  }
0x52: {  	[timem:s3], [sflag:s2] =	dma.local @!p0 [hbm:s0], s1  }
0x53: {  	s0 =	simm.s32 @!p0 $0x2  }
0x54: {  	_ =	swait.ge @!p0 [sflag:s0], s1  }
0x55: {  	s1 =	ssub.s32 @!p0 $0x0, s1;
	[sflag:s0] =	ssyncset.done @!p0 $0x0  }
0x56: {  	[sflag:s0] =	ssyncadd.s32 @!p0 s1  }
0x57: {  	[bflag:$0x3] =	sbarrier.arrive $0xFFFF  }
0x58: {  	_ =	shalt  }

// kernel: kernel.21.cloned.1.call-start
scs
__scs_entry_jumppad:
0x0: {  	(pc) =	sbr.rel $0x88, $3  }
0x1: {  	(tag) =	ssettag $0x0;
	lr =	simm.s32 $0x1  }
0x2: {  	[smem:$0x3F8E] =	sst lr;
	_ =	strace $0xD0000000  }
0x3: {  	_ = 	snop  }
0x4: {  	_ = 	snop  }
0x5: {  	_ = 	snop  }
0x6: {  	_ = 	snop  }
0x7: {  	_ = 	snop  }
__scs_overlays_trampoline_lowered:
0x8: {  	[smem:$0x3F9D] =	sst s0  }
0x9: {  	[smem:$0x3F9E] =	sst s1  }
0xa: {  	[smem:$0x3F9F] =	sst s2  }
0xb: {  	[smem:$0x3FA0] =	sst s3  }
0xc: {  	[smem:$0x3FA1] =	sst s4  }
0xd: {  	[smem:$0x3FA2] =	sst s5  }
0xe: {  	[smem:$0x3FA3] =	sst s6  }
0xf: {  	[smem:$0x3FA4] =	sst s7  }
0x10: {  	[smem:$0x3FA5] =	sst s8  }
0x11: {  	[smem:$0x3FA6] =	sst s9;
	s0 =	simm.s32 @!p0 $0x0  }
0x12: {  	s1 =	sld [smem:$0x3F8C];
	s0 =	simm.s32 @p0 $0x1  }
0x13: {  	[smem:$0x3FA7] =	sst s0;
	s0 =	simm.s32 @!p1 $0x0  }
0x14: {  	s2 =	sld [smem:$0x3F8B];
	s0 =	simm.s32 @p1 $0x1  }
0x15: {  	[smem:$0x3FA8] =	sst s0;
	s0 =	simm.s32 @!p2 $0x0  }
0x16: {  	s3 =	sld [smem:$0x3FDB];
	s0 =	simm.s32 @p2 $0x1  }
0x17: {  	s4 =	simm.s32 $0x1BF5;
	[smem:$0x3FAA] =	sst s0  }
0x18: {  	s0 =	sld [smem:$0x3F8D];
	_ =	swait.ge [sflag:s4], $0x0  }
0x19: {  	s7 =	sld [smem:$0x3F8E]  }
0x1a: {  	s8 =	sadd.s32 $0xFFFFE003, lr  }
0x1b: {  	s9 =	sadd.s32 $0xFFFFFEF7, lr;
	s5 =	simm.s32 $0xFFFFFFFF;
	p2 =	slt.u32 s8, $0xFFFFF086  }
0x1c: {  	p1 =	slt.u32 s9, $0xF7A;
	s5 =	simm.s32 @!p2 $0x0  }
0x1d: {  	s5 =	simm.s32 @p1 $0x1;
	p0 =	seq.s32 s7, s2  }
0x1e: {  	s7 =	smul.u32 @!p0 $0xF7A, s2;
	p2 =	seq.s32 @!p0 s5, $0x0  }
0x1f: {  	s9 =	smul.u32 $0xF7A, s1;
	s8 =	simm.s32 @!p0 $0x1BF5;
	p2 =	por !p2, p0  }
0x20: {  	[sflag:s8] =	ssyncset.s32 @!p0 $0xFFFFF086;
	s6 =	sadd.s32 @!p0 s3, s7;
	s7 =	simm.s32 @!p0 $0x108  }
0x21: {  	s3 =	sadd.s32 s3, s9;
	s6 =	sadd.s32 @!p0 $0x88, s6;
	s7 =	simm.s32 @p2 $0x1082  }
0x22: {  	[simem:s7], [sflag:s8] =	dma.local @!p0 [hbm:s6], $0xF7A  }
0x23: {  	s9 =	sor.u32 $0xD0000000, s2;
	s6 =	simm.s32 $0x108;
	_ =	swait.ge @!p0 [sflag:s8], $0x0  }
0x24: {  	s3 =	sadd.s32 $0x88, s3;
	s6 =	simm.s32 @!p1 $0x1082;
	[sflag:s4] =	ssyncset.s32 $0xFFFFF086  }
0x25: {  	[simem:s6], [sflag:s4] =	dma.local [hbm:s3], $0xF7A  }
0x26: {  	[smem:$0x3F8E] =	sst s1;
	(tag) =	ssettag s2;
	_ =	strace s9  }
0x27: {  	s1 =	sld [smem:$0x3F9E]  }
0x28: {  	s2 =	sld [smem:$0x3F9F]  }
0x29: {  	s4 =	sld [smem:$0x3FA1]  }
0x2a: {  	p0 =	seq.s32 s5, $0x0;
	s5 =	sld [smem:$0x3FA2]  }
0x2b: {  	s6 =	sld [smem:$0x3FA3]  }
0x2c: {  	s7 =	sld [smem:$0x3FA4]  }
0x2d: {  	s3 =	simm.s32 $0x108;
	s8 =	sld [smem:$0x3FA5]  }
0x2e: {  	s3 =	simm.s32 @!p0 $0x1082;
	s9 =	sld [smem:$0x3FA6]  }
0x2f: {  	lr =	sadd.s32 s0, s3;
	s0 =	sld [smem:$0x3F9D]  }
0x30: {  	s3 =	sld [smem:$0x3FA0]  }
0x31: {  	[smem:$0x3FA9] =	sst s10  }
0x32: {  	s10 =	sld [smem:$0x3FA7];
	_ =	sdelay $0x3  }
0x33: {  	p0 =	seq.s32 s10, $0x1;
	s10 =	sld [smem:$0x3FA9];
	_ =	sdelay $0x3  }
0x34: {  	[smem:$0x3FA9] =	sst s10  }
0x35: {  	s10 =	sld [smem:$0x3FA8];
	_ =	sdelay $0x3  }
0x36: {  	p1 =	seq.s32 s10, $0x1;
	s10 =	sld [smem:$0x3FA9];
	_ =	sdelay $0x3  }
0x37: {  	[smem:$0x3FA9] =	sst s10  }
0x38: {  	s10 =	sld [smem:$0x3FAA]  }
0x39: {  	_ = 	snop;
	(pc) =	sbr.ind lr, $3  }
0x3a: {  	_ = 	snop  }
0x3b: {  	_ = 	snop  }
0x3c: {  	p2 =	seq.s32 s10, $0x1;
	s10 =	sld [smem:$0x3FA9]  }
0x3d: {  	_ =	shalt  }
0x3e: {  	_ =	shalt  }
0x3f: {  	_ =	shalt  }
0x40: {  	_ =	shalt  }
0x41: {  	_ =	shalt  }
0x42: {  	_ =	shalt  }
0x43: {  	_ =	shalt  }
0x44: {  	_ =	shalt  }
0x45: {  	_ =	shalt  }
0x46: {  	_ =	shalt  }
0x47: {  	_ =	shalt  }
0x48: {  	_ =	shalt  }
0x49: {  	_ =	shalt  }
0x4a: {  	_ =	shalt  }
0x4b: {  	_ =	shalt  }
0x4c: {  	_ =	shalt  }
0x4d: {  	_ =	shalt  }
0x4e: {  	_ =	shalt  }
0x4f: {  	_ =	shalt  }
0x50: {  	_ =	shalt  }
0x51: {  	_ =	shalt  }
0x52: {  	_ =	shalt  }
0x53: {  	_ =	shalt  }
0x54: {  	_ =	shalt  }
0x55: {  	_ =	shalt  }
0x56: {  	_ =	shalt  }
0x57: {  	_ =	shalt  }
0x58: {  	_ =	shalt  }
0x59: {  	_ =	shalt  }
0x5a: {  	_ =	shalt  }
0x5b: {  	_ =	shalt  }
0x5c: {  	_ =	shalt  }
0x5d: {  	_ =	shalt  }
0x5e: {  	_ =	shalt  }
0x5f: {  	_ =	shalt  }
0x60: {  	_ =	shalt  }
0x61: {  	_ =	shalt  }
0x62: {  	_ =	shalt  }
0x63: {  	_ =	shalt  }
0x64: {  	_ =	shalt  }
0x65: {  	_ =	shalt  }
0x66: {  	_ =	shalt  }
0x67: {  	_ =	shalt  }
0x68: {  	_ =	shalt  }
0x69: {  	_ =	shalt  }
0x6a: {  	_ =	shalt  }
0x6b: {  	_ =	shalt  }
0x6c: {  	_ =	shalt  }
0x6d: {  	_ =	shalt  }
0x6e: {  	_ =	shalt  }
0x6f: {  	_ =	shalt  }
0x70: {  	_ =	shalt  }
0x71: {  	_ =	shalt  }
0x72: {  	_ =	shalt  }
0x73: {  	_ =	shalt  }
0x74: {  	_ =	shalt  }
0x75: {  	_ =	shalt  }
0x76: {  	_ =	shalt  }
0x77: {  	_ =	shalt  }
0x78: {  	_ =	shalt  }
0x79: {  	_ =	shalt  }
0x7a: {  	_ =	shalt  }
0x7b: {  	_ =	shalt  }
0x7c: {  	_ =	shalt  }
0x7d: {  	_ =	shalt  }
0x7e: {  	_ =	shalt  }
0x7f: {  	_ =	shalt  }
0x80: {  	_ =	shalt  }
0x81: {  	_ =	shalt  }
0x82: {  	_ =	shalt  }
0x83: {  	_ =	shalt  }
0x84: {  	_ =	shalt  }
0x85: {  	_ =	shalt  }
0x86: {  	_ =	shalt  }
0x87: {  	_ =	shalt  }
.Lfunc_end0:
.L_simem_size_0:
called_computation.2_lowered:
.L_overlay_start_0:
0x88: {  	s2 =	sld [smem:$0x3FD9]  }
0x89: {  	s3 =	sld [smem:$0x3FFE];
	_ =	sdelay $0x1  }
0x8a: {  	s1 =	srdreg.scid  }
0x8b: {  	s0 =	sand.u32 $0x1, s1  }
0x8c: {  	s16 =	sshll.u32 s0, $0xA;
	s2 =	sadd.s32 s3, s2  }
0x8d: {  	s2 =	sadd.s32 s2, s16  }
0x8e: {  	[smem:$0x3FB5] =	sst s2  }
0x8f: {  	_ = 	snop  }
0x90: {  	(tm) =	ssettm $0x1  }
0x91: {  	s17 =	sld [smem:$0x3FFB];
	_ =	sdelay $0x3  }
0x92: {  	_ =	strace s17  }
0x93: {  	s2 =	sld [smem:$0x3FFC];
	_ =	sdelay $0x3  }
0x94: {  	_ =	strace s2  }
0x95: {  	s2 =	sld [smem:$0x3FFD];
	_ =	sdelay $0x3  }
0x96: {  	_ =	strace s2  }
0x97: {  	_ =	strace $0x8FFFFFFF  }
0x98: {  	s18 =	sld [smem:$0x3FDB];
	_ =	sdelay $0x1  }
0x99: {  	s19 =	simm.s32 $_scs_section_size  }
0x9a: {  	s4 =	simm.s32 $_size__tile_overlayer_lowered;
	s5 =	simm.s32 $_tile_overlayer_lowered  }
0x9b: {  	s22 =	simm.s32 $0x1BFF;
	s21 =	sshll.u32 s5, $0x1;
	s2 =	sadd.s32 s19, s18  }
0x9c: {  	s6 =	simm.s32 $0x0;
	s20 =	sshll.u32 s4, $0x1;
	s4 =	sadd.s32 s21, s2  }
0x9d: {  	[timem:s6], [sflag:s22] =	dma.local [hbm:s4], s20  }
0x9e: {  	_ =	swait.ge [sflag:s22], s20  }
0x9f: {  	s3 =	ssub.s32 $0x0, s20;
	[sflag:s22] =	ssyncset.done $0x0  }
0xa0: {  	[sflag:s22] =	ssyncadd.s32 s3;
	_ =	sdelay $0x1  }
0xa1: {  	s23 =	simm.s32 $0x1B8B  }
0xa2: {  	_ =	swait.ge [sflag:s23], $0x1  }
0xa3: {  	[sflag:s23] =	ssyncset.done $0x0  }
0xa4: {  	s25 =	simm.s32 $0x1B8E;
	s24 =	sld [smem:$0x3FFE];
	[sflag:s23] =	ssyncadd.s32 $0xFFFFFFFF  }
0xa5: {  	s26 =	simm.s32 $execute0_lowered;
	[smem:$0x3FD2] =	sst s25  }
0xa6: {  	s4 =	sshll.u32 s26, $0x1;
	_ =	strace $0x8000004C;
	[dreg:$0x1] =	wrdreg $0xFFFFFFFF  }
0xa7: {  	s28 =	simm.s32 $_size_execute0_lowered;
	s2 =	sadd.s32 s2, s4;
	[dreg:$0x0] =	wrdreg $0x0  }
0xa8: {  	s4 =	sshll.u32 s28, $0x1;
	[dreg:$0x2] =	wrdreg s2  }
0xa9: {  	[dreg:$0x3] =	wrdreg s4  }
0xaa: {  	[dreg:$0x4] =	wrdreg $0xC0  }
0xab: {  	_ =	task [dreg:s6], $0x5FFFF  }
0xac: {  	[dreg:$0x1] =	wrdreg $0xFFFFFFFF  }
0xad: {  	[dreg:$0x0] =	wrdreg $0x60  }
0xae: {  	[dreg:$0x2] =	wrdreg s24  }
0xaf: {  	[dreg:$0x3] =	wrdreg $0x41000  }
0xb0: {  	[dreg:$0x4] =	wrdreg $0x9  }
0xb1: {  	_ =	task.clear_ibuf [dreg:s6], $0x5FFFF;
	_ =	strace $0x9000004C  }
0xb2: {  	s29 =	simm.s32 $0x9;
	_ =	strace $0x8000004E  }
0xb3: {  	_ =	swait.ge [sflag:s29], $0x1  }
0xb4: {  	[sflag:s29] =	ssyncadd.s32 $0xFFFFFFFF  }
0xb5: {  	_ =	strace $0x9000004E  }
0xb6: {  	_ =	sfence  }
0xb7: {  	s30 =	sld [smem:$0x0];
	_ =	sdelay $0x2  }
0xb8: {  	s31 =	sshll.u32 s1, $0xD;
	s1 =	sshrl.u32 s1, $0x2  }
0xb9: {  	s3 =	sand.u32 $0x4000, s31;
	s1 =	sadd.s32 s1, s30  }
0xba: {  	s0 =	sor.u32 s3, s0;
	s1 =	sshll.u32 s1, $0x11  }
0xbb: {  	s0 =	sor.u32 s1, s0  }
0xbc: {  	s0 =	sadd.s32 $0x8F2B, s0  }
0xbd: {  	[sflag:s0] =	ssyncadd.remote.s32 $0x1  }
0xbe: {  	_ =	sfence.sel $0xFFFF  }
0xbf: {  	[dreg:$0x0] =	wrdreg $0xFFFFFFFF;
	(pc) =	sbr.abs _section_cstart, $3  }
0xc0: {  	[dreg:$0x1] =	wrdreg $0xFFFFFFFF  }
0xc1: {  	_ =	task.clear_ibuf [dreg:s6], $0x2FFFF;
	_ =	strace $0x9FFFFFFF  }
0xc2: {  	(tm) =	ssettm $0x7FFFFFFF  }
0xc3: {  	_ =	shalt  }
tec
execute0_lowered:
.L_overlay_start_1:
0x0: {  	(tag) =	ssettag $0x1  }
0x1: {  	s5 =	rddreg [dreg:$0x0];
	s0 =	srdreg.scid  }
0x2: {  	s2 =	rddreg [dreg:$0x1];
	s1 =	stileid.u32;
	s3 =	simm.s32 $0x0  }
0x3: {  	s13 =	simm.s32 $0x80;
	s14 =	simm.s32 $0x100;
	s8 =	smul.u32 $0x3200, s1  }
0x4: {  	s15 =	simm.s32 $0x1;
	s16 =	simm.s32 $0x0;
	s26 =	smul.u32 $0x64000, s1  }
0x5: {  	s6 =	sand.u32 $0x1, s0;
	s0 =	rddreg [dreg:$0x2];
	s30 =	smul.u32 $0x4F0, s1  }
0x6: {  	[smem:$0x7FF] =	sst s3;
	s4 =	sadd.s32 $0x42600, s5;
	s7 =	smul.u32 $0x4F00, s6  }
0x7: {  	s31 =	sshll.u32 s1, $0x6;
	s9 =	smul.u32 $0x32000, s6;
	s6 =	ssub.s32 $0x2, s6  }
0x8: {  	_ =	strace $0x8000004D;
	s28 =	sshrl.u32 s6, $0x1;
	s29 =	sshrl.u32 s26, $0x2  }
0x9: {  	s10 =	sadd.s32 s7, s5;
	s25 =	sadd.s32 s8, s9;
	s8 =	sadd.s32 s8, s5  }
0xa: {  	s11 =	ssub.s32 s6, s28;
	s12 =	sadd.s32 s29, s2;
	s6 =	sor.u32 $0x1C02, s31  }
0xb: {  	s7 =	sadd.s32 s25, s5;
	s5 =	sadd.s32 $0x10600, s8;
	s10 =	sadd.s32 s30, s10  }
0xc: {  	s8 =	smax.u32 s11, $0x1;
	s11 =	sshrl.u32 s12, $0x3;
	s12 =	simm.s32 $0x2  }
0xd: {  	s7 =	sadd.s32 $0xB1C00, s7;
	s9 =	sadd.s32 $0x6200, s10;
	s10 =	sadd.s32 $0xA7E00, s10  }
.LBB2_1:
0xe: {  	[spmem:s11], [sflag:s6] =	dma.local [hbm:s5], $0x3200  }
0xf: {  	_ =	swait.ge [sflag:s12], $0x3200  }
0x10: {  	[sflag:s12] =	ssyncset.done $0x0  }
0x11: {  	[sflag:s12] =	ssyncadd.s32 $0xFFFFCE00  }
0x12: {  	s17 =	sadd.s32 $0x0, s10;
	[bflag:$0x0] =	sbarrier.arrive $0xFFFF  }
0x13: {  	[tilespmem:s3], [sflag:$0x2] =	stream.linear.gather [hbm4b:s17+s3], $0x80, $0x38;
	[tilespmem:$0x1D100] =	vst v63  }
0x14: {  	_ =	swait.ge [sflag:s12], $0x80  }
0x15: {  	[sflag:s12] =	ssyncset.done $0x0  }
0x16: {  	s31 =	sadd.s32 $0x0, s9;
	[sflag:s12] =	ssyncadd.s32 $0xFFFFFF80  }
0x17: {  	[tilespmem:s13], [sflag:$0x2] =	stream.linear.gather [hbm4b:s31+s3], $0x80, $0x38;
	[tilespmem:$0x1D100] =	vst v63  }
0x18: {  	_ =	swait.ge [sflag:s12], $0x80  }
0x19: {  	[sflag:s12] =	ssyncset.done $0x0  }
0x1a: {  	[sflag:s12] =	ssyncadd.s32 $0xFFFFFF80  }
0x1b: {  	[tilespmem:s14], [sflag:$0x1] =	stream.indirect.gather [hbm4b:s4+s13], $0x80, s3, s13, $0xb8;
	[tilespmem:$0x1D100] =	vst v63  }
0x1c: {  	_ =	swait.ge [sflag:s15], $0x4000  }
0x1d: {  	[sflag:s15] =	ssyncset.done $0x0  }
0x1e: {  	[sflag:s15] =	ssyncadd.s32 $0xFFFFC000  }
0x1f: {  	[spmem:s2] =	stream.indirect.scatter.add.f32 [tilespmem:s14], [sflag:$0x2], $0x80, s13, s13, $0xb8;
	[tilespmem:$0x1D100] =	vst v63  }
0x20: {  	_ =	swait.ge [sflag:s12], $0x4000  }
0x21: {  	s18 =	simm.s32 $0x20;
	s17 =	simm.s32 $0x10;
	[sflag:s12] =	ssyncset.done $0x0  }
.LBB2_2:
0x22: {  	s19 =	sadd.s32 s17, s10  }
0x23: {  	[sflag:s12] =	ssyncadd.s32 $0xFFFFC000;
	s20 =	smov.u32 s18;
	s21 =	sadd.s32 $0x10, s18  }
0x24: {  	[tilespmem:s3], [sflag:$0x2] =	stream.linear.gather [hbm4b:s19+s3], $0x80, $0x38;
	[tilespmem:$0x1D100] =	vst v63  }
0x25: {  	p0 =	sne.s32 s18, $0x4E0;
	_ =	swait.ge [sflag:s12], $0x80  }
0x26: {  	[sflag:s12] =	ssyncset.done $0x0  }
0x27: {  	s18 =	sadd.s32 s17, s9;
	s17 =	smov.u32 s20;
	[sflag:s12] =	ssyncadd.s32 $0xFFFFFF80  }
0x28: {  	[tilespmem:s13], [sflag:$0x2] =	stream.linear.gather [hbm4b:s18+s3], $0x80, $0x38;
	[tilespmem:$0x1D100] =	vst v63  }
0x29: {  	_ =	swait.ge [sflag:s12], $0x80  }
0x2a: {  	[sflag:s12] =	ssyncset.done $0x0  }
0x2b: {  	[sflag:s12] =	ssyncadd.s32 $0xFFFFFF80  }
0x2c: {  	[tilespmem:s14], [sflag:$0x1] =	stream.indirect.gather [hbm4b:s4+s13], $0x80, s3, s13, $0xb8;
	[tilespmem:$0x1D100] =	vst v63  }
0x2d: {  	_ =	swait.ge [sflag:s15], $0x4000  }
.Ltmp0:
0x2e: {  	[sflag:s15] =	ssyncset.done $0x0;
	(pc) =	sbr.rel @p0 .LBB2_2-.Ltmp0, $4  }
0x2f: {  	[sflag:s15] =	ssyncadd.s32 $0xFFFFC000  }
0x30: {  	[spmem:s2] =	stream.indirect.scatter.add.f32 [tilespmem:s14], [sflag:$0x2], $0x80, s13, s13, $0xb8;
	[tilespmem:$0x1D100] =	vst v63  }
0x31: {  	_ =	swait.ge [sflag:s12], $0x4000  }
0x32: {  	s18 =	smov.u32 s21;
	[sflag:s12] =	ssyncset.done $0x0  }
0x33: {  	s18 =	sadd.s32 s17, s10;
	[sflag:s12] =	ssyncadd.s32 $0xFFFFC000  }
0x34: {  	[tilespmem:s3], [sflag:$0x2] =	stream.linear.gather [hbm4b:s18+s3], $0x80, $0x38;
	[tilespmem:$0x1D100] =	vst v63  }
0x35: {  	_ =	swait.ge [sflag:s12], $0x80  }
0x36: {  	[sflag:s12] =	ssyncset.done $0x0  }
0x37: {  	s31 =	sadd.s32 s17, s9;
	[sflag:s12] =	ssyncadd.s32 $0xFFFFFF80  }
0x38: {  	[tilespmem:s13], [sflag:$0x2] =	stream.linear.gather [hbm4b:s31+s3], $0x80, $0x38;
	[tilespmem:$0x1D100] =	vst v63  }
0x39: {  	_ =	swait.ge [sflag:s12], $0x80  }
0x3a: {  	[sflag:s12] =	ssyncset.done $0x0  }
0x3b: {  	[sflag:s12] =	ssyncadd.s32 $0xFFFFFF80  }
0x3c: {  	[tilespmem:s14], [sflag:$0x1] =	stream.indirect.gather [hbm4b:s4+s13], $0x80, s3, s13, $0xb8;
	[tilespmem:$0x1D100] =	vst v63  }
0x3d: {  	_ =	swait.ge [sflag:s15], $0x4000  }
0x3e: {  	[sflag:s15] =	ssyncset.done $0x0  }
0x3f: {  	[sflag:s15] =	ssyncadd.s32 $0xFFFFC000  }
0x40: {  	[spmem:s2] =	stream.indirect.scatter.add.f32 [tilespmem:s14], [sflag:$0x2], $0x80, s13, s13, $0xb8;
	[tilespmem:$0x1D100] =	vst v63  }
0x41: {  	_ =	swait.ge [sflag:s12], $0x4000  }
0x42: {  	s16 =	sadd.s32 $0x1, s16;
	[sflag:s12] =	ssyncset.done $0x0  }
0x43: {  	p0 =	sne.s32 s16, s8;
	[sflag:s12] =	ssyncadd.s32 $0xFFFFC000  }
.Ltmp1:
0x44: {  	[bflag:$0x0] =	sbarrier.arrive $0xFFFF;
	(pc) =	sbr.rel @p0 .LBB2_1-.Ltmp1, $4  }
0x45: {  	[hbm:s7], [sflag:s6] =	dma.local [spmem:s11], $0x3200  }
0x46: {  	_ =	swait.ge [sflag:s12], $0x3200  }
0x47: {  	[sflag:s12] =	ssyncset.done $0x0  }
0x48: {  	[sflag:s12] =	ssyncadd.s32 $0xFFFFCE00  }
0x49: {  	_ =	sfence.sel $0x180000  }
0x4a: {  	[bflag:$0x0] =	sbarrier.arrive $0xFFFF  }
0x4b: {  	p0 =	sne.s32 s1, $0x0;
	_ =	strace $0x9000004D  }
0x4c: {  	s0 =	sadd.s32 @!p0 $0x100000, s0;
	[bflag:$0x2] =	sbarrier.arrive $0xFFFF  }
0x4d: {  	[sflag:s0] =	ssyncadd.tile.s32 @!p0 $0x1;
	_ =	shalt  }
.Lfunc_end2:
_tile_overlayer_lowered:
.L_overlay_start_2:
0x4e: {  	(tag) =	ssettag $0x2  }
0x4f: {  	s0 =	rddreg [dreg:$0x0];
	s2 =	stileid.u32  }
0x50: {  	s1 =	rddreg [dreg:$0x1];
	p0 =	sne.s32 s2, $0x0  }
0x51: {  	s3 =	rddreg [dreg:$0x2];
	[bflag:$0x3] =	sbarrier.arrive $0xFFFF;
	s2 =	simm.s32 @!p0 $0x1C02  }
0x52: {  	[timem:s3], [sflag:s2] =	dma.local @!p0 [hbm:s0], s1  }
0x53: {  	s0 =	simm.s32 @!p0 $0x2  }
0x54: {  	_ =	swait.ge @!p0 [sflag:s0], s1  }
0x55: {  	s1 =	ssub.s32 @!p0 $0x0, s1;
	[sflag:s0] =	ssyncset.done @!p0 $0x0  }
0x56: {  	[sflag:s0] =	ssyncadd.s32 @!p0 s1  }
0x57: {  	[bflag:$0x3] =	sbarrier.arrive $0xFFFF  }
0x58: {  	_ =	shalt  }

// kernel: kernel.24.cloned.1.call-start
scs
__scs_entry_jumppad:
0x0: {  	(pc) =	sbr.rel $0x88, $3  }
0x1: {  	(tag) =	ssettag $0x0;
	lr =	simm.s32 $0x1  }
0x2: {  	[smem:$0x3F8E] =	sst lr;
	_ =	strace $0xD0000000  }
0x3: {  	_ = 	snop  }
0x4: {  	_ = 	snop  }
0x5: {  	_ = 	snop  }
0x6: {  	_ = 	snop  }
0x7: {  	_ = 	snop  }
__scs_overlays_trampoline_lowered:
0x8: {  	[smem:$0x3F9D] =	sst s0  }
0x9: {  	[smem:$0x3F9E] =	sst s1  }
0xa: {  	[smem:$0x3F9F] =	sst s2  }
0xb: {  	[smem:$0x3FA0] =	sst s3  }
0xc: {  	[smem:$0x3FA1] =	sst s4  }
0xd: {  	[smem:$0x3FA2] =	sst s5  }
0xe: {  	[smem:$0x3FA3] =	sst s6  }
0xf: {  	[smem:$0x3FA4] =	sst s7  }
0x10: {  	[smem:$0x3FA5] =	sst s8  }
0x11: {  	[smem:$0x3FA6] =	sst s9;
	s0 =	simm.s32 @!p0 $0x0  }
0x12: {  	s1 =	sld [smem:$0x3F8C];
	s0 =	simm.s32 @p0 $0x1  }
0x13: {  	[smem:$0x3FA7] =	sst s0;
	s0 =	simm.s32 @!p1 $0x0  }
0x14: {  	s2 =	sld [smem:$0x3F8B];
	s0 =	simm.s32 @p1 $0x1  }
0x15: {  	[smem:$0x3FA8] =	sst s0;
	s0 =	simm.s32 @!p2 $0x0  }
0x16: {  	s3 =	sld [smem:$0x3FDB];
	s0 =	simm.s32 @p2 $0x1  }
0x17: {  	s4 =	simm.s32 $0x1BF5;
	[smem:$0x3FAA] =	sst s0  }
0x18: {  	s0 =	sld [smem:$0x3F8D];
	_ =	swait.ge [sflag:s4], $0x0  }
0x19: {  	s7 =	sld [smem:$0x3F8E]  }
0x1a: {  	s8 =	sadd.s32 $0xFFFFE003, lr  }
0x1b: {  	s9 =	sadd.s32 $0xFFFFFEF7, lr;
	s5 =	simm.s32 $0xFFFFFFFF;
	p2 =	slt.u32 s8, $0xFFFFF086  }
0x1c: {  	p1 =	slt.u32 s9, $0xF7A;
	s5 =	simm.s32 @!p2 $0x0  }
0x1d: {  	s5 =	simm.s32 @p1 $0x1;
	p0 =	seq.s32 s7, s2  }
0x1e: {  	s7 =	smul.u32 @!p0 $0xF7A, s2;
	p2 =	seq.s32 @!p0 s5, $0x0  }
0x1f: {  	s9 =	smul.u32 $0xF7A, s1;
	s8 =	simm.s32 @!p0 $0x1BF5;
	p2 =	por !p2, p0  }
0x20: {  	[sflag:s8] =	ssyncset.s32 @!p0 $0xFFFFF086;
	s6 =	sadd.s32 @!p0 s3, s7;
	s7 =	simm.s32 @!p0 $0x108  }
0x21: {  	s3 =	sadd.s32 s3, s9;
	s6 =	sadd.s32 @!p0 $0x88, s6;
	s7 =	simm.s32 @p2 $0x1082  }
0x22: {  	[simem:s7], [sflag:s8] =	dma.local @!p0 [hbm:s6], $0xF7A  }
0x23: {  	s9 =	sor.u32 $0xD0000000, s2;
	s6 =	simm.s32 $0x108;
	_ =	swait.ge @!p0 [sflag:s8], $0x0  }
0x24: {  	s3 =	sadd.s32 $0x88, s3;
	s6 =	simm.s32 @!p1 $0x1082;
	[sflag:s4] =	ssyncset.s32 $0xFFFFF086  }
0x25: {  	[simem:s6], [sflag:s4] =	dma.local [hbm:s3], $0xF7A  }
0x26: {  	[smem:$0x3F8E] =	sst s1;
	(tag) =	ssettag s2;
	_ =	strace s9  }
0x27: {  	s1 =	sld [smem:$0x3F9E]  }
0x28: {  	s2 =	sld [smem:$0x3F9F]  }
0x29: {  	s4 =	sld [smem:$0x3FA1]  }
0x2a: {  	p0 =	seq.s32 s5, $0x0;
	s5 =	sld [smem:$0x3FA2]  }
0x2b: {  	s6 =	sld [smem:$0x3FA3]  }
0x2c: {  	s7 =	sld [smem:$0x3FA4]  }
0x2d: {  	s3 =	simm.s32 $0x108;
	s8 =	sld [smem:$0x3FA5]  }
0x2e: {  	s3 =	simm.s32 @!p0 $0x1082;
	s9 =	sld [smem:$0x3FA6]  }
0x2f: {  	lr =	sadd.s32 s0, s3;
	s0 =	sld [smem:$0x3F9D]  }
0x30: {  	s3 =	sld [smem:$0x3FA0]  }
0x31: {  	[smem:$0x3FA9] =	sst s10  }
0x32: {  	s10 =	sld [smem:$0x3FA7];
	_ =	sdelay $0x3  }
0x33: {  	p0 =	seq.s32 s10, $0x1;
	s10 =	sld [smem:$0x3FA9];
	_ =	sdelay $0x3  }
0x34: {  	[smem:$0x3FA9] =	sst s10  }
0x35: {  	s10 =	sld [smem:$0x3FA8];
	_ =	sdelay $0x3  }
0x36: {  	p1 =	seq.s32 s10, $0x1;
	s10 =	sld [smem:$0x3FA9];
	_ =	sdelay $0x3  }
0x37: {  	[smem:$0x3FA9] =	sst s10  }
0x38: {  	s10 =	sld [smem:$0x3FAA]  }
0x39: {  	_ = 	snop;
	(pc) =	sbr.ind lr, $3  }
0x3a: {  	_ = 	snop  }
0x3b: {  	_ = 	snop  }
0x3c: {  	p2 =	seq.s32 s10, $0x1;
	s10 =	sld [smem:$0x3FA9]  }
0x3d: {  	_ =	shalt  }
0x3e: {  	_ =	shalt  }
0x3f: {  	_ =	shalt  }
0x40: {  	_ =	shalt  }
0x41: {  	_ =	shalt  }
0x42: {  	_ =	shalt  }
0x43: {  	_ =	shalt  }
0x44: {  	_ =	shalt  }
0x45: {  	_ =	shalt  }
0x46: {  	_ =	shalt  }
0x47: {  	_ =	shalt  }
0x48: {  	_ =	shalt  }
0x49: {  	_ =	shalt  }
0x4a: {  	_ =	shalt  }
0x4b: {  	_ =	shalt  }
0x4c: {  	_ =	shalt  }
0x4d: {  	_ =	shalt  }
0x4e: {  	_ =	shalt  }
0x4f: {  	_ =	shalt  }
0x50: {  	_ =	shalt  }
0x51: {  	_ =	shalt  }
0x52: {  	_ =	shalt  }
0x53: {  	_ =	shalt  }
0x54: {  	_ =	shalt  }
0x55: {  	_ =	shalt  }
0x56: {  	_ =	shalt  }
0x57: {  	_ =	shalt  }
0x58: {  	_ =	shalt  }
0x59: {  	_ =	shalt  }
0x5a: {  	_ =	shalt  }
0x5b: {  	_ =	shalt  }
0x5c: {  	_ =	shalt  }
0x5d: {  	_ =	shalt  }
0x5e: {  	_ =	shalt  }
0x5f: {  	_ =	shalt  }
0x60: {  	_ =	shalt  }
0x61: {  	_ =	shalt  }
0x62: {  	_ =	shalt  }
0x63: {  	_ =	shalt  }
0x64: {  	_ =	shalt  }
0x65: {  	_ =	shalt  }
0x66: {  	_ =	shalt  }
0x67: {  	_ =	shalt  }
0x68: {  	_ =	shalt  }
0x69: {  	_ =	shalt  }
0x6a: {  	_ =	shalt  }
0x6b: {  	_ =	shalt  }
0x6c: {  	_ =	shalt  }
0x6d: {  	_ =	shalt  }
0x6e: {  	_ =	shalt  }
0x6f: {  	_ =	shalt  }
0x70: {  	_ =	shalt  }
0x71: {  	_ =	shalt  }
0x72: {  	_ =	shalt  }
0x73: {  	_ =	shalt  }
0x74: {  	_ =	shalt  }
0x75: {  	_ =	shalt  }
0x76: {  	_ =	shalt  }
0x77: {  	_ =	shalt  }
0x78: {  	_ =	shalt  }
0x79: {  	_ =	shalt  }
0x7a: {  	_ =	shalt  }
0x7b: {  	_ =	shalt  }
0x7c: {  	_ =	shalt  }
0x7d: {  	_ =	shalt  }
0x7e: {  	_ =	shalt  }
0x7f: {  	_ =	shalt  }
0x80: {  	_ =	shalt  }
0x81: {  	_ =	shalt  }
0x82: {  	_ =	shalt  }
0x83: {  	_ =	shalt  }
0x84: {  	_ =	shalt  }
0x85: {  	_ =	shalt  }
0x86: {  	_ =	shalt  }
0x87: {  	_ =	shalt  }
.Lfunc_end0:
.L_simem_size_0:
called_computation.3_lowered:
.L_overlay_start_0:
0x88: {  	s2 =	sld [smem:$0x3FD9]  }
0x89: {  	s3 =	sld [smem:$0x3FFE];
	_ =	sdelay $0x1  }
0x8a: {  	s1 =	srdreg.scid  }
0x8b: {  	s0 =	sand.u32 $0x1, s1  }
0x8c: {  	s16 =	sshll.u32 s0, $0xA;
	s2 =	sadd.s32 s3, s2  }
0x8d: {  	s2 =	sadd.s32 s2, s16  }
0x8e: {  	[smem:$0x3FB5] =	sst s2  }
0x8f: {  	_ = 	snop  }
0x90: {  	(tm) =	ssettm $0x1  }
0x91: {  	s17 =	sld [smem:$0x3FFB];
	_ =	sdelay $0x3  }
0x92: {  	_ =	strace s17  }
0x93: {  	s2 =	sld [smem:$0x3FFC];
	_ =	sdelay $0x3  }
0x94: {  	_ =	strace s2  }
0x95: {  	s2 =	sld [smem:$0x3FFD];
	_ =	sdelay $0x3  }
0x96: {  	_ =	strace s2  }
0x97: {  	_ =	strace $0x8FFFFFFF  }
0x98: {  	s18 =	sld [smem:$0x3FDB];
	_ =	sdelay $0x1  }
0x99: {  	s19 =	simm.s32 $_scs_section_size  }
0x9a: {  	s4 =	simm.s32 $_size__tile_overlayer_lowered;
	s5 =	simm.s32 $_tile_overlayer_lowered  }
0x9b: {  	s22 =	simm.s32 $0x1BFF;
	s21 =	sshll.u32 s5, $0x1;
	s2 =	sadd.s32 s19, s18  }
0x9c: {  	s6 =	simm.s32 $0x0;
	s20 =	sshll.u32 s4, $0x1;
	s4 =	sadd.s32 s21, s2  }
0x9d: {  	[timem:s6], [sflag:s22] =	dma.local [hbm:s4], s20  }
0x9e: {  	_ =	swait.ge [sflag:s22], s20  }
0x9f: {  	s3 =	ssub.s32 $0x0, s20;
	[sflag:s22] =	ssyncset.done $0x0  }
0xa0: {  	[sflag:s22] =	ssyncadd.s32 s3;
	_ =	sdelay $0x1  }
0xa1: {  	s23 =	simm.s32 $0x1B8B  }
0xa2: {  	_ =	swait.ge [sflag:s23], $0x1  }
0xa3: {  	[sflag:s23] =	ssyncset.done $0x0  }
0xa4: {  	s25 =	simm.s32 $0x1B8E;
	s24 =	sld [smem:$0x3FFE];
	[sflag:s23] =	ssyncadd.s32 $0xFFFFFFFF  }
0xa5: {  	s26 =	simm.s32 $execute0_lowered;
	[smem:$0x3FD2] =	sst s25  }
0xa6: {  	s4 =	sshll.u32 s26, $0x1;
	_ =	strace $0x8000004F;
	[dreg:$0x1] =	wrdreg $0xFFFFFFFF  }
0xa7: {  	s28 =	simm.s32 $_size_execute0_lowered;
	s2 =	sadd.s32 s2, s4;
	[dreg:$0x0] =	wrdreg $0x0  }
0xa8: {  	s4 =	sshll.u32 s28, $0x1;
	[dreg:$0x2] =	wrdreg s2  }
0xa9: {  	[dreg:$0x3] =	wrdreg s4  }
0xaa: {  	[dreg:$0x4] =	wrdreg $0xC0  }
0xab: {  	_ =	task [dreg:s6], $0x5FFFF  }
0xac: {  	[dreg:$0x1] =	wrdreg $0xFFFFFFFF  }
0xad: {  	[dreg:$0x0] =	wrdreg $0x60  }
0xae: {  	[dreg:$0x2] =	wrdreg s24  }
0xaf: {  	[dreg:$0x3] =	wrdreg $0x41000  }
0xb0: {  	[dreg:$0x4] =	wrdreg $0x9  }
0xb1: {  	_ =	task.clear_ibuf [dreg:s6], $0x5FFFF;
	_ =	strace $0x9000004F  }
0xb2: {  	s29 =	simm.s32 $0x9;
	_ =	strace $0x80000051  }
0xb3: {  	_ =	swait.ge [sflag:s29], $0x1  }
0xb4: {  	[sflag:s29] =	ssyncadd.s32 $0xFFFFFFFF  }
0xb5: {  	_ =	strace $0x90000051  }
0xb6: {  	_ =	sfence  }
0xb7: {  	s30 =	sld [smem:$0x0];
	_ =	sdelay $0x2  }
0xb8: {  	s31 =	sshll.u32 s1, $0xD;
	s1 =	sshrl.u32 s1, $0x2  }
0xb9: {  	s3 =	sand.u32 $0x4000, s31;
	s1 =	sadd.s32 s1, s30  }
0xba: {  	s0 =	sor.u32 s3, s0;
	s1 =	sshll.u32 s1, $0x11  }
0xbb: {  	s0 =	sor.u32 s1, s0  }
0xbc: {  	s0 =	sadd.s32 $0x8F2B, s0  }
0xbd: {  	[sflag:s0] =	ssyncadd.remote.s32 $0x1  }
0xbe: {  	_ =	sfence.sel $0xFFFF  }
0xbf: {  	[dreg:$0x0] =	wrdreg $0xFFFFFFFF;
	(pc) =	sbr.abs _section_cstart, $3  }
0xc0: {  	[dreg:$0x1] =	wrdreg $0xFFFFFFFF  }
0xc1: {  	_ =	task.clear_ibuf [dreg:s6], $0x2FFFF;
	_ =	strace $0x9FFFFFFF  }
0xc2: {  	(tm) =	ssettm $0x7FFFFFFF  }
0xc3: {  	_ =	shalt  }
tec
execute0_lowered:
.L_overlay_start_1:
0x0: {  	(tag) =	ssettag $0x1  }
0x1: {  	s5 =	rddreg [dreg:$0x0];
	s0 =	srdreg.scid  }
0x2: {  	s2 =	rddreg [dreg:$0x1];
	s1 =	stileid.u32;
	s3 =	simm.s32 $0x0  }
0x3: {  	s13 =	simm.s32 $0x80;
	s14 =	simm.s32 $0x100;
	s8 =	smul.u32 $0x3200, s1  }
0x4: {  	s15 =	simm.s32 $0x1;
	s16 =	simm.s32 $0x0;
	s26 =	smul.u32 $0x64000, s1  }
0x5: {  	s6 =	sand.u32 $0x1, s0;
	s0 =	rddreg [dreg:$0x2];
	s30 =	smul.u32 $0x4F0, s1  }
0x6: {  	[smem:$0x7FF] =	sst s3;
	s4 =	sadd.s32 $0x42600, s5;
	s7 =	smul.u32 $0x4F00, s6  }
0x7: {  	s31 =	sshll.u32 s1, $0x6;
	s9 =	smul.u32 $0x32000, s6;
	s6 =	ssub.s32 $0x2, s6  }
0x8: {  	_ =	strace $0x80000050;
	s28 =	sshrl.u32 s6, $0x1;
	s29 =	sshrl.u32 s26, $0x2  }
0x9: {  	s10 =	sadd.s32 s7, s5;
	s25 =	sadd.s32 s8, s9;
	s8 =	sadd.s32 s8, s5  }
0xa: {  	s11 =	ssub.s32 s6, s28;
	s12 =	sadd.s32 s29, s2;
	s6 =	sor.u32 $0x1C02, s31  }
0xb: {  	s7 =	sadd.s32 s25, s5;
	s5 =	sadd.s32 $0x10600, s8;
	s10 =	sadd.s32 s30, s10  }
0xc: {  	s8 =	smax.u32 s11, $0x1;
	s11 =	sshrl.u32 s12, $0x3;
	s12 =	simm.s32 $0x2  }
0xd: {  	s7 =	sadd.s32 $0xB1C00, s7;
	s9 =	sadd.s32 $0x6200, s10;
	s10 =	sadd.s32 $0xA7E00, s10  }
.LBB2_1:
0xe: {  	[spmem:s11], [sflag:s6] =	dma.local [hbm:s5], $0x3200  }
0xf: {  	_ =	swait.ge [sflag:s12], $0x3200  }
0x10: {  	[sflag:s12] =	ssyncset.done $0x0  }
0x11: {  	[sflag:s12] =	ssyncadd.s32 $0xFFFFCE00  }
0x12: {  	s17 =	sadd.s32 $0x0, s10;
	[bflag:$0x0] =	sbarrier.arrive $0xFFFF  }
0x13: {  	[tilespmem:s3], [sflag:$0x2] =	stream.linear.gather [hbm4b:s17+s3], $0x80, $0x38;
	[tilespmem:$0x1D100] =	vst v63  }
0x14: {  	_ =	swait.ge [sflag:s12], $0x80  }
0x15: {  	[sflag:s12] =	ssyncset.done $0x0  }
0x16: {  	s31 =	sadd.s32 $0x0, s9;
	[sflag:s12] =	ssyncadd.s32 $0xFFFFFF80  }
0x17: {  	[tilespmem:s13], [sflag:$0x2] =	stream.linear.gather [hbm4b:s31+s3], $0x80, $0x38;
	[tilespmem:$0x1D100] =	vst v63  }
0x18: {  	_ =	swait.ge [sflag:s12], $0x80  }
0x19: {  	[sflag:s12] =	ssyncset.done $0x0  }
0x1a: {  	[sflag:s12] =	ssyncadd.s32 $0xFFFFFF80  }
0x1b: {  	[tilespmem:s14], [sflag:$0x1] =	stream.indirect.gather [hbm4b:s4+s13], $0x80, s3, s13, $0xb8;
	[tilespmem:$0x1D100] =	vst v63  }
0x1c: {  	_ =	swait.ge [sflag:s15], $0x4000  }
0x1d: {  	[sflag:s15] =	ssyncset.done $0x0  }
0x1e: {  	[sflag:s15] =	ssyncadd.s32 $0xFFFFC000  }
0x1f: {  	[spmem:s2] =	stream.indirect.scatter.add.f32 [tilespmem:s14], [sflag:$0x2], $0x80, s13, s13, $0xb8;
	[tilespmem:$0x1D100] =	vst v63  }
0x20: {  	_ =	swait.ge [sflag:s12], $0x4000  }
0x21: {  	s18 =	simm.s32 $0x20;
	s17 =	simm.s32 $0x10;
	[sflag:s12] =	ssyncset.done $0x0  }
.LBB2_2:
0x22: {  	s19 =	sadd.s32 s17, s10  }
0x23: {  	[sflag:s12] =	ssyncadd.s32 $0xFFFFC000;
	s20 =	smov.u32 s18;
	s21 =	sadd.s32 $0x10, s18  }
0x24: {  	[tilespmem:s3], [sflag:$0x2] =	stream.linear.gather [hbm4b:s19+s3], $0x80, $0x38;
	[tilespmem:$0x1D100] =	vst v63  }
0x25: {  	p0 =	sne.s32 s18, $0x4E0;
	_ =	swait.ge [sflag:s12], $0x80  }
0x26: {  	[sflag:s12] =	ssyncset.done $0x0  }
0x27: {  	s18 =	sadd.s32 s17, s9;
	s17 =	smov.u32 s20;
	[sflag:s12] =	ssyncadd.s32 $0xFFFFFF80  }
0x28: {  	[tilespmem:s13], [sflag:$0x2] =	stream.linear.gather [hbm4b:s18+s3], $0x80, $0x38;
	[tilespmem:$0x1D100] =	vst v63  }
0x29: {  	_ =	swait.ge [sflag:s12], $0x80  }
0x2a: {  	[sflag:s12] =	ssyncset.done $0x0  }
0x2b: {  	[sflag:s12] =	ssyncadd.s32 $0xFFFFFF80  }
0x2c: {  	[tilespmem:s14], [sflag:$0x1] =	stream.indirect.gather [hbm4b:s4+s13], $0x80, s3, s13, $0xb8;
	[tilespmem:$0x1D100] =	vst v63  }
0x2d: {  	_ =	swait.ge [sflag:s15], $0x4000  }
.Ltmp0:
0x2e: {  	[sflag:s15] =	ssyncset.done $0x0;
	(pc) =	sbr.rel @p0 .LBB2_2-.Ltmp0, $4  }
0x2f: {  	[sflag:s15] =	ssyncadd.s32 $0xFFFFC000  }
0x30: {  	[spmem:s2] =	stream.indirect.scatter.add.f32 [tilespmem:s14], [sflag:$0x2], $0x80, s13, s13, $0xb8;
	[tilespmem:$0x1D100] =	vst v63  }
0x31: {  	_ =	swait.ge [sflag:s12], $0x4000  }
0x32: {  	s18 =	smov.u32 s21;
	[sflag:s12] =	ssyncset.done $0x0  }
0x33: {  	s18 =	sadd.s32 s17, s10;
	[sflag:s12] =	ssyncadd.s32 $0xFFFFC000  }
0x34: {  	[tilespmem:s3], [sflag:$0x2] =	stream.linear.gather [hbm4b:s18+s3], $0x80, $0x38;
	[tilespmem:$0x1D100] =	vst v63  }
0x35: {  	_ =	swait.ge [sflag:s12], $0x80  }
0x36: {  	[sflag:s12] =	ssyncset.done $0x0  }
0x37: {  	s31 =	sadd.s32 s17, s9;
	[sflag:s12] =	ssyncadd.s32 $0xFFFFFF80  }
0x38: {  	[tilespmem:s13], [sflag:$0x2] =	stream.linear.gather [hbm4b:s31+s3], $0x80, $0x38;
	[tilespmem:$0x1D100] =	vst v63  }
0x39: {  	_ =	swait.ge [sflag:s12], $0x80  }
0x3a: {  	[sflag:s12] =	ssyncset.done $0x0  }
0x3b: {  	[sflag:s12] =	ssyncadd.s32 $0xFFFFFF80  }
0x3c: {  	[tilespmem:s14], [sflag:$0x1] =	stream.indirect.gather [hbm4b:s4+s13], $0x80, s3, s13, $0xb8;
	[tilespmem:$0x1D100] =	vst v63  }
0x3d: {  	_ =	swait.ge [sflag:s15], $0x4000  }
0x3e: {  	[sflag:s15] =	ssyncset.done $0x0  }
0x3f: {  	[sflag:s15] =	ssyncadd.s32 $0xFFFFC000  }
0x40: {  	[spmem:s2] =	stream.indirect.scatter.add.f32 [tilespmem:s14], [sflag:$0x2], $0x80, s13, s13, $0xb8;
	[tilespmem:$0x1D100] =	vst v63  }
0x41: {  	_ =	swait.ge [sflag:s12], $0x4000  }
0x42: {  	s16 =	sadd.s32 $0x1, s16;
	[sflag:s12] =	ssyncset.done $0x0  }
0x43: {  	p0 =	sne.s32 s16, s8;
	[sflag:s12] =	ssyncadd.s32 $0xFFFFC000  }
.Ltmp1:
0x44: {  	[bflag:$0x0] =	sbarrier.arrive $0xFFFF;
	(pc) =	sbr.rel @p0 .LBB2_1-.Ltmp1, $4  }
0x45: {  	[hbm:s7], [sflag:s6] =	dma.local [spmem:s11], $0x3200  }
0x46: {  	_ =	swait.ge [sflag:s12], $0x3200  }
0x47: {  	[sflag:s12] =	ssyncset.done $0x0  }
0x48: {  	[sflag:s12] =	ssyncadd.s32 $0xFFFFCE00  }
0x49: {  	_ =	sfence.sel $0x180000  }
0x4a: {  	[bflag:$0x0] =	sbarrier.arrive $0xFFFF  }
0x4b: {  	p0 =	sne.s32 s1, $0x0;
	_ =	strace $0x90000050  }
0x4c: {  	s0 =	sadd.s32 @!p0 $0x100000, s0;
	[bflag:$0x2] =	sbarrier.arrive $0xFFFF  }
0x4d: {  	[sflag:s0] =	ssyncadd.tile.s32 @!p0 $0x1;
	_ =	shalt  }
.Lfunc_end2:
_tile_overlayer_lowered:
.L_overlay_start_2:
0x4e: {  	(tag) =	ssettag $0x2  }
0x4f: {  	s0 =	rddreg [dreg:$0x0];
	s2 =	stileid.u32  }
0x50: {  	s1 =	rddreg [dreg:$0x1];
	p0 =	sne.s32 s2, $0x0  }
0x51: {  	s3 =	rddreg [dreg:$0x2];
	[bflag:$0x3] =	sbarrier.arrive $0xFFFF;
	s2 =	simm.s32 @!p0 $0x1C02  }
0x52: {  	[timem:s3], [sflag:s2] =	dma.local @!p0 [hbm:s0], s1  }
0x53: {  	s0 =	simm.s32 @!p0 $0x2  }
0x54: {  	_ =	swait.ge @!p0 [sflag:s0], s1  }
0x55: {  	s1 =	ssub.s32 @!p0 $0x0, s1;
	[sflag:s0] =	ssyncset.done @!p0 $0x0  }
0x56: {  	[sflag:s0] =	ssyncadd.s32 @!p0 s1  }
0x57: {  	[bflag:$0x3] =	sbarrier.arrive $0xFFFF  }
0x58: {  	_ =	shalt  }

// kernel: kernel.27.cloned.1.call-start
scs
__scs_entry_jumppad:
0x0: {  	(pc) =	sbr.rel $0x88, $3  }
0x1: {  	(tag) =	ssettag $0x0;
	lr =	simm.s32 $0x1  }
0x2: {  	[smem:$0x3F8E] =	sst lr;
	_ =	strace $0xD0000000  }
0x3: {  	_ = 	snop  }
0x4: {  	_ = 	snop  }
0x5: {  	_ = 	snop  }
0x6: {  	_ = 	snop  }
0x7: {  	_ = 	snop  }
__scs_overlays_trampoline_lowered:
0x8: {  	[smem:$0x3F9D] =	sst s0  }
0x9: {  	[smem:$0x3F9E] =	sst s1  }
0xa: {  	[smem:$0x3F9F] =	sst s2  }
0xb: {  	[smem:$0x3FA0] =	sst s3  }
0xc: {  	[smem:$0x3FA1] =	sst s4  }
0xd: {  	[smem:$0x3FA2] =	sst s5  }
0xe: {  	[smem:$0x3FA3] =	sst s6  }
0xf: {  	[smem:$0x3FA4] =	sst s7  }
0x10: {  	[smem:$0x3FA5] =	sst s8  }
0x11: {  	[smem:$0x3FA6] =	sst s9;
	s0 =	simm.s32 @!p0 $0x0  }
0x12: {  	s1 =	sld [smem:$0x3F8C];
	s0 =	simm.s32 @p0 $0x1  }
0x13: {  	[smem:$0x3FA7] =	sst s0;
	s0 =	simm.s32 @!p1 $0x0  }
0x14: {  	s2 =	sld [smem:$0x3F8B];
	s0 =	simm.s32 @p1 $0x1  }
0x15: {  	[smem:$0x3FA8] =	sst s0;
	s0 =	simm.s32 @!p2 $0x0  }
0x16: {  	s3 =	sld [smem:$0x3FDB];
	s0 =	simm.s32 @p2 $0x1  }
0x17: {  	s4 =	simm.s32 $0x1BF5;
	[smem:$0x3FAA] =	sst s0  }
0x18: {  	s0 =	sld [smem:$0x3F8D];
	_ =	swait.ge [sflag:s4], $0x0  }
0x19: {  	s7 =	sld [smem:$0x3F8E]  }
0x1a: {  	s8 =	sadd.s32 $0xFFFFE003, lr  }
0x1b: {  	s9 =	sadd.s32 $0xFFFFFEF7, lr;
	s5 =	simm.s32 $0xFFFFFFFF;
	p2 =	slt.u32 s8, $0xFFFFF086  }
0x1c: {  	p1 =	slt.u32 s9, $0xF7A;
	s5 =	simm.s32 @!p2 $0x0  }
0x1d: {  	s5 =	simm.s32 @p1 $0x1;
	p0 =	seq.s32 s7, s2  }
0x1e: {  	s7 =	smul.u32 @!p0 $0xF7A, s2;
	p2 =	seq.s32 @!p0 s5, $0x0  }
0x1f: {  	s9 =	smul.u32 $0xF7A, s1;
	s8 =	simm.s32 @!p0 $0x1BF5;
	p2 =	por !p2, p0  }
0x20: {  	[sflag:s8] =	ssyncset.s32 @!p0 $0xFFFFF086;
	s6 =	sadd.s32 @!p0 s3, s7;
	s7 =	simm.s32 @!p0 $0x108  }
0x21: {  	s3 =	sadd.s32 s3, s9;
	s6 =	sadd.s32 @!p0 $0x88, s6;
	s7 =	simm.s32 @p2 $0x1082  }
0x22: {  	[simem:s7], [sflag:s8] =	dma.local @!p0 [hbm:s6], $0xF7A  }
0x23: {  	s9 =	sor.u32 $0xD0000000, s2;
	s6 =	simm.s32 $0x108;
	_ =	swait.ge @!p0 [sflag:s8], $0x0  }
0x24: {  	s3 =	sadd.s32 $0x88, s3;
	s6 =	simm.s32 @!p1 $0x1082;
	[sflag:s4] =	ssyncset.s32 $0xFFFFF086  }
0x25: {  	[simem:s6], [sflag:s4] =	dma.local [hbm:s3], $0xF7A  }
0x26: {  	[smem:$0x3F8E] =	sst s1;
	(tag) =	ssettag s2;
	_ =	strace s9  }
0x27: {  	s1 =	sld [smem:$0x3F9E]  }
0x28: {  	s2 =	sld [smem:$0x3F9F]  }
0x29: {  	s4 =	sld [smem:$0x3FA1]  }
0x2a: {  	p0 =	seq.s32 s5, $0x0;
	s5 =	sld [smem:$0x3FA2]  }
0x2b: {  	s6 =	sld [smem:$0x3FA3]  }
0x2c: {  	s7 =	sld [smem:$0x3FA4]  }
0x2d: {  	s3 =	simm.s32 $0x108;
	s8 =	sld [smem:$0x3FA5]  }
0x2e: {  	s3 =	simm.s32 @!p0 $0x1082;
	s9 =	sld [smem:$0x3FA6]  }
0x2f: {  	lr =	sadd.s32 s0, s3;
	s0 =	sld [smem:$0x3F9D]  }
0x30: {  	s3 =	sld [smem:$0x3FA0]  }
0x31: {  	[smem:$0x3FA9] =	sst s10  }
0x32: {  	s10 =	sld [smem:$0x3FA7];
	_ =	sdelay $0x3  }
0x33: {  	p0 =	seq.s32 s10, $0x1;
	s10 =	sld [smem:$0x3FA9];
	_ =	sdelay $0x3  }
0x34: {  	[smem:$0x3FA9] =	sst s10  }
0x35: {  	s10 =	sld [smem:$0x3FA8];
	_ =	sdelay $0x3  }
0x36: {  	p1 =	seq.s32 s10, $0x1;
	s10 =	sld [smem:$0x3FA9];
	_ =	sdelay $0x3  }
0x37: {  	[smem:$0x3FA9] =	sst s10  }
0x38: {  	s10 =	sld [smem:$0x3FAA]  }
0x39: {  	_ = 	snop;
	(pc) =	sbr.ind lr, $3  }
0x3a: {  	_ = 	snop  }
0x3b: {  	_ = 	snop  }
0x3c: {  	p2 =	seq.s32 s10, $0x1;
	s10 =	sld [smem:$0x3FA9]  }
0x3d: {  	_ =	shalt  }
0x3e: {  	_ =	shalt  }
0x3f: {  	_ =	shalt  }
0x40: {  	_ =	shalt  }
0x41: {  	_ =	shalt  }
0x42: {  	_ =	shalt  }
0x43: {  	_ =	shalt  }
0x44: {  	_ =	shalt  }
0x45: {  	_ =	shalt  }
0x46: {  	_ =	shalt  }
0x47: {  	_ =	shalt  }
0x48: {  	_ =	shalt  }
0x49: {  	_ =	shalt  }
0x4a: {  	_ =	shalt  }
0x4b: {  	_ =	shalt  }
0x4c: {  	_ =	shalt  }
0x4d: {  	_ =	shalt  }
0x4e: {  	_ =	shalt  }
0x4f: {  	_ =	shalt  }
0x50: {  	_ =	shalt  }
0x51: {  	_ =	shalt  }
0x52: {  	_ =	shalt  }
0x53: {  	_ =	shalt  }
0x54: {  	_ =	shalt  }
0x55: {  	_ =	shalt  }
0x56: {  	_ =	shalt  }
0x57: {  	_ =	shalt  }
0x58: {  	_ =	shalt  }
0x59: {  	_ =	shalt  }
0x5a: {  	_ =	shalt  }
0x5b: {  	_ =	shalt  }
0x5c: {  	_ =	shalt  }
0x5d: {  	_ =	shalt  }
0x5e: {  	_ =	shalt  }
0x5f: {  	_ =	shalt  }
0x60: {  	_ =	shalt  }
0x61: {  	_ =	shalt  }
0x62: {  	_ =	shalt  }
0x63: {  	_ =	shalt  }
0x64: {  	_ =	shalt  }
0x65: {  	_ =	shalt  }
0x66: {  	_ =	shalt  }
0x67: {  	_ =	shalt  }
0x68: {  	_ =	shalt  }
0x69: {  	_ =	shalt  }
0x6a: {  	_ =	shalt  }
0x6b: {  	_ =	shalt  }
0x6c: {  	_ =	shalt  }
0x6d: {  	_ =	shalt  }
0x6e: {  	_ =	shalt  }
0x6f: {  	_ =	shalt  }
0x70: {  	_ =	shalt  }
0x71: {  	_ =	shalt  }
0x72: {  	_ =	shalt  }
0x73: {  	_ =	shalt  }
0x74: {  	_ =	shalt  }
0x75: {  	_ =	shalt  }
0x76: {  	_ =	shalt  }
0x77: {  	_ =	shalt  }
0x78: {  	_ =	shalt  }
0x79: {  	_ =	shalt  }
0x7a: {  	_ =	shalt  }
0x7b: {  	_ =	shalt  }
0x7c: {  	_ =	shalt  }
0x7d: {  	_ =	shalt  }
0x7e: {  	_ =	shalt  }
0x7f: {  	_ =	shalt  }
0x80: {  	_ =	shalt  }
0x81: {  	_ =	shalt  }
0x82: {  	_ =	shalt  }
0x83: {  	_ =	shalt  }
0x84: {  	_ =	shalt  }
0x85: {  	_ =	shalt  }
0x86: {  	_ =	shalt  }
0x87: {  	_ =	shalt  }
.Lfunc_end0:
.L_simem_size_0:
called_computation.4_lowered:
.L_overlay_start_0:
0x88: {  	s2 =	sld [smem:$0x3FD9]  }
0x89: {  	s3 =	sld [smem:$0x3FFE];
	_ =	sdelay $0x1  }
0x8a: {  	s1 =	srdreg.scid  }
0x8b: {  	s0 =	sand.u32 $0x1, s1  }
0x8c: {  	s16 =	sshll.u32 s0, $0xA;
	s2 =	sadd.s32 s3, s2  }
0x8d: {  	s2 =	sadd.s32 s2, s16  }
0x8e: {  	[smem:$0x3FB5] =	sst s2  }
0x8f: {  	_ = 	snop  }
0x90: {  	(tm) =	ssettm $0x1  }
0x91: {  	s17 =	sld [smem:$0x3FFB];
	_ =	sdelay $0x3  }
0x92: {  	_ =	strace s17  }
0x93: {  	s2 =	sld [smem:$0x3FFC];
	_ =	sdelay $0x3  }
0x94: {  	_ =	strace s2  }
0x95: {  	s2 =	sld [smem:$0x3FFD];
	_ =	sdelay $0x3  }
0x96: {  	_ =	strace s2  }
0x97: {  	_ =	strace $0x8FFFFFFF  }
0x98: {  	s18 =	sld [smem:$0x3FDB];
	_ =	sdelay $0x1  }
0x99: {  	s19 =	simm.s32 $_scs_section_size  }
0x9a: {  	s4 =	simm.s32 $_size__tile_overlayer_lowered;
	s5 =	simm.s32 $_tile_overlayer_lowered  }
0x9b: {  	s22 =	simm.s32 $0x1BFF;
	s21 =	sshll.u32 s5, $0x1;
	s2 =	sadd.s32 s19, s18  }
0x9c: {  	s6 =	simm.s32 $0x0;
	s20 =	sshll.u32 s4, $0x1;
	s4 =	sadd.s32 s21, s2  }
0x9d: {  	[timem:s6], [sflag:s22] =	dma.local [hbm:s4], s20  }
0x9e: {  	_ =	swait.ge [sflag:s22], s20  }
0x9f: {  	s3 =	ssub.s32 $0x0, s20;
	[sflag:s22] =	ssyncset.done $0x0  }
0xa0: {  	[sflag:s22] =	ssyncadd.s32 s3;
	_ =	sdelay $0x1  }
0xa1: {  	s23 =	simm.s32 $0x1B8B  }
0xa2: {  	_ =	swait.ge [sflag:s23], $0x1  }
0xa3: {  	[sflag:s23] =	ssyncset.done $0x0  }
0xa4: {  	s25 =	simm.s32 $0x1B8E;
	s24 =	sld [smem:$0x3FFE];
	[sflag:s23] =	ssyncadd.s32 $0xFFFFFFFF  }
0xa5: {  	s26 =	simm.s32 $execute0_lowered;
	[smem:$0x3FD2] =	sst s25  }
0xa6: {  	s4 =	sshll.u32 s26, $0x1;
	_ =	strace $0x80000052;
	[dreg:$0x1] =	wrdreg $0xFFFFFFFF  }
0xa7: {  	s28 =	simm.s32 $_size_execute0_lowered;
	s2 =	sadd.s32 s2, s4;
	[dreg:$0x0] =	wrdreg $0x0  }
0xa8: {  	s4 =	sshll.u32 s28, $0x1;
	[dreg:$0x2] =	wrdreg s2  }
0xa9: {  	[dreg:$0x3] =	wrdreg s4  }
0xaa: {  	[dreg:$0x4] =	wrdreg $0xC0  }
0xab: {  	_ =	task [dreg:s6], $0x5FFFF  }
0xac: {  	[dreg:$0x1] =	wrdreg $0xFFFFFFFF  }
0xad: {  	[dreg:$0x0] =	wrdreg $0x60  }
0xae: {  	[dreg:$0x2] =	wrdreg s24  }
0xaf: {  	[dreg:$0x3] =	wrdreg $0x41000  }
0xb0: {  	[dreg:$0x4] =	wrdreg $0x9  }
0xb1: {  	_ =	task.clear_ibuf [dreg:s6], $0x5FFFF;
	_ =	strace $0x90000052  }
0xb2: {  	s29 =	simm.s32 $0x9;
	_ =	strace $0x80000054  }
0xb3: {  	_ =	swait.ge [sflag:s29], $0x1  }
0xb4: {  	[sflag:s29] =	ssyncadd.s32 $0xFFFFFFFF  }
0xb5: {  	_ =	strace $0x90000054  }
0xb6: {  	_ =	sfence  }
0xb7: {  	s30 =	sld [smem:$0x0];
	_ =	sdelay $0x2  }
0xb8: {  	s31 =	sshll.u32 s1, $0xD;
	s1 =	sshrl.u32 s1, $0x2  }
0xb9: {  	s3 =	sand.u32 $0x4000, s31;
	s1 =	sadd.s32 s1, s30  }
0xba: {  	s0 =	sor.u32 s3, s0;
	s1 =	sshll.u32 s1, $0x11  }
0xbb: {  	s0 =	sor.u32 s1, s0  }
0xbc: {  	s0 =	sadd.s32 $0x8F2B, s0  }
0xbd: {  	[sflag:s0] =	ssyncadd.remote.s32 $0x1  }
0xbe: {  	_ =	sfence.sel $0xFFFF  }
0xbf: {  	[dreg:$0x0] =	wrdreg $0xFFFFFFFF;
	(pc) =	sbr.abs _section_cstart, $3  }
0xc0: {  	[dreg:$0x1] =	wrdreg $0xFFFFFFFF  }
0xc1: {  	_ =	task.clear_ibuf [dreg:s6], $0x2FFFF;
	_ =	strace $0x9FFFFFFF  }
0xc2: {  	(tm) =	ssettm $0x7FFFFFFF  }
0xc3: {  	_ =	shalt  }
tec
execute0_lowered:
.L_overlay_start_1:
0x0: {  	(tag) =	ssettag $0x1  }
0x1: {  	s11 =	rddreg [dreg:$0x0]  }
0x2: {  	s2 =	rddreg [dreg:$0x1]  }
0x3: {  	s0 =	rddreg [dreg:$0x2];
	s3 =	simm.s32 $0x0;
	s1 =	stileid.u32  }
0x4: {  	s4 =	srdreg.scid;
	[smem:$0x7FF] =	sst s3  }
0x5: {  	s5 =	sshll.u32 s1, $0x7;
	s19 =	sand.u32 $0x1, s4;
	s26 =	sshll.u32 s1, $0xA  }
0x6: {  	s28 =	sshll.u32 s1, $0x6;
	_ =	strace $0x80000053;
	s18 =	sadd.s32 s5, s11  }
0x7: {  	s8 =	sshll.u32 s19, $0x4;
	s6 =	sadd.s32 s26, s2;
	s5 =	sor.u32 $0x1C02, s28  }
0x8: {  	s4 =	sadd.s32 $0x10600, s18;
	s7 =	sshrl.u32 s6, $0x3;
	s6 =	simm.s32 $0x2  }
0x9: {  	[spmem:s7], [sflag:s5] =	dma.local [hbm:s4], $0x80  }
0xa: {  	s8 =	sor.u32 s1, s8;
	_ =	swait.ge [sflag:s6], $0x80  }
0xb: {  	s16 =	smul.u32 $0x30, s8;
	[sflag:s6] =	ssyncset.done $0x0  }
0xc: {  	s17 =	sadd.s32 $0x6200, s11;
	[sflag:s6] =	ssyncadd.s32 $0xFFFFFF80  }
0xd: {  	s8 =	sadd.s32 s17, s16;
	[bflag:$0x0] =	sbarrier.arrive $0xFFFF  }
0xe: {  	[tilespmem:s3], [sflag:$0x2] =	stream.linear.gather [hbm4b:s8+s3], $0x80, $0x38;
	[tilespmem:$0x4500] =	vst v63  }
0xf: {  	_ =	swait.ge [sflag:s6], $0x80  }
0x10: {  	s20 =	sadd.s32 $0x10000, s11;
	[sflag:s6] =	ssyncset.done $0x0  }
0x11: {  	s10 =	simm.s32 $0x80;
	s9 =	sadd.s32 s20, s16;
	[sflag:s6] =	ssyncadd.s32 $0xFFFFFF80  }
0x12: {  	[tilespmem:s10], [sflag:$0x2] =	stream.linear.gather [hbm4b:s9+s3], $0x80, $0x38;
	[tilespmem:$0x4500] =	vst v63  }
0x13: {  	_ =	swait.ge [sflag:s6], $0x80  }
0x14: {  	s12 =	simm.s32 $0x100;
	[sflag:s6] =	ssyncset.done $0x0  }
0x15: {  	s13 =	simm.s32 $0x1;
	s11 =	sadd.s32 $0x42600, s11;
	[sflag:s6] =	ssyncadd.s32 $0xFFFFFF80  }
0x16: {  	[tilespmem:s12], [sflag:$0x1] =	stream.indirect.gather [hbm4b:s11+s10], $0x80, s3, s10, $0xb8;
	[tilespmem:$0x4500] =	vst v63  }
0x17: {  	_ =	swait.ge [sflag:s13], $0x4000  }
0x18: {  	[sflag:s13] =	ssyncset.done $0x0  }
0x19: {  	[sflag:s13] =	ssyncadd.s32 $0xFFFFC000  }
0x1a: {  	[spmem:s2] =	stream.indirect.scatter.add.f32 [tilespmem:s12], [sflag:$0x2], $0x80, s10, s10, $0xb8;
	[tilespmem:$0x4500] =	vst v63  }
0x1b: {  	_ =	swait.ge [sflag:s6], $0x4000  }
0x1c: {  	s15 =	sadd.s32 $0x10, s16;
	[sflag:s6] =	ssyncset.done $0x0  }
0x1d: {  	s14 =	sadd.s32 s17, s15;
	[sflag:s6] =	ssyncadd.s32 $0xFFFFC000  }
0x1e: {  	[tilespmem:s3], [sflag:$0x2] =	stream.linear.gather [hbm4b:s14+s3], $0x80, $0x38;
	[tilespmem:$0x4500] =	vst v63  }
0x1f: {  	_ =	swait.ge [sflag:s6], $0x80  }
0x20: {  	[sflag:s6] =	ssyncset.done $0x0  }
0x21: {  	s15 =	sadd.s32 s20, s15;
	[sflag:s6] =	ssyncadd.s32 $0xFFFFFF80  }
0x22: {  	[tilespmem:s10], [sflag:$0x2] =	stream.linear.gather [hbm4b:s15+s3], $0x80, $0x38;
	[tilespmem:$0x4500] =	vst v63  }
0x23: {  	_ =	swait.ge [sflag:s6], $0x80  }
0x24: {  	[sflag:s6] =	ssyncset.done $0x0  }
0x25: {  	[sflag:s6] =	ssyncadd.s32 $0xFFFFFF80  }
0x26: {  	[tilespmem:s12], [sflag:$0x1] =	stream.indirect.gather [hbm4b:s11+s10], $0x80, s3, s10, $0xb8;
	[tilespmem:$0x4500] =	vst v63  }
0x27: {  	_ =	swait.ge [sflag:s13], $0x4000  }
0x28: {  	[sflag:s13] =	ssyncset.done $0x0  }
0x29: {  	[sflag:s13] =	ssyncadd.s32 $0xFFFFC000  }
0x2a: {  	[spmem:s2] =	stream.indirect.scatter.add.f32 [tilespmem:s12], [sflag:$0x2], $0x80, s10, s10, $0xb8;
	[tilespmem:$0x4500] =	vst v63  }
0x2b: {  	_ =	swait.ge [sflag:s6], $0x4000  }
0x2c: {  	s21 =	sadd.s32 $0x20, s16;
	[sflag:s6] =	ssyncset.done $0x0  }
0x2d: {  	s16 =	sadd.s32 s17, s21;
	[sflag:s6] =	ssyncadd.s32 $0xFFFFC000  }
0x2e: {  	[tilespmem:s3], [sflag:$0x2] =	stream.linear.gather [hbm4b:s16+s3], $0x80, $0x38;
	[tilespmem:$0x4500] =	vst v63  }
0x2f: {  	_ =	swait.ge [sflag:s6], $0x80  }
0x30: {  	[sflag:s6] =	ssyncset.done $0x0  }
0x31: {  	s17 =	sadd.s32 s20, s21;
	[sflag:s6] =	ssyncadd.s32 $0xFFFFFF80  }
0x32: {  	[tilespmem:s10], [sflag:$0x2] =	stream.linear.gather [hbm4b:s17+s3], $0x80, $0x38;
	[tilespmem:$0x4500] =	vst v63  }
0x33: {  	_ =	swait.ge [sflag:s6], $0x80  }
0x34: {  	[sflag:s6] =	ssyncset.done $0x0  }
0x35: {  	[sflag:s6] =	ssyncadd.s32 $0xFFFFFF80  }
0x36: {  	[tilespmem:s12], [sflag:$0x1] =	stream.indirect.gather [hbm4b:s11+s10], $0x80, s3, s10, $0xb8;
	[tilespmem:$0x4500] =	vst v63  }
0x37: {  	s29 =	ssub.s32 $0x2, s19;
	_ =	swait.ge [sflag:s13], $0x4000  }
0x38: {  	s30 =	sshrl.u32 s29, $0x1;
	[sflag:s13] =	ssyncset.done $0x0  }
0x39: {  	s20 =	ssub.s32 s29, s30;
	[sflag:s13] =	ssyncadd.s32 $0xFFFFC000  }
0x3a: {  	[spmem:s2] =	stream.indirect.scatter.add.f32 [tilespmem:s12], [sflag:$0x2], $0x80, s10, s10, $0xb8;
	[tilespmem:$0x4500] =	vst v63  }
0x3b: {  	s31 =	smax.u32 s20, $0x1;
	_ =	swait.ge [sflag:s6], $0x4000  }
0x3c: {  	s19 =	sshll.u32 s19, $0xB;
	p0 =	sne.s32 s31, $0x1;
	[sflag:s6] =	ssyncset.done $0x0  }
.Ltmp0:
0x3d: {  	s18 =	sadd.s32 s19, s18;
	[sflag:s6] =	ssyncadd.s32 $0xFFFFC000;
	(pc) =	sbr.rel @!p0 .LBB2_2-.Ltmp0, $4  }
0x3e: {  	s18 =	sadd.s32 $0x6800, s18;
	[bflag:$0x0] =	sbarrier.arrive $0xFFFF  }
0x3f: {  	[hbm:s18], [sflag:s5] =	dma.local [spmem:s7], $0x80  }
0x40: {  	_ =	swait.ge [sflag:s6], $0x80  }
0x41: {  	s19 =	sadd.s32 $0xFFFFFFFF, s31;
	[sflag:s6] =	ssyncset.done $0x0  }
.LBB2_1:
0x42: {  	p0 =	sne.s32 s19, $0x1;
	s19 =	sadd.s32 $0xFFFFFFFF, s19;
	[sflag:s6] =	ssyncadd.s32 $0xFFFFFF80  }
0x43: {  	[spmem:s7], [sflag:s5] =	dma.local [hbm:s4], $0x80  }
0x44: {  	_ =	swait.ge [sflag:s6], $0x80  }
0x45: {  	[sflag:s6] =	ssyncset.done $0x0  }
0x46: {  	[sflag:s6] =	ssyncadd.s32 $0xFFFFFF80  }
0x47: {  	[bflag:$0x0] =	sbarrier.arrive $0xFFFF  }
0x48: {  	[tilespmem:s3], [sflag:$0x2] =	stream.linear.gather [hbm4b:s8+s3], $0x80, $0x38;
	[tilespmem:$0x4500] =	vst v63  }
0x49: {  	_ =	swait.ge [sflag:s6], $0x80  }
0x4a: {  	[sflag:s6] =	ssyncset.done $0x0  }
0x4b: {  	[sflag:s6] =	ssyncadd.s32 $0xFFFFFF80  }
0x4c: {  	[tilespmem:s10], [sflag:$0x2] =	stream.linear.gather [hbm4b:s9+s3], $0x80, $0x38;
	[tilespmem:$0x4500] =	vst v63  }
0x4d: {  	_ =	swait.ge [sflag:s6], $0x80  }
0x4e: {  	[sflag:s6] =	ssyncset.done $0x0  }
0x4f: {  	[sflag:s6] =	ssyncadd.s32 $0xFFFFFF80  }
0x50: {  	[tilespmem:s12], [sflag:$0x1] =	stream.indirect.gather [hbm4b:s11+s10], $0x80, s3, s10, $0xb8;
	[tilespmem:$0x4500] =	vst v63  }
0x51: {  	_ =	swait.ge [sflag:s13], $0x4000  }
0x52: {  	[sflag:s13] =	ssyncset.done $0x0  }
0x53: {  	[sflag:s13] =	ssyncadd.s32 $0xFFFFC000  }
0x54: {  	[spmem:s2] =	stream.indirect.scatter.add.f32 [tilespmem:s12], [sflag:$0x2], $0x80, s10, s10, $0xb8;
	[tilespmem:$0x4500] =	vst v63  }
0x55: {  	_ =	swait.ge [sflag:s6], $0x4000  }
0x56: {  	[sflag:s6] =	ssyncset.done $0x0  }
0x57: {  	[sflag:s6] =	ssyncadd.s32 $0xFFFFC000  }
0x58: {  	[tilespmem:s3], [sflag:$0x2] =	stream.linear.gather [hbm4b:s14+s3], $0x80, $0x38;
	[tilespmem:$0x4500] =	vst v63  }
0x59: {  	_ =	swait.ge [sflag:s6], $0x80  }
0x5a: {  	[sflag:s6] =	ssyncset.done $0x0  }
0x5b: {  	[sflag:s6] =	ssyncadd.s32 $0xFFFFFF80  }
0x5c: {  	[tilespmem:s10], [sflag:$0x2] =	stream.linear.gather [hbm4b:s15+s3], $0x80, $0x38;
	[tilespmem:$0x4500] =	vst v63  }
0x5d: {  	_ =	swait.ge [sflag:s6], $0x80  }
0x5e: {  	[sflag:s6] =	ssyncset.done $0x0  }
0x5f: {  	[sflag:s6] =	ssyncadd.s32 $0xFFFFFF80  }
0x60: {  	[tilespmem:s12], [sflag:$0x1] =	stream.indirect.gather [hbm4b:s11+s10], $0x80, s3, s10, $0xb8;
	[tilespmem:$0x4500] =	vst v63  }
0x61: {  	_ =	swait.ge [sflag:s13], $0x4000  }
0x62: {  	[sflag:s13] =	ssyncset.done $0x0  }
0x63: {  	[sflag:s13] =	ssyncadd.s32 $0xFFFFC000  }
0x64: {  	[spmem:s2] =	stream.indirect.scatter.add.f32 [tilespmem:s12], [sflag:$0x2], $0x80, s10, s10, $0xb8;
	[tilespmem:$0x4500] =	vst v63  }
0x65: {  	_ =	swait.ge [sflag:s6], $0x4000  }
0x66: {  	[sflag:s6] =	ssyncset.done $0x0  }
0x67: {  	[sflag:s6] =	ssyncadd.s32 $0xFFFFC000  }
0x68: {  	[tilespmem:s3], [sflag:$0x2] =	stream.linear.gather [hbm4b:s16+s3], $0x80, $0x38;
	[tilespmem:$0x4500] =	vst v63  }
0x69: {  	_ =	swait.ge [sflag:s6], $0x80  }
0x6a: {  	[sflag:s6] =	ssyncset.done $0x0  }
0x6b: {  	[sflag:s6] =	ssyncadd.s32 $0xFFFFFF80  }
0x6c: {  	[tilespmem:s10], [sflag:$0x2] =	stream.linear.gather [hbm4b:s17+s3], $0x80, $0x38;
	[tilespmem:$0x4500] =	vst v63  }
0x6d: {  	_ =	swait.ge [sflag:s6], $0x80  }
0x6e: {  	[sflag:s6] =	ssyncset.done $0x0  }
0x6f: {  	[sflag:s6] =	ssyncadd.s32 $0xFFFFFF80  }
0x70: {  	[tilespmem:s12], [sflag:$0x1] =	stream.indirect.gather [hbm4b:s11+s10], $0x80, s3, s10, $0xb8;
	[tilespmem:$0x4500] =	vst v63  }
0x71: {  	_ =	swait.ge [sflag:s13], $0x4000  }
0x72: {  	[sflag:s13] =	ssyncset.done $0x0  }
0x73: {  	[sflag:s13] =	ssyncadd.s32 $0xFFFFC000  }
0x74: {  	[spmem:s2] =	stream.indirect.scatter.add.f32 [tilespmem:s12], [sflag:$0x2], $0x80, s10, s10, $0xb8;
	[tilespmem:$0x4500] =	vst v63  }
0x75: {  	_ =	swait.ge [sflag:s6], $0x4000  }
0x76: {  	[sflag:s6] =	ssyncset.done $0x0  }
.Ltmp1:
0x77: {  	[sflag:s6] =	ssyncadd.s32 $0xFFFFC000;
	(pc) =	sbr.rel @p0 .LBB2_1-.Ltmp1, $4  }
0x78: {  	[bflag:$0x0] =	sbarrier.arrive $0xFFFF  }
0x79: {  	[hbm:s18], [sflag:s5] =	dma.local [spmem:s7], $0x80  }
0x7a: {  	_ =	swait.ge [sflag:s6], $0x80  }
0x7b: {  	[sflag:s6] =	ssyncset.done $0x0  }
.LBB2_2:
0x7c: {  	[sflag:s6] =	ssyncadd.s32 $0xFFFFFF80  }
0x7d: {  	_ =	sfence.sel $0x180000  }
0x7e: {  	[bflag:$0x0] =	sbarrier.arrive $0xFFFF  }
0x7f: {  	p0 =	sne.s32 s1, $0x0;
	_ =	strace $0x90000053  }
0x80: {  	s0 =	sadd.s32 @!p0 $0x100000, s0;
	[bflag:$0x2] =	sbarrier.arrive $0xFFFF  }
0x81: {  	[sflag:s0] =	ssyncadd.tile.s32 @!p0 $0x1;
	_ =	shalt  }
.Lfunc_end2:
_tile_overlayer_lowered:
.L_overlay_start_2:
0x82: {  	(tag) =	ssettag $0x2  }
0x83: {  	s0 =	rddreg [dreg:$0x0];
	s2 =	stileid.u32  }
0x84: {  	s1 =	rddreg [dreg:$0x1];
	p0 =	sne.s32 s2, $0x0  }
0x85: {  	s3 =	rddreg [dreg:$0x2];
	[bflag:$0x3] =	sbarrier.arrive $0xFFFF;
	s2 =	simm.s32 @!p0 $0x1C02  }
0x86: {  	[timem:s3], [sflag:s2] =	dma.local @!p0 [hbm:s0], s1  }
0x87: {  	s0 =	simm.s32 @!p0 $0x2  }
0x88: {  	_ =	swait.ge @!p0 [sflag:s0], s1  }
0x89: {  	s1 =	ssub.s32 @!p0 $0x0, s1;
	[sflag:s0] =	ssyncset.done @!p0 $0x0  }
0x8a: {  	[sflag:s0] =	ssyncadd.s32 @!p0 s1  }
0x8b: {  	[bflag:$0x3] =	sbarrier.arrive $0xFFFF  }
0x8c: {  	_ =	shalt  }

</sc_bundles>
